<compile_context>
chip_gen: v7x
topology: tpu7x:2x2x1
jax: 0.10.2.dev20260603
libtpu: 0.0.44.dev20260713+nightly
codegen_flags: <defaults>
</compile_context>

<pallas_src>
import functools

import jax
import jax.numpy as jnp
from jax import lax
from jax.experimental import pallas as pl
from jax.experimental.pallas import tpu as pltpu
from jax.experimental.pallas import tpu_sc as plsc

N = 10000
D = 128
K = 112
NC = 2
NS = 16
NW = NC * NS
F0 = 0.5
ROWS_PER_TILE = N // NS


def _matvec_body(x_ref, w_ref, o_ref):
    o_ref[...] = jax.lax.dot_general(
        w_ref[...], x_ref[...], (((1,), (1,)), ((), ())),
        preferred_element_type=jnp.float32)


def _combine_body(p_ref, o_ref):
    o_ref[...] = p_ref[0] + p_ref[1]


def _sc_body(nch0, nch1, x_hbm, edata, dstp, a2_hbm, out_hbm,
             h_sh, asrc_v, adst_v, eb, dstb, coeff_v, xr,
             sem_e, sem_g, sem_s):
    c = lax.axis_index("c")
    s = lax.axis_index("s")
    nch = jnp.where(c == 0, nch0, nch1)
    cbase = s * (nch0 + nch1) + c * nch0
    ebase = cbase * K

    pltpu.sync_copy(a2_hbm.at[0], asrc_v)
    pltpu.sync_copy(a2_hbm.at[1], adst_v)

    @pl.loop(0, K, unroll=4)
    def _zero(r):
        for t in range(D // 16):
            xr[0, r, pl.ds(t * 16, 16)] = jnp.zeros((16,), jnp.float32)

    nfull = ROWS_PER_TILE // K
    rem = ROWS_PER_TILE - nfull * K
    for z in range(nfull):
        pltpu.sync_copy(xr.at[0], h_sh.at[pl.ds(s * ROWS_PER_TILE + z * K, K)])
    if rem:
        pltpu.sync_copy(xr.at[0, pl.ds(0, rem)],
                        h_sh.at[pl.ds(s * ROWS_PER_TILE + nfull * K, rem)])
    plsc.subcore_barrier()

    def issue_ed(ci, be, bd):
        pltpu.async_copy(edata.at[cbase + ci], eb.at[be], sem_e)
        pltpu.async_copy(dstp.at[pl.ds(ebase + ci * K, K)], dstb.at[bd], sem_e)

    def drain_ed():
        pltpu.make_async_copy(edata.at[cbase], eb.at[0], sem_e).wait()
        pltpu.make_async_copy(dstp.at[pl.ds(ebase, K)], dstb.at[0], sem_e).wait()

    def issue_gather(ci, be, bx):
        pltpu.async_copy(x_hbm.at[eb.at[be, 0]], xr.at[bx], sem_g)

    def drain_gather():
        pltpu.make_async_copy(x_hbm.at[eb.at[0, 0]], xr.at[0], sem_g).wait()

    def drain_scatter():
        pltpu.make_async_copy(xr.at[0], h_sh.at[dstb.at[0]], sem_s).wait()

    pltpu.sync_copy(edata.at[cbase], eb.at[0])
    pltpu.sync_copy(dstp.at[pl.ds(ebase, K)], dstb.at[0])
    issue_ed(jnp.minimum(1, nch - 1), 1 % 3, 1 % 4)
    issue_gather(0, 0, 0)

    @pl.loop(0, nch)
    def _chunk(i):
        b3 = lax.rem(i, 3)
        b4 = lax.rem(i, 4)
        b2 = lax.rem(i, 2)

        issue_ed(jnp.minimum(i + 2, nch - 1), lax.rem(i + 2, 3), lax.rem(i + 2, 4))

        for t in range(K // 16):
            sl = pl.ds(t * 16, 16)
            s16 = eb[b3, 0, sl]
            ew16 = plsc.bitcast(eb[b3, 1, sl], jnp.float32)
            d16 = dstb[b4, sl]
            a_s = plsc.load_gather(asrc_v, [s16])
            a_d = plsc.load_gather(adst_v, [d16])
            z = a_s + a_d
            th = 1.0 - 2.0 / (jnp.exp(z + z) + 1.0)
            coeff_v[sl] = th * ew16

        drain_ed()

        @pl.when(i >= 1)
        def _():
            drain_scatter()

        issue_gather(jnp.minimum(i + 1, nch - 1), lax.rem(i + 1, 3), lax.rem(i + 1, 2))

        drain_gather()

        @pl.loop(0, K, unroll=4)
        def _scale(j):
            cvec = plsc.load_gather(coeff_v, [jnp.full((16,), j, jnp.int32)])
            for t in range(D // 16):
                sl = pl.ds(t * 16, 16)
                xr[b2, j, sl] = xr[b2, j, sl] * cvec

        pltpu.async_copy(xr.at[b2], h_sh.at[dstb.at[b4]], sem_s, add=True)

    drain_scatter()
    drain_gather()
    drain_ed()

    plsc.subcore_barrier()

    pltpu.sync_copy(h_sh.at[pl.ds(s * ROWS_PER_TILE, ROWS_PER_TILE)],
                    out_hbm.at[c, pl.ds(s * ROWS_PER_TILE, ROWS_PER_TILE)])


def kernel(x, edge_index, ew, w_src, w_dst):
    E = ew.shape[0]
    src = edge_index[0].astype(jnp.int32)
    dst = edge_index[1].astype(jnp.int32)

    t_per_s = -(-E // (NS * K))
    nch0 = max(1, round(t_per_s * F0))
    nch1 = t_per_s - nch0
    e_pad = t_per_s * NS * K
    pad = e_pad - E
    if pad:
        src = jnp.concatenate([src, jnp.zeros((pad,), jnp.int32)])
        dst = jnp.concatenate([dst, jnp.zeros((pad,), jnp.int32)])
        ew = jnp.concatenate([ew, jnp.zeros((pad,), jnp.float32)])
    ewbits = lax.bitcast_convert_type(ew, jnp.int32)
    edata = jnp.stack([src.reshape(-1, K), ewbits.reshape(-1, K)], axis=1)

    wb = jnp.stack([w_src, w_dst])
    a2 = pl.pallas_call(
        _matvec_body,
        out_shape=jax.ShapeDtypeStruct((2, N), jnp.float32),
    )(x, wb)

    sc = pl.kernel(
        functools.partial(_sc_body, nch0, nch1),
        out_type=jax.ShapeDtypeStruct((NC, N, D), jnp.float32),
        mesh=plsc.VectorSubcoreMesh(core_axis_name="c", subcore_axis_name="s"),
        compiler_params=pltpu.CompilerParams(
            use_tc_tiling_on_sc=False, needs_layout_passes=False),
        scratch_types=[
            pltpu.VMEM_SHARED((N, D), jnp.float32),
            pltpu.VMEM((N,), jnp.float32),
            pltpu.VMEM((N,), jnp.float32),
            pltpu.VMEM((3, 2, K), jnp.int32),
            pltpu.VMEM((4, K), jnp.int32),
            pltpu.VMEM((K,), jnp.float32),
            pltpu.VMEM((2, K, D), jnp.float32),
            pltpu.SemaphoreType.DMA,
            pltpu.SemaphoreType.DMA,
            pltpu.SemaphoreType.DMA,
        ],
    )
    partials = sc(x, edata, dst, a2)

    blk = 1000
    h = pl.pallas_call(
        _combine_body,
        grid=(N // blk,),
        in_specs=[pl.BlockSpec((NC, blk, D), lambda i: (0, i, 0))],
        out_specs=pl.BlockSpec((blk, D), lambda i: (i, 0)),
        out_shape=jax.ShapeDtypeStruct((N, D), jnp.float32),
    )(partials)
    return h

# --- scband reference (transcript-rebuilt; emitter-appended) ---
"""Pipeline reference for scband-fagcn-29291676959276 (READ-ONLY COPY).

The authoritative reference and input builder live on the scoring server;
editing this copy changes nothing except your own understanding.
"""

import jax, jax.numpy as jnp
import numpy as np


def setup_inputs(seed: int = 0) -> dict:
    key = jax.random.key(seed)
    ks = jax.random.split(key, 5)
    N, E, D = 10000, 320000, 128
    x = jax.random.normal(ks[0], (N, D), dtype=jnp.float32)
    edge_index = jax.random.randint(ks[1], (2, E), 0, N)
    ew = jax.random.uniform(ks[2], (E,), dtype=jnp.float32)
    # Learned params: Linear(emb_dim, 1, bias=False) x2 -> weight vectors of shape [D]
    w_src = jax.random.normal(ks[3], (D,), dtype=jnp.float32) / np.sqrt(D)
    w_dst = jax.random.normal(ks[4], (D,), dtype=jnp.float32) / np.sqrt(D)
    return {"x": x, "edge_index": edge_index, "ew": ew, "w_src": w_src, "w_dst": w_dst}


def reference(x, edge_index, ew, w_src, w_dst):
    # Single DGL block (full graph): FAGCN layer
    src = edge_index[0]
    dst = edge_index[1]
    N = x.shape[0]
    # per-node attention scalars (Linear(D,1,bias=False).squeeze())
    a_src_node = x @ w_src  # [N]
    a_dst_node = x @ w_dst  # [N]
    # apply_edges: u_add_v('a_src', 'a_dst', 'a')
    a = a_src_node[src] + a_dst_node[dst]  # [E]
    # edata['a'] = tanh(a) * edata['ew']
    a = jnp.tanh(a) * ew  # [E]
    # update_all: u_mul_e('h','a','m'), sum reduce at dst
    m = x[src] * a[:, None]  # [E, D]
    h = jax.ops.segment_sum(m, dst, num_segments=N)  # [N, D]
    return h

if __name__ == "__main__":
    import jax
    _d = setup_inputs()
    print(jax.jit(kernel)(*tuple(_d.values())))

</pallas_src>

<mosaic_0001>
#map = affine_map<(d0, d1) -> (0, 0)>
#map1 = affine_map<(d0, d1) -> (0, 0, 0)>
#map2 = affine_map<(d0, d1) -> (0)>
module attributes {stable_mosaic.version = 14 : i64} {
  func.func @_sc_body(%arg0: i32, %arg1: i32, %arg2: memref<10000x128xf32, #tpu.memory_space<hbm>>, %arg3: memref<2864x2x112xi32, #tpu.memory_space<hbm>>, %arg4: memref<320768xi32, #tpu.memory_space<hbm>>, %arg5: memref<2x10000xf32, #tpu.memory_space<hbm>>, %arg6: memref<2x10000x128xf32, #tpu.memory_space<hbm>>, %arg7: memref<10000x128xf32, #tpu.memory_space<vmem_shared>>, %arg8: memref<10000xf32, #tpu.memory_space<vmem>>, %arg9: memref<10000xf32, #tpu.memory_space<vmem>>, %arg10: memref<3x2x112xi32, #tpu.memory_space<vmem>>, %arg11: memref<4x112xi32, #tpu.memory_space<vmem>>, %arg12: memref<112xf32, #tpu.memory_space<vmem>>, %arg13: memref<2x112x128xf32, #tpu.memory_space<vmem>>, %arg14: memref<!tpu.dma_semaphore, #tpu.memory_space<semaphore_mem>>, %arg15: memref<!tpu.dma_semaphore, #tpu.memory_space<semaphore_mem>>, %arg16: memref<!tpu.dma_semaphore, #tpu.memory_space<semaphore_mem>>) attributes {dimension_semantics = [#tpu.dimension_semantics<core_parallel>, #tpu.dimension_semantics<subcore_parallel>], iteration_bounds = array<i64: 2, 16>, scalar_prefetch = 0 : i64, scratch_operands = 10 : i64, tpu.core_type = #tpu.core_type<sc_vector_subcore>, window_params = [{transform_indices = #map}, {transform_indices = #map1}, {transform_indices = #map2}, {transform_indices = #map}, {transform_indices = #map1}]} {
    %eq3A = arith.constant 0 : i32
    %eq3A_0 = arith.cmpi eq, %arg0, %eq3A : i32
    %jit3A = arith.constant 90 : i32
    %jit3A_1 = arith.constant 89 : i32
    %select_n3A = arith.select %eq3A_0, %jit3A, %jit3A_1 : i32
    %mul3A = arith.constant 179 : i32
    %mul3A_2 = arith.muli %arg1, %mul3A : i32
    %mul3A_3 = arith.constant 90 : i32
    %mul3A_4 = arith.muli %arg0, %mul3A_3 : i32
    %add3A = arith.addi %mul3A_2, %mul3A_4 : i32
    %mul3A_5 = arith.constant 112 : i32
    %mul3A_6 = arith.muli %add3A, %mul3A_5 : i32
    %run_scoped3A = arith.constant 0 : i32
    "tpu.region"() ({
      %run_scoped3A_160 = tpu.sem_alloc : memref<!tpu.dma_semaphore, #tpu.memory_space<semaphore_mem>>
      %dma_start3A_161 = arith.constant 0 : i32
      %dma_start3A_162 = tpu.memref_slice %arg5[%run_scoped3A, %dma_start3A_161] : memref<2x10000xf32, #tpu.memory_space<hbm>> -> memref<1x10000xf32, #tpu.memory_space<hbm>>
      %dma_start3A_163 = tpu.memref_squeeze %dma_start3A_162 : memref<1x10000xf32, #tpu.memory_space<hbm>> -> memref<10000xf32, #tpu.memory_space<hbm>>
      %dma_start3A_164 = arith.constant 0 : i32
      %dma_start3A_165 = tpu.memref_slice %arg5[%run_scoped3A, %dma_start3A_164] : memref<2x10000xf32, #tpu.memory_space<hbm>> -> memref<1x10000xf32, #tpu.memory_space<hbm>>
      %dma_start3A_166 = tpu.memref_squeeze %dma_start3A_165 : memref<1x10000xf32, #tpu.memory_space<hbm>> -> memref<10000xf32, #tpu.memory_space<hbm>>
      tpu.enqueue_dma source(%dma_start3A_166 : memref<10000xf32, #tpu.memory_space<hbm>>) target(%arg8 : memref<10000xf32, #tpu.memory_space<vmem>>) target_semaphore(%run_scoped3A_160 : memref<!tpu.dma_semaphore, #tpu.memory_space<semaphore_mem>>)
      %dma_wait3A_167 = arith.constant 0 : i32
      %dma_wait3A_168 = tpu.memref_slice %arg5[%run_scoped3A, %dma_wait3A_167] : memref<2x10000xf32, #tpu.memory_space<hbm>> -> memref<1x10000xf32, #tpu.memory_space<hbm>>
      %dma_wait3A_169 = tpu.memref_squeeze %dma_wait3A_168 : memref<1x10000xf32, #tpu.memory_space<hbm>> -> memref<10000xf32, #tpu.memory_space<hbm>>
      %dma_wait3A_170 = arith.constant 0 : i32
      %dma_wait3A_171 = tpu.memref_slice %arg5[%run_scoped3A, %dma_wait3A_170] : memref<2x10000xf32, #tpu.memory_space<hbm>> -> memref<1x10000xf32, #tpu.memory_space<hbm>>
      %dma_wait3A_172 = tpu.memref_squeeze %dma_wait3A_171 : memref<1x10000xf32, #tpu.memory_space<hbm>> -> memref<10000xf32, #tpu.memory_space<hbm>>
      tpu.wait_dma2 semaphore(%run_scoped3A_160 : memref<!tpu.dma_semaphore, #tpu.memory_space<semaphore_mem>>) src(%dma_wait3A_172 : memref<10000xf32, #tpu.memory_space<hbm>>) dst(%arg8 : memref<10000xf32, #tpu.memory_space<vmem>>)
      tpu.yield
    }) : () -> ()
    %run_scoped3A_7 = arith.constant 1 : i32
    "tpu.region"() ({
      %run_scoped3A_160 = tpu.sem_alloc : memref<!tpu.dma_semaphore, #tpu.memory_space<semaphore_mem>>
      %dma_start3A_161 = arith.constant 0 : i32
      %dma_start3A_162 = tpu.memref_slice %arg5[%run_scoped3A_7, %dma_start3A_161] : memref<2x10000xf32, #tpu.memory_space<hbm>> -> memref<1x10000xf32, #tpu.memory_space<hbm>>
      %dma_start3A_163 = tpu.memref_squeeze %dma_start3A_162 : memref<1x10000xf32, #tpu.memory_space<hbm>> -> memref<10000xf32, #tpu.memory_space<hbm>>
      %dma_start3A_164 = arith.constant 0 : i32
      %dma_start3A_165 = tpu.memref_slice %arg5[%run_scoped3A_7, %dma_start3A_164] : memref<2x10000xf32, #tpu.memory_space<hbm>> -> memref<1x10000xf32, #tpu.memory_space<hbm>>
      %dma_start3A_166 = tpu.memref_squeeze %dma_start3A_165 : memref<1x10000xf32, #tpu.memory_space<hbm>> -> memref<10000xf32, #tpu.memory_space<hbm>>
      tpu.enqueue_dma source(%dma_start3A_166 : memref<10000xf32, #tpu.memory_space<hbm>>) target(%arg9 : memref<10000xf32, #tpu.memory_space<vmem>>) target_semaphore(%run_scoped3A_160 : memref<!tpu.dma_semaphore, #tpu.memory_space<semaphore_mem>>)
      %dma_wait3A_167 = arith.constant 0 : i32
      %dma_wait3A_168 = tpu.memref_slice %arg5[%run_scoped3A_7, %dma_wait3A_167] : memref<2x10000xf32, #tpu.memory_space<hbm>> -> memref<1x10000xf32, #tpu.memory_space<hbm>>
      %dma_wait3A_169 = tpu.memref_squeeze %dma_wait3A_168 : memref<1x10000xf32, #tpu.memory_space<hbm>> -> memref<10000xf32, #tpu.memory_space<hbm>>
      %dma_wait3A_170 = arith.constant 0 : i32
      %dma_wait3A_171 = tpu.memref_slice %arg5[%run_scoped3A_7, %dma_wait3A_170] : memref<2x10000xf32, #tpu.memory_space<hbm>> -> memref<1x10000xf32, #tpu.memory_space<hbm>>
      %dma_wait3A_172 = tpu.memref_squeeze %dma_wait3A_171 : memref<1x10000xf32, #tpu.memory_space<hbm>> -> memref<10000xf32, #tpu.memory_space<hbm>>
      tpu.wait_dma2 semaphore(%run_scoped3A_160 : memref<!tpu.dma_semaphore, #tpu.memory_space<semaphore_mem>>) src(%dma_wait3A_172 : memref<10000xf32, #tpu.memory_space<hbm>>) dst(%arg9 : memref<10000xf32, #tpu.memory_space<vmem>>)
      tpu.yield
    }) : () -> ()
    %scan3A = arith.constant 0 : i32
    %scan3A_8 = arith.constant 112 : i32
    %scan3A_9 = arith.addi %scan3A, %scan3A_8 : i32
    %scan3A_10 = arith.constant 4 : i32
    scf.for %scan3A_160 = %scan3A to %scan3A_9 step %scan3A_10  : i32 {
      %mul3A_161 = arith.constant 1 : i32
      %mul3A_162 = arith.muli %scan3A_160, %mul3A_161 : i32
      %add3A_163 = arith.constant 0 : i32
      %add3A_164 = arith.addi %add3A_163, %mul3A_162 : i32
      %broadcast_in_dim3A = arith.constant 0.000000e+00 : f32
      %broadcast_in_dim3A_165 = vector.broadcast %broadcast_in_dim3A : f32 to vector<16xf32>
      %swap3A = arith.constant 0 : i32
      %swap3A_166 = arith.index_cast %swap3A : i32 to index
      %swap3A_167 = arith.index_cast %add3A_164 : i32 to index
      %swap3A_168 = arith.constant 0 : index
      %swap3A_169 = tpu.vector_load %arg13[%swap3A_166, %swap3A_167, %swap3A_168] {strides = array<i32>} : memref<2x112x128xf32, #tpu.memory_space<vmem>>, vector<16xf32>,
      tpu.vector_store %arg13[%swap3A_166, %swap3A_167, %swap3A_168], %broadcast_in_dim3A_165 {strides = array<i32>} : memref<2x112x128xf32, #tpu.memory_space<vmem>>, vector<16xf32>,
      %broadcast_in_dim3A_170 = arith.constant 0.000000e+00 : f32
      %broadcast_in_dim3A_171 = vector.broadcast %broadcast_in_dim3A_170 : f32 to vector<16xf32>
      %swap3A_172 = arith.constant 0 : i32
      %swap3A_173 = arith.index_cast %swap3A_172 : i32 to index
      %swap3A_174 = arith.index_cast %add3A_164 : i32 to index
      %swap3A_175 = arith.constant 16 : index
      %swap3A_176 = tpu.vector_load %arg13[%swap3A_173, %swap3A_174, %swap3A_175] {strides = array<i32>} : memref<2x112x128xf32, #tpu.memory_space<vmem>>, vector<16xf32>,
      tpu.vector_store %arg13[%swap3A_173, %swap3A_174, %swap3A_175], %broadcast_in_dim3A_171 {strides = array<i32>} : memref<2x112x128xf32, #tpu.memory_space<vmem>>, vector<16xf32>,
      %broadcast_in_dim3A_177 = arith.constant 0.000000e+00 : f32
      %broadcast_in_dim3A_178 = vector.broadcast %broadcast_in_dim3A_177 : f32 to vector<16xf32>
      %swap3A_179 = arith.constant 0 : i32
      %swap3A_180 = arith.index_cast %swap3A_179 : i32 to index
      %swap3A_181 = arith.index_cast %add3A_164 : i32 to index
      %swap3A_182 = arith.constant 32 : index
      %swap3A_183 = tpu.vector_load %arg13[%swap3A_180, %swap3A_181, %swap3A_182] {strides = array<i32>} : memref<2x112x128xf32, #tpu.memory_space<vmem>>, vector<16xf32>,
      tpu.vector_store %arg13[%swap3A_180, %swap3A_181, %swap3A_182], %broadcast_in_dim3A_178 {strides = array<i32>} : memref<2x112x128xf32, #tpu.memory_space<vmem>>, vector<16xf32>,
      %broadcast_in_dim3A_184 = arith.constant 0.000000e+00 : f32
      %broadcast_in_dim3A_185 = vector.broadcast %broadcast_in_dim3A_184 : f32 to vector<16xf32>
      %swap3A_186 = arith.constant 0 : i32
      %swap3A_187 = arith.index_cast %swap3A_186 : i32 to index
      %swap3A_188 = arith.index_cast %add3A_164 : i32 to index
      %swap3A_189 = arith.constant 48 : index
      %swap3A_190 = tpu.vector_load %arg13[%swap3A_187, %swap3A_188, %swap3A_189] {strides = array<i32>} : memref<2x112x128xf32, #tpu.memory_space<vmem>>, vector<16xf32>,
      tpu.vector_store %arg13[%swap3A_187, %swap3A_188, %swap3A_189], %broadcast_in_dim3A_185 {strides = array<i32>} : memref<2x112x128xf32, #tpu.memory_space<vmem>>, vector<16xf32>,
      %broadcast_in_dim3A_191 = arith.constant 0.000000e+00 : f32
      %broadcast_in_dim3A_192 = vector.broadcast %broadcast_in_dim3A_191 : f32 to vector<16xf32>
      %swap3A_193 = arith.constant 0 : i32
      %swap3A_194 = arith.index_cast %swap3A_193 : i32 to index
      %swap3A_195 = arith.index_cast %add3A_164 : i32 to index
      %swap3A_196 = arith.constant 64 : index
      %swap3A_197 = tpu.vector_load %arg13[%swap3A_194, %swap3A_195, %swap3A_196] {strides = array<i32>} : memref<2x112x128xf32, #tpu.memory_space<vmem>>, vector<16xf32>,
      tpu.vector_store %arg13[%swap3A_194, %swap3A_195, %swap3A_196], %broadcast_in_dim3A_192 {strides = array<i32>} : memref<2x112x128xf32, #tpu.memory_space<vmem>>, vector<16xf32>,
      %broadcast_in_dim3A_198 = arith.constant 0.000000e+00 : f32
      %broadcast_in_dim3A_199 = vector.broadcast %broadcast_in_dim3A_198 : f32 to vector<16xf32>
      %swap3A_200 = arith.constant 0 : i32
      %swap3A_201 = arith.index_cast %swap3A_200 : i32 to index
      %swap3A_202 = arith.index_cast %add3A_164 : i32 to index
      %swap3A_203 = arith.constant 80 : index
      %swap3A_204 = tpu.vector_load %arg13[%swap3A_201, %swap3A_202, %swap3A_203] {strides = array<i32>} : memref<2x112x128xf32, #tpu.memory_space<vmem>>, vector<16xf32>,
      tpu.vector_store %arg13[%swap3A_201, %swap3A_202, %swap3A_203], %broadcast_in_dim3A_199 {strides = array<i32>} : memref<2x112x128xf32, #tpu.memory_space<vmem>>, vector<16xf32>,
      %broadcast_in_dim3A_205 = arith.constant 0.000000e+00 : f32
      %broadcast_in_dim3A_206 = vector.broadcast %broadcast_in_dim3A_205 : f32 to vector<16xf32>
      %swap3A_207 = arith.constant 0 : i32
      %swap3A_208 = arith.index_cast %swap3A_207 : i32 to index
      %swap3A_209 = arith.index_cast %add3A_164 : i32 to index
      %swap3A_210 = arith.constant 96 : index
      %swap3A_211 = tpu.vector_load %arg13[%swap3A_208, %swap3A_209, %swap3A_210] {strides = array<i32>} : memref<2x112x128xf32, #tpu.memory_space<vmem>>, vector<16xf32>,
      tpu.vector_store %arg13[%swap3A_208, %swap3A_209, %swap3A_210], %broadcast_in_dim3A_206 {strides = array<i32>} : memref<2x112x128xf32, #tpu.memory_space<vmem>>, vector<16xf32>,
      %broadcast_in_dim3A_212 = arith.constant 0.000000e+00 : f32
      %broadcast_in_dim3A_213 = vector.broadcast %broadcast_in_dim3A_212 : f32 to vector<16xf32>
      %swap3A_214 = arith.constant 0 : i32
      %swap3A_215 = arith.index_cast %swap3A_214 : i32 to index
      %swap3A_216 = arith.index_cast %add3A_164 : i32 to index
      %swap3A_217 = arith.constant 112 : index
      %swap3A_218 = tpu.vector_load %arg13[%swap3A_215, %swap3A_216, %swap3A_217] {strides = array<i32>} : memref<2x112x128xf32, #tpu.memory_space<vmem>>, vector<16xf32>,
      tpu.vector_store %arg13[%swap3A_215, %swap3A_216, %swap3A_217], %broadcast_in_dim3A_213 {strides = array<i32>} : memref<2x112x128xf32, #tpu.memory_space<vmem>>, vector<16xf32>,
      %scan3A_219 = arith.constant 1 : i32
      %scan3A_220 = arith.addi %scan3A_160, %scan3A_219 : i32
      %mul3A_221 = arith.constant 1 : i32
      %mul3A_222 = arith.muli %scan3A_220, %mul3A_221 : i32
      %add3A_223 = arith.constant 0 : i32
      %add3A_224 = arith.addi %add3A_223, %mul3A_222 : i32
      %broadcast_in_dim3A_225 = arith.constant 0.000000e+00 : f32
      %broadcast_in_dim3A_226 = vector.broadcast %broadcast_in_dim3A_225 : f32 to vector<16xf32>
      %swap3A_227 = arith.constant 0 : i32
      %swap3A_228 = arith.index_cast %swap3A_227 : i32 to index
      %swap3A_229 = arith.index_cast %add3A_224 : i32 to index
      %swap3A_230 = arith.constant 0 : index
      %swap3A_231 = tpu.vector_load %arg13[%swap3A_228, %swap3A_229, %swap3A_230] {strides = array<i32>} : memref<2x112x128xf32, #tpu.memory_space<vmem>>, vector<16xf32>,
      tpu.vector_store %arg13[%swap3A_228, %swap3A_229, %swap3A_230], %broadcast_in_dim3A_226 {strides = array<i32>} : memref<2x112x128xf32, #tpu.memory_space<vmem>>, vector<16xf32>,
      %broadcast_in_dim3A_232 = arith.constant 0.000000e+00 : f32
      %broadcast_in_dim3A_233 = vector.broadcast %broadcast_in_dim3A_232 : f32 to vector<16xf32>
      %swap3A_234 = arith.constant 0 : i32
      %swap3A_235 = arith.index_cast %swap3A_234 : i32 to index
      %swap3A_236 = arith.index_cast %add3A_224 : i32 to index
      %swap3A_237 = arith.constant 16 : index
      %swap3A_238 = tpu.vector_load %arg13[%swap3A_235, %swap3A_236, %swap3A_237] {strides = array<i32>} : memref<2x112x128xf32, #tpu.memory_space<vmem>>, vector<16xf32>,
      tpu.vector_store %arg13[%swap3A_235, %swap3A_236, %swap3A_237], %broadcast_in_dim3A_233 {strides = array<i32>} : memref<2x112x128xf32, #tpu.memory_space<vmem>>, vector<16xf32>,
      %broadcast_in_dim3A_239 = arith.constant 0.000000e+00 : f32
      %broadcast_in_dim3A_240 = vector.broadcast %broadcast_in_dim3A_239 : f32 to vector<16xf32>
      %swap3A_241 = arith.constant 0 : i32
      %swap3A_242 = arith.index_cast %swap3A_241 : i32 to index
      %swap3A_243 = arith.index_cast %add3A_224 : i32 to index
      %swap3A_244 = arith.constant 32 : index
      %swap3A_245 = tpu.vector_load %arg13[%swap3A_242, %swap3A_243, %swap3A_244] {strides = array<i32>} : memref<2x112x128xf32, #tpu.memory_space<vmem>>, vector<16xf32>,
      tpu.vector_store %arg13[%swap3A_242, %swap3A_243, %swap3A_244], %broadcast_in_dim3A_240 {strides = array<i32>} : memref<2x112x128xf32, #tpu.memory_space<vmem>>, vector<16xf32>,
      %broadcast_in_dim3A_246 = arith.constant 0.000000e+00 : f32
      %broadcast_in_dim3A_247 = vector.broadcast %broadcast_in_dim3A_246 : f32 to vector<16xf32>
      %swap3A_248 = arith.constant 0 : i32
      %swap3A_249 = arith.index_cast %swap3A_248 : i32 to index
      %swap3A_250 = arith.index_cast %add3A_224 : i32 to index
      %swap3A_251 = arith.constant 48 : index
      %swap3A_252 = tpu.vector_load %arg13[%swap3A_249, %swap3A_250, %swap3A_251] {strides = array<i32>} : memref<2x112x128xf32, #tpu.memory_space<vmem>>, vector<16xf32>,
      tpu.vector_store %arg13[%swap3A_249, %swap3A_250, %swap3A_251], %broadcast_in_dim3A_247 {strides = array<i32>} : memref<2x112x128xf32, #tpu.memory_space<vmem>>, vector<16xf32>,
      %broadcast_in_dim3A_253 = arith.constant 0.000000e+00 : f32
      %broadcast_in_dim3A_254 = vector.broadcast %broadcast_in_dim3A_253 : f32 to vector<16xf32>
      %swap3A_255 = arith.constant 0 : i32
      %swap3A_256 = arith.index_cast %swap3A_255 : i32 to index
      %swap3A_257 = arith.index_cast %add3A_224 : i32 to index
      %swap3A_258 = arith.constant 64 : index
      %swap3A_259 = tpu.vector_load %arg13[%swap3A_256, %swap3A_257, %swap3A_258] {strides = array<i32>} : memref<2x112x128xf32, #tpu.memory_space<vmem>>, vector<16xf32>,
      tpu.vector_store %arg13[%swap3A_256, %swap3A_257, %swap3A_258], %broadcast_in_dim3A_254 {strides = array<i32>} : memref<2x112x128xf32, #tpu.memory_space<vmem>>, vector<16xf32>,
      %broadcast_in_dim3A_260 = arith.constant 0.000000e+00 : f32
      %broadcast_in_dim3A_261 = vector.broadcast %broadcast_in_dim3A_260 : f32 to vector<16xf32>
      %swap3A_262 = arith.constant 0 : i32
      %swap3A_263 = arith.index_cast %swap3A_262 : i32 to index
      %swap3A_264 = arith.index_cast %add3A_224 : i32 to index
      %swap3A_265 = arith.constant 80 : index
      %swap3A_266 = tpu.vector_load %arg13[%swap3A_263, %swap3A_264, %swap3A_265] {strides = array<i32>} : memref<2x112x128xf32, #tpu.memory_space<vmem>>, vector<16xf32>,
      tpu.vector_store %arg13[%swap3A_263, %swap3A_264, %swap3A_265], %broadcast_in_dim3A_261 {strides = array<i32>} : memref<2x112x128xf32, #tpu.memory_space<vmem>>, vector<16xf32>,
      %broadcast_in_dim3A_267 = arith.constant 0.000000e+00 : f32
      %broadcast_in_dim3A_268 = vector.broadcast %broadcast_in_dim3A_267 : f32 to vector<16xf32>
      %swap3A_269 = arith.constant 0 : i32
      %swap3A_270 = arith.index_cast %swap3A_269 : i32 to index
      %swap3A_271 = arith.index_cast %add3A_224 : i32 to index
      %swap3A_272 = arith.constant 96 : index
      %swap3A_273 = tpu.vector_load %arg13[%swap3A_270, %swap3A_271, %swap3A_272] {strides = array<i32>} : memref<2x112x128xf32, #tpu.memory_space<vmem>>, vector<16xf32>,
      tpu.vector_store %arg13[%swap3A_270, %swap3A_271, %swap3A_272], %broadcast_in_dim3A_268 {strides = array<i32>} : memref<2x112x128xf32, #tpu.memory_space<vmem>>, vector<16xf32>,
      %broadcast_in_dim3A_274 = arith.constant 0.000000e+00 : f32
      %broadcast_in_dim3A_275 = vector.broadcast %broadcast_in_dim3A_274 : f32 to vector<16xf32>
      %swap3A_276 = arith.constant 0 : i32
      %swap3A_277 = arith.index_cast %swap3A_276 : i32 to index
      %swap3A_278 = arith.index_cast %add3A_224 : i32 to index
      %swap3A_279 = arith.constant 112 : index
      %swap3A_280 = tpu.vector_load %arg13[%swap3A_277, %swap3A_278, %swap3A_279] {strides = array<i32>} : memref<2x112x128xf32, #tpu.memory_space<vmem>>, vector<16xf32>,
      tpu.vector_store %arg13[%swap3A_277, %swap3A_278, %swap3A_279], %broadcast_in_dim3A_275 {strides = array<i32>} : memref<2x112x128xf32, #tpu.memory_space<vmem>>, vector<16xf32>,
      %scan3A_281 = arith.constant 2 : i32
      %scan3A_282 = arith.addi %scan3A_160, %scan3A_281 : i32
      %mul3A_283 = arith.constant 1 : i32
      %mul3A_284 = arith.muli %scan3A_282, %mul3A_283 : i32
      %add3A_285 = arith.constant 0 : i32
      %add3A_286 = arith.addi %add3A_285, %mul3A_284 : i32
      %broadcast_in_dim3A_287 = arith.constant 0.000000e+00 : f32
      %broadcast_in_dim3A_288 = vector.broadcast %broadcast_in_dim3A_287 : f32 to vector<16xf32>
      %swap3A_289 = arith.constant 0 : i32
      %swap3A_290 = arith.index_cast %swap3A_289 : i32 to index
      %swap3A_291 = arith.index_cast %add3A_286 : i32 to index
      %swap3A_292 = arith.constant 0 : index
      %swap3A_293 = tpu.vector_load %arg13[%swap3A_290, %swap3A_291, %swap3A_292] {strides = array<i32>} : memref<2x112x128xf32, #tpu.memory_space<vmem>>, vector<16xf32>,
      tpu.vector_store %arg13[%swap3A_290, %swap3A_291, %swap3A_292], %broadcast_in_dim3A_288 {strides = array<i32>} : memref<2x112x128xf32, #tpu.memory_space<vmem>>, vector<16xf32>,
      %broadcast_in_dim3A_294 = arith.constant 0.000000e+00 : f32
      %broadcast_in_dim3A_295 = vector.broadcast %broadcast_in_dim3A_294 : f32 to vector<16xf32>
      %swap3A_296 = arith.constant 0 : i32
      %swap3A_297 = arith.index_cast %swap3A_296 : i32 to index
      %swap3A_298 = arith.index_cast %add3A_286 : i32 to index
      %swap3A_299 = arith.constant 16 : index
      %swap3A_300 = tpu.vector_load %arg13[%swap3A_297, %swap3A_298, %swap3A_299] {strides = array<i32>} : memref<2x112x128xf32, #tpu.memory_space<vmem>>, vector<16xf32>,
      tpu.vector_store %arg13[%swap3A_297, %swap3A_298, %swap3A_299], %broadcast_in_dim3A_295 {strides = array<i32>} : memref<2x112x128xf32, #tpu.memory_space<vmem>>, vector<16xf32>,
      %broadcast_in_dim3A_301 = arith.constant 0.000000e+00 : f32
      %broadcast_in_dim3A_302 = vector.broadcast %broadcast_in_dim3A_301 : f32 to vector<16xf32>
      %swap3A_303 = arith.constant 0 : i32
      %swap3A_304 = arith.index_cast %swap3A_303 : i32 to index
      %swap3A_305 = arith.index_cast %add3A_286 : i32 to index
      %swap3A_306 = arith.constant 32 : index
      %swap3A_307 = tpu.vector_load %arg13[%swap3A_304, %swap3A_305, %swap3A_306] {strides = array<i32>} : memref<2x112x128xf32, #tpu.memory_space<vmem>>, vector<16xf32>,
      tpu.vector_store %arg13[%swap3A_304, %swap3A_305, %swap3A_306], %broadcast_in_dim3A_302 {strides = array<i32>} : memref<2x112x128xf32, #tpu.memory_space<vmem>>, vector<16xf32>,
      %broadcast_in_dim3A_308 = arith.constant 0.000000e+00 : f32
      %broadcast_in_dim3A_309 = vector.broadcast %broadcast_in_dim3A_308 : f32 to vector<16xf32>
      %swap3A_310 = arith.constant 0 : i32
      %swap3A_311 = arith.index_cast %swap3A_310 : i32 to index
      %swap3A_312 = arith.index_cast %add3A_286 : i32 to index
      %swap3A_313 = arith.constant 48 : index
      %swap3A_314 = tpu.vector_load %arg13[%swap3A_311, %swap3A_312, %swap3A_313] {strides = array<i32>} : memref<2x112x128xf32, #tpu.memory_space<vmem>>, vector<16xf32>,
      tpu.vector_store %arg13[%swap3A_311, %swap3A_312, %swap3A_313], %broadcast_in_dim3A_309 {strides = array<i32>} : memref<2x112x128xf32, #tpu.memory_space<vmem>>, vector<16xf32>,
      %broadcast_in_dim3A_315 = arith.constant 0.000000e+00 : f32
      %broadcast_in_dim3A_316 = vector.broadcast %broadcast_in_dim3A_315 : f32 to vector<16xf32>
      %swap3A_317 = arith.constant 0 : i32
      %swap3A_318 = arith.index_cast %swap3A_317 : i32 to index
      %swap3A_319 = arith.index_cast %add3A_286 : i32 to index
      %swap3A_320 = arith.constant 64 : index
      %swap3A_321 = tpu.vector_load %arg13[%swap3A_318, %swap3A_319, %swap3A_320] {strides = array<i32>} : memref<2x112x128xf32, #tpu.memory_space<vmem>>, vector<16xf32>,
      tpu.vector_store %arg13[%swap3A_318, %swap3A_319, %swap3A_320], %broadcast_in_dim3A_316 {strides = array<i32>} : memref<2x112x128xf32, #tpu.memory_space<vmem>>, vector<16xf32>,
      %broadcast_in_dim3A_322 = arith.constant 0.000000e+00 : f32
      %broadcast_in_dim3A_323 = vector.broadcast %broadcast_in_dim3A_322 : f32 to vector<16xf32>
      %swap3A_324 = arith.constant 0 : i32
      %swap3A_325 = arith.index_cast %swap3A_324 : i32 to index
      %swap3A_326 = arith.index_cast %add3A_286 : i32 to index
      %swap3A_327 = arith.constant 80 : index
      %swap3A_328 = tpu.vector_load %arg13[%swap3A_325, %swap3A_326, %swap3A_327] {strides = array<i32>} : memref<2x112x128xf32, #tpu.memory_space<vmem>>, vector<16xf32>,
      tpu.vector_store %arg13[%swap3A_325, %swap3A_326, %swap3A_327], %broadcast_in_dim3A_323 {strides = array<i32>} : memref<2x112x128xf32, #tpu.memory_space<vmem>>, vector<16xf32>,
      %broadcast_in_dim3A_329 = arith.constant 0.000000e+00 : f32
      %broadcast_in_dim3A_330 = vector.broadcast %broadcast_in_dim3A_329 : f32 to vector<16xf32>
      %swap3A_331 = arith.constant 0 : i32
      %swap3A_332 = arith.index_cast %swap3A_331 : i32 to index
      %swap3A_333 = arith.index_cast %add3A_286 : i32 to index
      %swap3A_334 = arith.constant 96 : index
      %swap3A_335 = tpu.vector_load %arg13[%swap3A_332, %swap3A_333, %swap3A_334] {strides = array<i32>} : memref<2x112x128xf32, #tpu.memory_space<vmem>>, vector<16xf32>,
      tpu.vector_store %arg13[%swap3A_332, %swap3A_333, %swap3A_334], %broadcast_in_dim3A_330 {strides = array<i32>} : memref<2x112x128xf32, #tpu.memory_space<vmem>>, vector<16xf32>,
      %broadcast_in_dim3A_336 = arith.constant 0.000000e+00 : f32
      %broadcast_in_dim3A_337 = vector.broadcast %broadcast_in_dim3A_336 : f32 to vector<16xf32>
      %swap3A_338 = arith.constant 0 : i32
      %swap3A_339 = arith.index_cast %swap3A_338 : i32 to index
      %swap3A_340 = arith.index_cast %add3A_286 : i32 to index
      %swap3A_341 = arith.constant 112 : index
      %swap3A_342 = tpu.vector_load %arg13[%swap3A_339, %swap3A_340, %swap3A_341] {strides = array<i32>} : memref<2x112x128xf32, #tpu.memory_space<vmem>>, vector<16xf32>,
      tpu.vector_store %arg13[%swap3A_339, %swap3A_340, %swap3A_341], %broadcast_in_dim3A_337 {strides = array<i32>} : memref<2x112x128xf32, #tpu.memory_space<vmem>>, vector<16xf32>,
      %scan3A_343 = arith.constant 3 : i32
      %scan3A_344 = arith.addi %scan3A_160, %scan3A_343 : i32
      %mul3A_345 = arith.constant 1 : i32
      %mul3A_346 = arith.muli %scan3A_344, %mul3A_345 : i32
      %add3A_347 = arith.constant 0 : i32
      %add3A_348 = arith.addi %add3A_347, %mul3A_346 : i32
      %broadcast_in_dim3A_349 = arith.constant 0.000000e+00 : f32
      %broadcast_in_dim3A_350 = vector.broadcast %broadcast_in_dim3A_349 : f32 to vector<16xf32>
      %swap3A_351 = arith.constant 0 : i32
      %swap3A_352 = arith.index_cast %swap3A_351 : i32 to index
      %swap3A_353 = arith.index_cast %add3A_348 : i32 to index
      %swap3A_354 = arith.constant 0 : index
      %swap3A_355 = tpu.vector_load %arg13[%swap3A_352, %swap3A_353, %swap3A_354] {strides = array<i32>} : memref<2x112x128xf32, #tpu.memory_space<vmem>>, vector<16xf32>,
      tpu.vector_store %arg13[%swap3A_352, %swap3A_353, %swap3A_354], %broadcast_in_dim3A_350 {strides = array<i32>} : memref<2x112x128xf32, #tpu.memory_space<vmem>>, vector<16xf32>,
      %broadcast_in_dim3A_356 = arith.constant 0.000000e+00 : f32
      %broadcast_in_dim3A_357 = vector.broadcast %broadcast_in_dim3A_356 : f32 to vector<16xf32>
      %swap3A_358 = arith.constant 0 : i32
      %swap3A_359 = arith.index_cast %swap3A_358 : i32 to index
      %swap3A_360 = arith.index_cast %add3A_348 : i32 to index
      %swap3A_361 = arith.constant 16 : index
      %swap3A_362 = tpu.vector_load %arg13[%swap3A_359, %swap3A_360, %swap3A_361] {strides = array<i32>} : memref<2x112x128xf32, #tpu.memory_space<vmem>>, vector<16xf32>,
      tpu.vector_store %arg13[%swap3A_359, %swap3A_360, %swap3A_361], %broadcast_in_dim3A_357 {strides = array<i32>} : memref<2x112x128xf32, #tpu.memory_space<vmem>>, vector<16xf32>,
      %broadcast_in_dim3A_363 = arith.constant 0.000000e+00 : f32
      %broadcast_in_dim3A_364 = vector.broadcast %broadcast_in_dim3A_363 : f32 to vector<16xf32>
      %swap3A_365 = arith.constant 0 : i32
      %swap3A_366 = arith.index_cast %swap3A_365 : i32 to index
      %swap3A_367 = arith.index_cast %add3A_348 : i32 to index
      %swap3A_368 = arith.constant 32 : index
      %swap3A_369 = tpu.vector_load %arg13[%swap3A_366, %swap3A_367, %swap3A_368] {strides = array<i32>} : memref<2x112x128xf32, #tpu.memory_space<vmem>>, vector<16xf32>,
      tpu.vector_store %arg13[%swap3A_366, %swap3A_367, %swap3A_368], %broadcast_in_dim3A_364 {strides = array<i32>} : memref<2x112x128xf32, #tpu.memory_space<vmem>>, vector<16xf32>,
      %broadcast_in_dim3A_370 = arith.constant 0.000000e+00 : f32
      %broadcast_in_dim3A_371 = vector.broadcast %broadcast_in_dim3A_370 : f32 to vector<16xf32>
      %swap3A_372 = arith.constant 0 : i32
      %swap3A_373 = arith.index_cast %swap3A_372 : i32 to index
      %swap3A_374 = arith.index_cast %add3A_348 : i32 to index
      %swap3A_375 = arith.constant 48 : index
      %swap3A_376 = tpu.vector_load %arg13[%swap3A_373, %swap3A_374, %swap3A_375] {strides = array<i32>} : memref<2x112x128xf32, #tpu.memory_space<vmem>>, vector<16xf32>,
      tpu.vector_store %arg13[%swap3A_373, %swap3A_374, %swap3A_375], %broadcast_in_dim3A_371 {strides = array<i32>} : memref<2x112x128xf32, #tpu.memory_space<vmem>>, vector<16xf32>,
      %broadcast_in_dim3A_377 = arith.constant 0.000000e+00 : f32
      %broadcast_in_dim3A_378 = vector.broadcast %broadcast_in_dim3A_377 : f32 to vector<16xf32>
      %swap3A_379 = arith.constant 0 : i32
      %swap3A_380 = arith.index_cast %swap3A_379 : i32 to index
      %swap3A_381 = arith.index_cast %add3A_348 : i32 to index
      %swap3A_382 = arith.constant 64 : index
      %swap3A_383 = tpu.vector_load %arg13[%swap3A_380, %swap3A_381, %swap3A_382] {strides = array<i32>} : memref<2x112x128xf32, #tpu.memory_space<vmem>>, vector<16xf32>,
      tpu.vector_store %arg13[%swap3A_380, %swap3A_381, %swap3A_382], %broadcast_in_dim3A_378 {strides = array<i32>} : memref<2x112x128xf32, #tpu.memory_space<vmem>>, vector<16xf32>,
      %broadcast_in_dim3A_384 = arith.constant 0.000000e+00 : f32
      %broadcast_in_dim3A_385 = vector.broadcast %broadcast_in_dim3A_384 : f32 to vector<16xf32>
      %swap3A_386 = arith.constant 0 : i32
      %swap3A_387 = arith.index_cast %swap3A_386 : i32 to index
      %swap3A_388 = arith.index_cast %add3A_348 : i32 to index
      %swap3A_389 = arith.constant 80 : index
      %swap3A_390 = tpu.vector_load %arg13[%swap3A_387, %swap3A_388, %swap3A_389] {strides = array<i32>} : memref<2x112x128xf32, #tpu.memory_space<vmem>>, vector<16xf32>,
      tpu.vector_store %arg13[%swap3A_387, %swap3A_388, %swap3A_389], %broadcast_in_dim3A_385 {strides = array<i32>} : memref<2x112x128xf32, #tpu.memory_space<vmem>>, vector<16xf32>,
      %broadcast_in_dim3A_391 = arith.constant 0.000000e+00 : f32
      %broadcast_in_dim3A_392 = vector.broadcast %broadcast_in_dim3A_391 : f32 to vector<16xf32>
      %swap3A_393 = arith.constant 0 : i32
      %swap3A_394 = arith.index_cast %swap3A_393 : i32 to index
      %swap3A_395 = arith.index_cast %add3A_348 : i32 to index
      %swap3A_396 = arith.constant 96 : index
      %swap3A_397 = tpu.vector_load %arg13[%swap3A_394, %swap3A_395, %swap3A_396] {strides = array<i32>} : memref<2x112x128xf32, #tpu.memory_space<vmem>>, vector<16xf32>,
      tpu.vector_store %arg13[%swap3A_394, %swap3A_395, %swap3A_396], %broadcast_in_dim3A_392 {strides = array<i32>} : memref<2x112x128xf32, #tpu.memory_space<vmem>>, vector<16xf32>,
      %broadcast_in_dim3A_398 = arith.constant 0.000000e+00 : f32
      %broadcast_in_dim3A_399 = vector.broadcast %broadcast_in_dim3A_398 : f32 to vector<16xf32>
      %swap3A_400 = arith.constant 0 : i32
      %swap3A_401 = arith.index_cast %swap3A_400 : i32 to index
      %swap3A_402 = arith.index_cast %add3A_348 : i32 to index
      %swap3A_403 = arith.constant 112 : index
      %swap3A_404 = tpu.vector_load %arg13[%swap3A_401, %swap3A_402, %swap3A_403] {strides = array<i32>} : memref<2x112x128xf32, #tpu.memory_space<vmem>>, vector<16xf32>,
      tpu.vector_store %arg13[%swap3A_401, %swap3A_402, %swap3A_403], %broadcast_in_dim3A_399 {strides = array<i32>} : memref<2x112x128xf32, #tpu.memory_space<vmem>>, vector<16xf32>,
    }
    %scan3A_11 = arith.constant 112 : i32
    %mul3A_12 = arith.constant 625 : i32
    %mul3A_13 = arith.muli %arg1, %mul3A_12 : i32
    %add3A_14 = arith.constant 0 : i32
    %add3A_15 = arith.addi %mul3A_13, %add3A_14 : i32
    %run_scoped3A_16 = arith.constant 0 : i32
    "tpu.region"() ({
      %run_scoped3A_160 = tpu.sem_alloc : memref<!tpu.dma_semaphore, #tpu.memory_space<semaphore_mem>>
      %dma_start3A_161 = arith.constant 0 : i32
      %dma_start3A_162 = arith.constant 0 : i32
      %dma_start3A_163 = tpu.memref_slice %arg13[%run_scoped3A_16, %dma_start3A_161, %dma_start3A_162] : memref<2x112x128xf32, #tpu.memory_space<vmem>> -> memref<1x112x128xf32, #tpu.memory_space<vmem>>
      %dma_start3A_164 = tpu.memref_squeeze %dma_start3A_163 : memref<1x112x128xf32, #tpu.memory_space<vmem>> -> memref<112x128xf32, #tpu.memory_space<vmem>>
      %dma_start3A_165 = arith.constant 0 : i32
      %dma_start3A_166 = tpu.memref_slice %arg7[%add3A_15, %dma_start3A_165] : memref<10000x128xf32, #tpu.memory_space<vmem_shared>> -> memref<112x128xf32, #tpu.memory_space<vmem_shared>>
      %dma_start3A_167 = arith.constant 0 : i32
      %dma_start3A_168 = tpu.memref_slice %arg7[%add3A_15, %dma_start3A_167] : memref<10000x128xf32, #tpu.memory_space<vmem_shared>> -> memref<112x128xf32, #tpu.memory_space<vmem_shared>>
      %dma_start3A_169 = arith.constant 0 : i32
      %dma_start3A_170 = arith.constant 0 : i32
      %dma_start3A_171 = tpu.memref_slice %arg13[%run_scoped3A_16, %dma_start3A_169, %dma_start3A_170] : memref<2x112x128xf32, #tpu.memory_space<vmem>> -> memref<1x112x128xf32, #tpu.memory_space<vmem>>
      %dma_start3A_172 = tpu.memref_squeeze %dma_start3A_171 : memref<1x112x128xf32, #tpu.memory_space<vmem>> -> memref<112x128xf32, #tpu.memory_space<vmem>>
      tpu.enqueue_dma source(%dma_start3A_172 : memref<112x128xf32, #tpu.memory_space<vmem>>) target(%dma_start3A_168 : memref<112x128xf32, #tpu.memory_space<vmem_shared>>) target_semaphore(%run_scoped3A_160 : memref<!tpu.dma_semaphore, #tpu.memory_space<semaphore_mem>>)
      %dma_wait3A_173 = arith.constant 0 : i32
      %dma_wait3A_174 = arith.constant 0 : i32
      %dma_wait3A_175 = tpu.memref_slice %arg13[%run_scoped3A_16, %dma_wait3A_173, %dma_wait3A_174] : memref<2x112x128xf32, #tpu.memory_space<vmem>> -> memref<1x112x128xf32, #tpu.memory_space<vmem>>
      %dma_wait3A_176 = tpu.memref_squeeze %dma_wait3A_175 : memref<1x112x128xf32, #tpu.memory_space<vmem>> -> memref<112x128xf32, #tpu.memory_space<vmem>>
      %dma_wait3A_177 = arith.constant 0 : i32
      %dma_wait3A_178 = tpu.memref_slice %arg7[%add3A_15, %dma_wait3A_177] : memref<10000x128xf32, #tpu.memory_space<vmem_shared>> -> memref<112x128xf32, #tpu.memory_space<vmem_shared>>
      %dma_wait3A_179 = arith.constant 0 : i32
      %dma_wait3A_180 = tpu.memref_slice %arg7[%add3A_15, %dma_wait3A_179] : memref<10000x128xf32, #tpu.memory_space<vmem_shared>> -> memref<112x128xf32, #tpu.memory_space<vmem_shared>>
      %dma_wait3A_181 = arith.constant 0 : i32
      %dma_wait3A_182 = arith.constant 0 : i32
      %dma_wait3A_183 = tpu.memref_slice %arg13[%run_scoped3A_16, %dma_wait3A_181, %dma_wait3A_182] : memref<2x112x128xf32, #tpu.memory_space<vmem>> -> memref<1x112x128xf32, #tpu.memory_space<vmem>>
      %dma_wait3A_184 = tpu.memref_squeeze %dma_wait3A_183 : memref<1x112x128xf32, #tpu.memory_space<vmem>> -> memref<112x128xf32, #tpu.memory_space<vmem>>
      tpu.wait_dma2 semaphore(%run_scoped3A_160 : memref<!tpu.dma_semaphore, #tpu.memory_space<semaphore_mem>>) src(%dma_wait3A_184 : memref<112x128xf32, #tpu.memory_space<vmem>>) dst(%dma_wait3A_180 : memref<112x128xf32, #tpu.memory_space<vmem_shared>>)
      tpu.yield
    }) : () -> ()
    %mul3A_17 = arith.constant 625 : i32
    %mul3A_18 = arith.muli %arg1, %mul3A_17 : i32
    %add3A_19 = arith.constant 112 : i32
    %add3A_20 = arith.addi %mul3A_18, %add3A_19 : i32
    %run_scoped3A_21 = arith.constant 0 : i32
    "tpu.region"() ({
      %run_scoped3A_160 = tpu.sem_alloc : memref<!tpu.dma_semaphore, #tpu.memory_space<semaphore_mem>>
      %dma_start3A_161 = arith.constant 0 : i32
      %dma_start3A_162 = arith.constant 0 : i32
      %dma_start3A_163 = tpu.memref_slice %arg13[%run_scoped3A_21, %dma_start3A_161, %dma_start3A_162] : memref<2x112x128xf32, #tpu.memory_space<vmem>> -> memref<1x112x128xf32, #tpu.memory_space<vmem>>
      %dma_start3A_164 = tpu.memref_squeeze %dma_start3A_163 : memref<1x112x128xf32, #tpu.memory_space<vmem>> -> memref<112x128xf32, #tpu.memory_space<vmem>>
      %dma_start3A_165 = arith.constant 0 : i32
      %dma_start3A_166 = tpu.memref_slice %arg7[%add3A_20, %dma_start3A_165] : memref<10000x128xf32, #tpu.memory_space<vmem_shared>> -> memref<112x128xf32, #tpu.memory_space<vmem_shared>>
      %dma_start3A_167 = arith.constant 0 : i32
      %dma_start3A_168 = tpu.memref_slice %arg7[%add3A_20, %dma_start3A_167] : memref<10000x128xf32, #tpu.memory_space<vmem_shared>> -> memref<112x128xf32, #tpu.memory_space<vmem_shared>>
      %dma_start3A_169 = arith.constant 0 : i32
      %dma_start3A_170 = arith.constant 0 : i32
      %dma_start3A_171 = tpu.memref_slice %arg13[%run_scoped3A_21, %dma_start3A_169, %dma_start3A_170] : memref<2x112x128xf32, #tpu.memory_space<vmem>> -> memref<1x112x128xf32, #tpu.memory_space<vmem>>
      %dma_start3A_172 = tpu.memref_squeeze %dma_start3A_171 : memref<1x112x128xf32, #tpu.memory_space<vmem>> -> memref<112x128xf32, #tpu.memory_space<vmem>>
      tpu.enqueue_dma source(%dma_start3A_172 : memref<112x128xf32, #tpu.memory_space<vmem>>) target(%dma_start3A_168 : memref<112x128xf32, #tpu.memory_space<vmem_shared>>) target_semaphore(%run_scoped3A_160 : memref<!tpu.dma_semaphore, #tpu.memory_space<semaphore_mem>>)
      %dma_wait3A_173 = arith.constant 0 : i32
      %dma_wait3A_174 = arith.constant 0 : i32
      %dma_wait3A_175 = tpu.memref_slice %arg13[%run_scoped3A_21, %dma_wait3A_173, %dma_wait3A_174] : memref<2x112x128xf32, #tpu.memory_space<vmem>> -> memref<1x112x128xf32, #tpu.memory_space<vmem>>
      %dma_wait3A_176 = tpu.memref_squeeze %dma_wait3A_175 : memref<1x112x128xf32, #tpu.memory_space<vmem>> -> memref<112x128xf32, #tpu.memory_space<vmem>>
      %dma_wait3A_177 = arith.constant 0 : i32
      %dma_wait3A_178 = tpu.memref_slice %arg7[%add3A_20, %dma_wait3A_177] : memref<10000x128xf32, #tpu.memory_space<vmem_shared>> -> memref<112x128xf32, #tpu.memory_space<vmem_shared>>
      %dma_wait3A_179 = arith.constant 0 : i32
      %dma_wait3A_180 = tpu.memref_slice %arg7[%add3A_20, %dma_wait3A_179] : memref<10000x128xf32, #tpu.memory_space<vmem_shared>> -> memref<112x128xf32, #tpu.memory_space<vmem_shared>>
      %dma_wait3A_181 = arith.constant 0 : i32
      %dma_wait3A_182 = arith.constant 0 : i32
      %dma_wait3A_183 = tpu.memref_slice %arg13[%run_scoped3A_21, %dma_wait3A_181, %dma_wait3A_182] : memref<2x112x128xf32, #tpu.memory_space<vmem>> -> memref<1x112x128xf32, #tpu.memory_space<vmem>>
      %dma_wait3A_184 = tpu.memref_squeeze %dma_wait3A_183 : memref<1x112x128xf32, #tpu.memory_space<vmem>> -> memref<112x128xf32, #tpu.memory_space<vmem>>
      tpu.wait_dma2 semaphore(%run_scoped3A_160 : memref<!tpu.dma_semaphore, #tpu.memory_space<semaphore_mem>>) src(%dma_wait3A_184 : memref<112x128xf32, #tpu.memory_space<vmem>>) dst(%dma_wait3A_180 : memref<112x128xf32, #tpu.memory_space<vmem_shared>>)
      tpu.yield
    }) : () -> ()
    %mul3A_22 = arith.constant 625 : i32
    %mul3A_23 = arith.muli %arg1, %mul3A_22 : i32
    %add3A_24 = arith.constant 224 : i32
    %add3A_25 = arith.addi %mul3A_23, %add3A_24 : i32
    %run_scoped3A_26 = arith.constant 0 : i32
    "tpu.region"() ({
      %run_scoped3A_160 = tpu.sem_alloc : memref<!tpu.dma_semaphore, #tpu.memory_space<semaphore_mem>>
      %dma_start3A_161 = arith.constant 0 : i32
      %dma_start3A_162 = arith.constant 0 : i32
      %dma_start3A_163 = tpu.memref_slice %arg13[%run_scoped3A_26, %dma_start3A_161, %dma_start3A_162] : memref<2x112x128xf32, #tpu.memory_space<vmem>> -> memref<1x112x128xf32, #tpu.memory_space<vmem>>
      %dma_start3A_164 = tpu.memref_squeeze %dma_start3A_163 : memref<1x112x128xf32, #tpu.memory_space<vmem>> -> memref<112x128xf32, #tpu.memory_space<vmem>>
      %dma_start3A_165 = arith.constant 0 : i32
      %dma_start3A_166 = tpu.memref_slice %arg7[%add3A_25, %dma_start3A_165] : memref<10000x128xf32, #tpu.memory_space<vmem_shared>> -> memref<112x128xf32, #tpu.memory_space<vmem_shared>>
      %dma_start3A_167 = arith.constant 0 : i32
      %dma_start3A_168 = tpu.memref_slice %arg7[%add3A_25, %dma_start3A_167] : memref<10000x128xf32, #tpu.memory_space<vmem_shared>> -> memref<112x128xf32, #tpu.memory_space<vmem_shared>>
      %dma_start3A_169 = arith.constant 0 : i32
      %dma_start3A_170 = arith.constant 0 : i32
      %dma_start3A_171 = tpu.memref_slice %arg13[%run_scoped3A_26, %dma_start3A_169, %dma_start3A_170] : memref<2x112x128xf32, #tpu.memory_space<vmem>> -> memref<1x112x128xf32, #tpu.memory_space<vmem>>
      %dma_start3A_172 = tpu.memref_squeeze %dma_start3A_171 : memref<1x112x128xf32, #tpu.memory_space<vmem>> -> memref<112x128xf32, #tpu.memory_space<vmem>>
      tpu.enqueue_dma source(%dma_start3A_172 : memref<112x128xf32, #tpu.memory_space<vmem>>) target(%dma_start3A_168 : memref<112x128xf32, #tpu.memory_space<vmem_shared>>) target_semaphore(%run_scoped3A_160 : memref<!tpu.dma_semaphore, #tpu.memory_space<semaphore_mem>>)
      %dma_wait3A_173 = arith.constant 0 : i32
      %dma_wait3A_174 = arith.constant 0 : i32
      %dma_wait3A_175 = tpu.memref_slice %arg13[%run_scoped3A_26, %dma_wait3A_173, %dma_wait3A_174] : memref<2x112x128xf32, #tpu.memory_space<vmem>> -> memref<1x112x128xf32, #tpu.memory_space<vmem>>
      %dma_wait3A_176 = tpu.memref_squeeze %dma_wait3A_175 : memref<1x112x128xf32, #tpu.memory_space<vmem>> -> memref<112x128xf32, #tpu.memory_space<vmem>>
      %dma_wait3A_177 = arith.constant 0 : i32
      %dma_wait3A_178 = tpu.memref_slice %arg7[%add3A_25, %dma_wait3A_177] : memref<10000x128xf32, #tpu.memory_space<vmem_shared>> -> memref<112x128xf32, #tpu.memory_space<vmem_shared>>
      %dma_wait3A_179 = arith.constant 0 : i32
      %dma_wait3A_180 = tpu.memref_slice %arg7[%add3A_25, %dma_wait3A_179] : memref<10000x128xf32, #tpu.memory_space<vmem_shared>> -> memref<112x128xf32, #tpu.memory_space<vmem_shared>>
      %dma_wait3A_181 = arith.constant 0 : i32
      %dma_wait3A_182 = arith.constant 0 : i32
      %dma_wait3A_183 = tpu.memref_slice %arg13[%run_scoped3A_26, %dma_wait3A_181, %dma_wait3A_182] : memref<2x112x128xf32, #tpu.memory_space<vmem>> -> memref<1x112x128xf32, #tpu.memory_space<vmem>>
      %dma_wait3A_184 = tpu.memref_squeeze %dma_wait3A_183 : memref<1x112x128xf32, #tpu.memory_space<vmem>> -> memref<112x128xf32, #tpu.memory_space<vmem>>
      tpu.wait_dma2 semaphore(%run_scoped3A_160 : memref<!tpu.dma_semaphore, #tpu.memory_space<semaphore_mem>>) src(%dma_wait3A_184 : memref<112x128xf32, #tpu.memory_space<vmem>>) dst(%dma_wait3A_180 : memref<112x128xf32, #tpu.memory_space<vmem_shared>>)
      tpu.yield
    }) : () -> ()
    %mul3A_27 = arith.constant 625 : i32
    %mul3A_28 = arith.muli %arg1, %mul3A_27 : i32
    %add3A_29 = arith.constant 336 : i32
    %add3A_30 = arith.addi %mul3A_28, %add3A_29 : i32
    %run_scoped3A_31 = arith.constant 0 : i32
    "tpu.region"() ({
      %run_scoped3A_160 = tpu.sem_alloc : memref<!tpu.dma_semaphore, #tpu.memory_space<semaphore_mem>>
      %dma_start3A_161 = arith.constant 0 : i32
      %dma_start3A_162 = arith.constant 0 : i32
      %dma_start3A_163 = tpu.memref_slice %arg13[%run_scoped3A_31, %dma_start3A_161, %dma_start3A_162] : memref<2x112x128xf32, #tpu.memory_space<vmem>> -> memref<1x112x128xf32, #tpu.memory_space<vmem>>
      %dma_start3A_164 = tpu.memref_squeeze %dma_start3A_163 : memref<1x112x128xf32, #tpu.memory_space<vmem>> -> memref<112x128xf32, #tpu.memory_space<vmem>>
      %dma_start3A_165 = arith.constant 0 : i32
      %dma_start3A_166 = tpu.memref_slice %arg7[%add3A_30, %dma_start3A_165] : memref<10000x128xf32, #tpu.memory_space<vmem_shared>> -> memref<112x128xf32, #tpu.memory_space<vmem_shared>>
      %dma_start3A_167 = arith.constant 0 : i32
      %dma_start3A_168 = tpu.memref_slice %arg7[%add3A_30, %dma_start3A_167] : memref<10000x128xf32, #tpu.memory_space<vmem_shared>> -> memref<112x128xf32, #tpu.memory_space<vmem_shared>>
      %dma_start3A_169 = arith.constant 0 : i32
      %dma_start3A_170 = arith.constant 0 : i32
      %dma_start3A_171 = tpu.memref_slice %arg13[%run_scoped3A_31, %dma_start3A_169, %dma_start3A_170] : memref<2x112x128xf32, #tpu.memory_space<vmem>> -> memref<1x112x128xf32, #tpu.memory_space<vmem>>
      %dma_start3A_172 = tpu.memref_squeeze %dma_start3A_171 : memref<1x112x128xf32, #tpu.memory_space<vmem>> -> memref<112x128xf32, #tpu.memory_space<vmem>>
      tpu.enqueue_dma source(%dma_start3A_172 : memref<112x128xf32, #tpu.memory_space<vmem>>) target(%dma_start3A_168 : memref<112x128xf32, #tpu.memory_space<vmem_shared>>) target_semaphore(%run_scoped3A_160 : memref<!tpu.dma_semaphore, #tpu.memory_space<semaphore_mem>>)
      %dma_wait3A_173 = arith.constant 0 : i32
      %dma_wait3A_174 = arith.constant 0 : i32
      %dma_wait3A_175 = tpu.memref_slice %arg13[%run_scoped3A_31, %dma_wait3A_173, %dma_wait3A_174] : memref<2x112x128xf32, #tpu.memory_space<vmem>> -> memref<1x112x128xf32, #tpu.memory_space<vmem>>
      %dma_wait3A_176 = tpu.memref_squeeze %dma_wait3A_175 : memref<1x112x128xf32, #tpu.memory_space<vmem>> -> memref<112x128xf32, #tpu.memory_space<vmem>>
      %dma_wait3A_177 = arith.constant 0 : i32
      %dma_wait3A_178 = tpu.memref_slice %arg7[%add3A_30, %dma_wait3A_177] : memref<10000x128xf32, #tpu.memory_space<vmem_shared>> -> memref<112x128xf32, #tpu.memory_space<vmem_shared>>
      %dma_wait3A_179 = arith.constant 0 : i32
      %dma_wait3A_180 = tpu.memref_slice %arg7[%add3A_30, %dma_wait3A_179] : memref<10000x128xf32, #tpu.memory_space<vmem_shared>> -> memref<112x128xf32, #tpu.memory_space<vmem_shared>>
      %dma_wait3A_181 = arith.constant 0 : i32
      %dma_wait3A_182 = arith.constant 0 : i32
      %dma_wait3A_183 = tpu.memref_slice %arg13[%run_scoped3A_31, %dma_wait3A_181, %dma_wait3A_182] : memref<2x112x128xf32, #tpu.memory_space<vmem>> -> memref<1x112x128xf32, #tpu.memory_space<vmem>>
      %dma_wait3A_184 = tpu.memref_squeeze %dma_wait3A_183 : memref<1x112x128xf32, #tpu.memory_space<vmem>> -> memref<112x128xf32, #tpu.memory_space<vmem>>
      tpu.wait_dma2 semaphore(%run_scoped3A_160 : memref<!tpu.dma_semaphore, #tpu.memory_space<semaphore_mem>>) src(%dma_wait3A_184 : memref<112x128xf32, #tpu.memory_space<vmem>>) dst(%dma_wait3A_180 : memref<112x128xf32, #tpu.memory_space<vmem_shared>>)
      tpu.yield
    }) : () -> ()
    %mul3A_32 = arith.constant 625 : i32
    %mul3A_33 = arith.muli %arg1, %mul3A_32 : i32
    %add3A_34 = arith.constant 448 : i32
    %add3A_35 = arith.addi %mul3A_33, %add3A_34 : i32
    %run_scoped3A_36 = arith.constant 0 : i32
    "tpu.region"() ({
      %run_scoped3A_160 = tpu.sem_alloc : memref<!tpu.dma_semaphore, #tpu.memory_space<semaphore_mem>>
      %dma_start3A_161 = arith.constant 0 : i32
      %dma_start3A_162 = arith.constant 0 : i32
      %dma_start3A_163 = tpu.memref_slice %arg13[%run_scoped3A_36, %dma_start3A_161, %dma_start3A_162] : memref<2x112x128xf32, #tpu.memory_space<vmem>> -> memref<1x112x128xf32, #tpu.memory_space<vmem>>
      %dma_start3A_164 = tpu.memref_squeeze %dma_start3A_163 : memref<1x112x128xf32, #tpu.memory_space<vmem>> -> memref<112x128xf32, #tpu.memory_space<vmem>>
      %dma_start3A_165 = arith.constant 0 : i32
      %dma_start3A_166 = tpu.memref_slice %arg7[%add3A_35, %dma_start3A_165] : memref<10000x128xf32, #tpu.memory_space<vmem_shared>> -> memref<112x128xf32, #tpu.memory_space<vmem_shared>>
      %dma_start3A_167 = arith.constant 0 : i32
      %dma_start3A_168 = tpu.memref_slice %arg7[%add3A_35, %dma_start3A_167] : memref<10000x128xf32, #tpu.memory_space<vmem_shared>> -> memref<112x128xf32, #tpu.memory_space<vmem_shared>>
      %dma_start3A_169 = arith.constant 0 : i32
      %dma_start3A_170 = arith.constant 0 : i32
      %dma_start3A_171 = tpu.memref_slice %arg13[%run_scoped3A_36, %dma_start3A_169, %dma_start3A_170] : memref<2x112x128xf32, #tpu.memory_space<vmem>> -> memref<1x112x128xf32, #tpu.memory_space<vmem>>
      %dma_start3A_172 = tpu.memref_squeeze %dma_start3A_171 : memref<1x112x128xf32, #tpu.memory_space<vmem>> -> memref<112x128xf32, #tpu.memory_space<vmem>>
      tpu.enqueue_dma source(%dma_start3A_172 : memref<112x128xf32, #tpu.memory_space<vmem>>) target(%dma_start3A_168 : memref<112x128xf32, #tpu.memory_space<vmem_shared>>) target_semaphore(%run_scoped3A_160 : memref<!tpu.dma_semaphore, #tpu.memory_space<semaphore_mem>>)
      %dma_wait3A_173 = arith.constant 0 : i32
      %dma_wait3A_174 = arith.constant 0 : i32
      %dma_wait3A_175 = tpu.memref_slice %arg13[%run_scoped3A_36, %dma_wait3A_173, %dma_wait3A_174] : memref<2x112x128xf32, #tpu.memory_space<vmem>> -> memref<1x112x128xf32, #tpu.memory_space<vmem>>
      %dma_wait3A_176 = tpu.memref_squeeze %dma_wait3A_175 : memref<1x112x128xf32, #tpu.memory_space<vmem>> -> memref<112x128xf32, #tpu.memory_space<vmem>>
      %dma_wait3A_177 = arith.constant 0 : i32
      %dma_wait3A_178 = tpu.memref_slice %arg7[%add3A_35, %dma_wait3A_177] : memref<10000x128xf32, #tpu.memory_space<vmem_shared>> -> memref<112x128xf32, #tpu.memory_space<vmem_shared>>
      %dma_wait3A_179 = arith.constant 0 : i32
      %dma_wait3A_180 = tpu.memref_slice %arg7[%add3A_35, %dma_wait3A_179] : memref<10000x128xf32, #tpu.memory_space<vmem_shared>> -> memref<112x128xf32, #tpu.memory_space<vmem_shared>>
      %dma_wait3A_181 = arith.constant 0 : i32
      %dma_wait3A_182 = arith.constant 0 : i32
      %dma_wait3A_183 = tpu.memref_slice %arg13[%run_scoped3A_36, %dma_wait3A_181, %dma_wait3A_182] : memref<2x112x128xf32, #tpu.memory_space<vmem>> -> memref<1x112x128xf32, #tpu.memory_space<vmem>>
      %dma_wait3A_184 = tpu.memref_squeeze %dma_wait3A_183 : memref<1x112x128xf32, #tpu.memory_space<vmem>> -> memref<112x128xf32, #tpu.memory_space<vmem>>
      tpu.wait_dma2 semaphore(%run_scoped3A_160 : memref<!tpu.dma_semaphore, #tpu.memory_space<semaphore_mem>>) src(%dma_wait3A_184 : memref<112x128xf32, #tpu.memory_space<vmem>>) dst(%dma_wait3A_180 : memref<112x128xf32, #tpu.memory_space<vmem_shared>>)
      tpu.yield
    }) : () -> ()
    %mul3A_37 = arith.constant 625 : i32
    %mul3A_38 = arith.muli %arg1, %mul3A_37 : i32
    %add3A_39 = arith.constant 560 : i32
    %add3A_40 = arith.addi %mul3A_38, %add3A_39 : i32
    %run_scoped3A_41 = arith.constant 0 : i32
    "tpu.region"() ({
      %run_scoped3A_160 = tpu.sem_alloc : memref<!tpu.dma_semaphore, #tpu.memory_space<semaphore_mem>>
      %dma_start3A_161 = arith.constant 0 : i32
      %dma_start3A_162 = arith.constant 0 : i32
      %dma_start3A_163 = tpu.memref_slice %arg13[%run_scoped3A_41, %dma_start3A_161, %dma_start3A_162] : memref<2x112x128xf32, #tpu.memory_space<vmem>> -> memref<1x65x128xf32, #tpu.memory_space<vmem>>
      %dma_start3A_164 = tpu.memref_squeeze %dma_start3A_163 : memref<1x65x128xf32, #tpu.memory_space<vmem>> -> memref<65x128xf32, #tpu.memory_space<vmem>>
      %dma_start3A_165 = arith.constant 0 : i32
      %dma_start3A_166 = tpu.memref_slice %arg7[%add3A_40, %dma_start3A_165] : memref<10000x128xf32, #tpu.memory_space<vmem_shared>> -> memref<65x128xf32, #tpu.memory_space<vmem_shared>>
      %dma_start3A_167 = arith.constant 0 : i32
      %dma_start3A_168 = tpu.memref_slice %arg7[%add3A_40, %dma_start3A_167] : memref<10000x128xf32, #tpu.memory_space<vmem_shared>> -> memref<65x128xf32, #tpu.memory_space<vmem_shared>>
      %dma_start3A_169 = arith.constant 0 : i32
      %dma_start3A_170 = arith.constant 0 : i32
      %dma_start3A_171 = tpu.memref_slice %arg13[%run_scoped3A_41, %dma_start3A_169, %dma_start3A_170] : memref<2x112x128xf32, #tpu.memory_space<vmem>> -> memref<1x65x128xf32, #tpu.memory_space<vmem>>
      %dma_start3A_172 = tpu.memref_squeeze %dma_start3A_171 : memref<1x65x128xf32, #tpu.memory_space<vmem>> -> memref<65x128xf32, #tpu.memory_space<vmem>>
      tpu.enqueue_dma source(%dma_start3A_172 : memref<65x128xf32, #tpu.memory_space<vmem>>) target(%dma_start3A_168 : memref<65x128xf32, #tpu.memory_space<vmem_shared>>) target_semaphore(%run_scoped3A_160 : memref<!tpu.dma_semaphore, #tpu.memory_space<semaphore_mem>>)
      %dma_wait3A_173 = arith.constant 0 : i32
      %dma_wait3A_174 = arith.constant 0 : i32
      %dma_wait3A_175 = tpu.memref_slice %arg13[%run_scoped3A_41, %dma_wait3A_173, %dma_wait3A_174] : memref<2x112x128xf32, #tpu.memory_space<vmem>> -> memref<1x65x128xf32, #tpu.memory_space<vmem>>
      %dma_wait3A_176 = tpu.memref_squeeze %dma_wait3A_175 : memref<1x65x128xf32, #tpu.memory_space<vmem>> -> memref<65x128xf32, #tpu.memory_space<vmem>>
      %dma_wait3A_177 = arith.constant 0 : i32
      %dma_wait3A_178 = tpu.memref_slice %arg7[%add3A_40, %dma_wait3A_177] : memref<10000x128xf32, #tpu.memory_space<vmem_shared>> -> memref<65x128xf32, #tpu.memory_space<vmem_shared>>
      %dma_wait3A_179 = arith.constant 0 : i32
      %dma_wait3A_180 = tpu.memref_slice %arg7[%add3A_40, %dma_wait3A_179] : memref<10000x128xf32, #tpu.memory_space<vmem_shared>> -> memref<65x128xf32, #tpu.memory_space<vmem_shared>>
      %dma_wait3A_181 = arith.constant 0 : i32
      %dma_wait3A_182 = arith.constant 0 : i32
      %dma_wait3A_183 = tpu.memref_slice %arg13[%run_scoped3A_41, %dma_wait3A_181, %dma_wait3A_182] : memref<2x112x128xf32, #tpu.memory_space<vmem>> -> memref<1x65x128xf32, #tpu.memory_space<vmem>>
      %dma_wait3A_184 = tpu.memref_squeeze %dma_wait3A_183 : memref<1x65x128xf32, #tpu.memory_space<vmem>> -> memref<65x128xf32, #tpu.memory_space<vmem>>
      tpu.wait_dma2 semaphore(%run_scoped3A_160 : memref<!tpu.dma_semaphore, #tpu.memory_space<semaphore_mem>>) src(%dma_wait3A_184 : memref<65x128xf32, #tpu.memory_space<vmem>>) dst(%dma_wait3A_180 : memref<65x128xf32, #tpu.memory_space<vmem_shared>>)
      tpu.yield
    }) : () -> ()
    %barrier3A = arith.constant 0 : index
    tpu.barrier barrier_id(%barrier3A)
    %run_scoped3A_42 = arith.constant 0 : i32
    "tpu.region"() ({
      %run_scoped3A_160 = tpu.sem_alloc : memref<!tpu.dma_semaphore, #tpu.memory_space<semaphore_mem>>
      %dma_start3A_161 = arith.constant 0 : i32
      %dma_start3A_162 = arith.constant 0 : i32
      %dma_start3A_163 = tpu.memref_slice %arg10[%run_scoped3A_42, %dma_start3A_161, %dma_start3A_162] : memref<3x2x112xi32, #tpu.memory_space<vmem>> -> memref<1x2x112xi32, #tpu.memory_space<vmem>>
      %dma_start3A_164 = tpu.memref_squeeze %dma_start3A_163 : memref<1x2x112xi32, #tpu.memory_space<vmem>> -> memref<2x112xi32, #tpu.memory_space<vmem>>
      %dma_start3A_165 = arith.constant 0 : i32
      %dma_start3A_166 = arith.constant 0 : i32
      %dma_start3A_167 = tpu.memref_slice %arg3[%add3A, %dma_start3A_165, %dma_start3A_166] : memref<2864x2x112xi32, #tpu.memory_space<hbm>> -> memref<1x2x112xi32, #tpu.memory_space<hbm>>
      %dma_start3A_168 = tpu.memref_squeeze %dma_start3A_167 : memref<1x2x112xi32, #tpu.memory_space<hbm>> -> memref<2x112xi32, #tpu.memory_space<hbm>>
      %dma_start3A_169 = arith.constant 0 : i32
      %dma_start3A_170 = arith.constant 0 : i32
      %dma_start3A_171 = tpu.memref_slice %arg10[%run_scoped3A_42, %dma_start3A_169, %dma_start3A_170] : memref<3x2x112xi32, #tpu.memory_space<vmem>> -> memref<1x2x112xi32, #tpu.memory_space<vmem>>
      %dma_start3A_172 = tpu.memref_squeeze %dma_start3A_171 : memref<1x2x112xi32, #tpu.memory_space<vmem>> -> memref<2x112xi32, #tpu.memory_space<vmem>>
      %dma_start3A_173 = arith.constant 0 : i32
      %dma_start3A_174 = arith.constant 0 : i32
      %dma_start3A_175 = tpu.memref_slice %arg3[%add3A, %dma_start3A_173, %dma_start3A_174] : memref<2864x2x112xi32, #tpu.memory_space<hbm>> -> memref<1x2x112xi32, #tpu.memory_space<hbm>>
      %dma_start3A_176 = tpu.memref_squeeze %dma_start3A_175 : memref<1x2x112xi32, #tpu.memory_space<hbm>> -> memref<2x112xi32, #tpu.memory_space<hbm>>
      tpu.enqueue_dma source(%dma_start3A_176 : memref<2x112xi32, #tpu.memory_space<hbm>>) target(%dma_start3A_172 : memref<2x112xi32, #tpu.memory_space<vmem>>) target_semaphore(%run_scoped3A_160 : memref<!tpu.dma_semaphore, #tpu.memory_space<semaphore_mem>>)
      %dma_wait3A_177 = arith.constant 0 : i32
      %dma_wait3A_178 = arith.constant 0 : i32
      %dma_wait3A_179 = tpu.memref_slice %arg10[%run_scoped3A_42, %dma_wait3A_177, %dma_wait3A_178] : memref<3x2x112xi32, #tpu.memory_space<vmem>> -> memref<1x2x112xi32, #tpu.memory_space<vmem>>
      %dma_wait3A_180 = tpu.memref_squeeze %dma_wait3A_179 : memref<1x2x112xi32, #tpu.memory_space<vmem>> -> memref<2x112xi32, #tpu.memory_space<vmem>>
      %dma_wait3A_181 = arith.constant 0 : i32
      %dma_wait3A_182 = arith.constant 0 : i32
      %dma_wait3A_183 = tpu.memref_slice %arg3[%add3A, %dma_wait3A_181, %dma_wait3A_182] : memref<2864x2x112xi32, #tpu.memory_space<hbm>> -> memref<1x2x112xi32, #tpu.memory_space<hbm>>
      %dma_wait3A_184 = tpu.memref_squeeze %dma_wait3A_183 : memref<1x2x112xi32, #tpu.memory_space<hbm>> -> memref<2x112xi32, #tpu.memory_space<hbm>>
      %dma_wait3A_185 = arith.constant 0 : i32
      %dma_wait3A_186 = arith.constant 0 : i32
      %dma_wait3A_187 = tpu.memref_slice %arg10[%run_scoped3A_42, %dma_wait3A_185, %dma_wait3A_186] : memref<3x2x112xi32, #tpu.memory_space<vmem>> -> memref<1x2x112xi32, #tpu.memory_space<vmem>>
      %dma_wait3A_188 = tpu.memref_squeeze %dma_wait3A_187 : memref<1x2x112xi32, #tpu.memory_space<vmem>> -> memref<2x112xi32, #tpu.memory_space<vmem>>
      %dma_wait3A_189 = arith.constant 0 : i32
      %dma_wait3A_190 = arith.constant 0 : i32
      %dma_wait3A_191 = tpu.memref_slice %arg3[%add3A, %dma_wait3A_189, %dma_wait3A_190] : memref<2864x2x112xi32, #tpu.memory_space<hbm>> -> memref<1x2x112xi32, #tpu.memory_space<hbm>>
      %dma_wait3A_192 = tpu.memref_squeeze %dma_wait3A_191 : memref<1x2x112xi32, #tpu.memory_space<hbm>> -> memref<2x112xi32, #tpu.memory_space<hbm>>
      tpu.wait_dma2 semaphore(%run_scoped3A_160 : memref<!tpu.dma_semaphore, #tpu.memory_space<semaphore_mem>>) src(%dma_wait3A_192 : memref<2x112xi32, #tpu.memory_space<hbm>>) dst(%dma_wait3A_188 : memref<2x112xi32, #tpu.memory_space<vmem>>)
      tpu.yield
    }) : () -> ()
    %run_scoped3A_43 = arith.constant 0 : i32
    "tpu.region"() ({
      %run_scoped3A_160 = tpu.sem_alloc : memref<!tpu.dma_semaphore, #tpu.memory_space<semaphore_mem>>
      %dma_start3A_161 = arith.constant 0 : i32
      %dma_start3A_162 = tpu.memref_slice %arg11[%run_scoped3A_43, %dma_start3A_161] : memref<4x112xi32, #tpu.memory_space<vmem>> -> memref<1x112xi32, #tpu.memory_space<vmem>>
      %dma_start3A_163 = tpu.memref_squeeze %dma_start3A_162 : memref<1x112xi32, #tpu.memory_space<vmem>> -> memref<112xi32, #tpu.memory_space<vmem>>
      %dma_start3A_164 = tpu.memref_slice %arg4[%mul3A_6] : memref<320768xi32, #tpu.memory_space<hbm>> -> memref<112xi32, #tpu.memory_space<hbm>>
      %dma_start3A_165 = arith.constant 0 : i32
      %dma_start3A_166 = tpu.memref_slice %arg11[%run_scoped3A_43, %dma_start3A_165] : memref<4x112xi32, #tpu.memory_space<vmem>> -> memref<1x112xi32, #tpu.memory_space<vmem>>
      %dma_start3A_167 = tpu.memref_squeeze %dma_start3A_166 : memref<1x112xi32, #tpu.memory_space<vmem>> -> memref<112xi32, #tpu.memory_space<vmem>>
      %dma_start3A_168 = tpu.memref_slice %arg4[%mul3A_6] : memref<320768xi32, #tpu.memory_space<hbm>> -> memref<112xi32, #tpu.memory_space<hbm>>
      tpu.enqueue_dma source(%dma_start3A_168 : memref<112xi32, #tpu.memory_space<hbm>>) target(%dma_start3A_167 : memref<112xi32, #tpu.memory_space<vmem>>) target_semaphore(%run_scoped3A_160 : memref<!tpu.dma_semaphore, #tpu.memory_space<semaphore_mem>>)
      %dma_wait3A_169 = arith.constant 0 : i32
      %dma_wait3A_170 = tpu.memref_slice %arg11[%run_scoped3A_43, %dma_wait3A_169] : memref<4x112xi32, #tpu.memory_space<vmem>> -> memref<1x112xi32, #tpu.memory_space<vmem>>
      %dma_wait3A_171 = tpu.memref_squeeze %dma_wait3A_170 : memref<1x112xi32, #tpu.memory_space<vmem>> -> memref<112xi32, #tpu.memory_space<vmem>>
      %dma_wait3A_172 = tpu.memref_slice %arg4[%mul3A_6] : memref<320768xi32, #tpu.memory_space<hbm>> -> memref<112xi32, #tpu.memory_space<hbm>>
      %dma_wait3A_173 = arith.constant 0 : i32
      %dma_wait3A_174 = tpu.memref_slice %arg11[%run_scoped3A_43, %dma_wait3A_173] : memref<4x112xi32, #tpu.memory_space<vmem>> -> memref<1x112xi32, #tpu.memory_space<vmem>>
      %dma_wait3A_175 = tpu.memref_squeeze %dma_wait3A_174 : memref<1x112xi32, #tpu.memory_space<vmem>> -> memref<112xi32, #tpu.memory_space<vmem>>
      %dma_wait3A_176 = tpu.memref_slice %arg4[%mul3A_6] : memref<320768xi32, #tpu.memory_space<hbm>> -> memref<112xi32, #tpu.memory_space<hbm>>
      tpu.wait_dma2 semaphore(%run_scoped3A_160 : memref<!tpu.dma_semaphore, #tpu.memory_space<semaphore_mem>>) src(%dma_wait3A_176 : memref<112xi32, #tpu.memory_space<hbm>>) dst(%dma_wait3A_175 : memref<112xi32, #tpu.memory_space<vmem>>)
      tpu.yield
    }) : () -> ()
    %sub3A = arith.constant 1 : i32
    %sub3A_44 = arith.subi %select_n3A, %sub3A : i32
    %min3A = arith.constant 1 : i32
    %min3A_45 = arith.minsi %min3A, %sub3A_44 : i32
    %add3A_46 = arith.addi %add3A, %min3A_45 : i32
    %dma_start3A = arith.constant 1 : i32
    %dma_start3A_47 = arith.constant 0 : i32
    %dma_start3A_48 = arith.constant 0 : i32
    %dma_start3A_49 = tpu.memref_slice %arg10[%dma_start3A, %dma_start3A_47, %dma_start3A_48] : memref<3x2x112xi32, #tpu.memory_space<vmem>> -> memref<1x2x112xi32, #tpu.memory_space<vmem>>
    %dma_start3A_50 = tpu.memref_squeeze %dma_start3A_49 : memref<1x2x112xi32, #tpu.memory_space<vmem>> -> memref<2x112xi32, #tpu.memory_space<vmem>>
    %dma_start3A_51 = arith.constant 0 : i32
    %dma_start3A_52 = arith.constant 0 : i32
    %dma_start3A_53 = tpu.memref_slice %arg3[%add3A_46, %dma_start3A_51, %dma_start3A_52] : memref<2864x2x112xi32, #tpu.memory_space<hbm>> -> memref<1x2x112xi32, #tpu.memory_space<hbm>>
    %dma_start3A_54 = tpu.memref_squeeze %dma_start3A_53 : memref<1x2x112xi32, #tpu.memory_space<hbm>> -> memref<2x112xi32, #tpu.memory_space<hbm>>
    %dma_start3A_55 = arith.constant 0 : i32
    %dma_start3A_56 = arith.constant 0 : i32
    %dma_start3A_57 = tpu.memref_slice %arg10[%dma_start3A, %dma_start3A_55, %dma_start3A_56] : memref<3x2x112xi32, #tpu.memory_space<vmem>> -> memref<1x2x112xi32, #tpu.memory_space<vmem>>
    %dma_start3A_58 = tpu.memref_squeeze %dma_start3A_57 : memref<1x2x112xi32, #tpu.memory_space<vmem>> -> memref<2x112xi32, #tpu.memory_space<vmem>>
    %dma_start3A_59 = arith.constant 0 : i32
    %dma_start3A_60 = arith.constant 0 : i32
    %dma_start3A_61 = tpu.memref_slice %arg3[%add3A_46, %dma_start3A_59, %dma_start3A_60] : memref<2864x2x112xi32, #tpu.memory_space<hbm>> -> memref<1x2x112xi32, #tpu.memory_space<hbm>>
    %dma_start3A_62 = tpu.memref_squeeze %dma_start3A_61 : memref<1x2x112xi32, #tpu.memory_space<hbm>> -> memref<2x112xi32, #tpu.memory_space<hbm>>
    tpu.enqueue_dma source(%dma_start3A_62 : memref<2x112xi32, #tpu.memory_space<hbm>>) target(%dma_start3A_58 : memref<2x112xi32, #tpu.memory_space<vmem>>) target_semaphore(%arg14 : memref<!tpu.dma_semaphore, #tpu.memory_space<semaphore_mem>>)
    %mul3A_63 = arith.constant 112 : i32
    %mul3A_64 = arith.muli %min3A_45, %mul3A_63 : i32
    %add3A_65 = arith.addi %mul3A_6, %mul3A_64 : i32
    %dma_start3A_66 = arith.constant 1 : i32
    %dma_start3A_67 = arith.constant 0 : i32
    %dma_start3A_68 = tpu.memref_slice %arg11[%dma_start3A_66, %dma_start3A_67] : memref<4x112xi32, #tpu.memory_space<vmem>> -> memref<1x112xi32, #tpu.memory_space<vmem>>
    %dma_start3A_69 = tpu.memref_squeeze %dma_start3A_68 : memref<1x112xi32, #tpu.memory_space<vmem>> -> memref<112xi32, #tpu.memory_space<vmem>>
    %dma_start3A_70 = tpu.memref_slice %arg4[%add3A_65] : memref<320768xi32, #tpu.memory_space<hbm>> -> memref<112xi32, #tpu.memory_space<hbm>>
    %dma_start3A_71 = arith.constant 0 : i32
    %dma_start3A_72 = tpu.memref_slice %arg11[%dma_start3A_66, %dma_start3A_71] : memref<4x112xi32, #tpu.memory_space<vmem>> -> memref<1x112xi32, #tpu.memory_space<vmem>>
    %dma_start3A_73 = tpu.memref_squeeze %dma_start3A_72 : memref<1x112xi32, #tpu.memory_space<vmem>> -> memref<112xi32, #tpu.memory_space<vmem>>
    %dma_start3A_74 = tpu.memref_slice %arg4[%add3A_65] : memref<320768xi32, #tpu.memory_space<hbm>> -> memref<112xi32, #tpu.memory_space<hbm>>
    tpu.enqueue_dma source(%dma_start3A_74 : memref<112xi32, #tpu.memory_space<hbm>>) target(%dma_start3A_73 : memref<112xi32, #tpu.memory_space<vmem>>) target_semaphore(%arg14 : memref<!tpu.dma_semaphore, #tpu.memory_space<semaphore_mem>>)
    %dma_start3A_75 = arith.constant 0 : i32
    %dma_start3A_76 = arith.constant 0 : i32
    %dma_start3A_77 = arith.constant 0 : i32
    %dma_start3A_78 = arith.constant 0 : i32
    %dma_start3A_79 = arith.constant 0 : i32
    %dma_start3A_80 = tpu.memref_slice %arg13[%dma_start3A_77, %dma_start3A_78, %dma_start3A_79] : memref<2x112x128xf32, #tpu.memory_space<vmem>> -> memref<1x112x128xf32, #tpu.memory_space<vmem>>
    %dma_start3A_81 = tpu.memref_squeeze %dma_start3A_80 : memref<1x112x128xf32, #tpu.memory_space<vmem>> -> memref<112x128xf32, #tpu.memory_space<vmem>>
    %dma_start3A_82 = arith.constant 0 : i32
    %dma_start3A_83 = tpu.memref_slice %arg10[%dma_start3A_75, %dma_start3A_76, %dma_start3A_82] : memref<3x2x112xi32, #tpu.memory_space<vmem>> -> memref<1x1x112xi32, #tpu.memory_space<vmem>>
    %dma_start3A_84 = tpu.memref_squeeze %dma_start3A_83 : memref<1x1x112xi32, #tpu.memory_space<vmem>> -> memref<112xi32, #tpu.memory_space<vmem>>
    %dma_start3A_85 = arith.constant 0 : i32
    %dma_start3A_86 = arith.constant 0 : i32
    %dma_start3A_87 = tpu.memref_slice %arg2[%dma_start3A_85, %dma_start3A_86] : memref<10000x128xf32, #tpu.memory_space<hbm>> -> memref<10000x128xf32, #tpu.memory_space<hbm>>
    tpu.enqueue_indirect_dma source(%dma_start3A_87 : memref<10000x128xf32, #tpu.memory_space<hbm>>) target(%dma_start3A_81 : memref<112x128xf32, #tpu.memory_space<vmem>>) offsets(%dma_start3A_84 : memref<112xi32, #tpu.memory_space<vmem>>) semaphore(%arg15 : memref<!tpu.dma_semaphore, #tpu.memory_space<semaphore_mem>>)
    %sub3A_88 = arith.constant 0 : i32
    %sub3A_89 = arith.subi %select_n3A, %sub3A_88 : i32
    %sub3A_90 = arith.constant 1 : i32
    %sub3A_91 = arith.constant 1 : i32
    %sub3A_92 = arith.subi %sub3A_90, %sub3A_91 : i32
    %add3A_93 = arith.addi %sub3A_89, %sub3A_92 : i32
    %div3A = arith.constant 1 : i32
    %div3A_94 = arith.divsi %add3A_93, %div3A : i32
    %while3A = arith.constant 1 : i32
    %while3A_95 = arith.constant 0 : i32
    %while3A_96 = arith.constant 0 : i32
    %while3A_97 = arith.subi %div3A_94, %while3A_96 : i32
    %while3A_98 = arith.addi %while3A_96, %while3A_97 : i32
    %while3A_99 = arith.constant 1 : i32
    %while3A_100 = arith.divsi %while3A_97, %while3A_99 : i32
    %while3A_101 = arith.muli %while3A_100, %while3A_99 : i32
    %while3A_102 = arith.addi %while3A_96, %while3A_101 : i32
    %while3A_103 = arith.constant 1 : i32
    scf.for %while3A_160 = %while3A_96 to %while3A_102 step %while3A_103  : i32 {
      %mul3A_161 = arith.muli %while3A_160, %while3A : i32
      %add3A_162 = arith.addi %while3A_95, %mul3A_161 : i32
      %rem3A = arith.constant 3 : i32
      %rem3A_163 = arith.remsi %add3A_162, %rem3A : i32
      %rem3A_164 = arith.constant 4 : i32
      %rem3A_165 = arith.remsi %add3A_162, %rem3A_164 : i32
      %rem3A_166 = arith.constant 2 : i32
      %rem3A_167 = arith.remsi %add3A_162, %rem3A_166 : i32
      %add3A_168 = arith.constant 2 : i32
      %add3A_169 = arith.addi %add3A_162, %add3A_168 : i32
      %sub3A_170 = arith.constant 1 : i32
      %sub3A_171 = arith.subi %select_n3A, %sub3A_170 : i32
      %min3A_172 = arith.minsi %add3A_169, %sub3A_171 : i32
      %add3A_173 = arith.constant 2 : i32
      %add3A_174 = arith.addi %add3A_162, %add3A_173 : i32
      %rem3A_175 = arith.constant 3 : i32
      %rem3A_176 = arith.remsi %add3A_174, %rem3A_175 : i32
      %add3A_177 = arith.constant 2 : i32
      %add3A_178 = arith.addi %add3A_162, %add3A_177 : i32
      %rem3A_179 = arith.constant 4 : i32
      %rem3A_180 = arith.remsi %add3A_178, %rem3A_179 : i32
      %add3A_181 = arith.addi %add3A, %min3A_172 : i32
      %dma_start3A_182 = arith.constant 0 : i32
      %dma_start3A_183 = arith.constant 0 : i32
      %dma_start3A_184 = tpu.memref_slice %arg10[%rem3A_176, %dma_start3A_182, %dma_start3A_183] : memref<3x2x112xi32, #tpu.memory_space<vmem>> -> memref<1x2x112xi32, #tpu.memory_space<vmem>>
      %dma_start3A_185 = tpu.memref_squeeze %dma_start3A_184 : memref<1x2x112xi32, #tpu.memory_space<vmem>> -> memref<2x112xi32, #tpu.memory_space<vmem>>
      %dma_start3A_186 = arith.constant 0 : i32
      %dma_start3A_187 = arith.constant 0 : i32
      %dma_start3A_188 = tpu.memref_slice %arg3[%add3A_181, %dma_start3A_186, %dma_start3A_187] : memref<2864x2x112xi32, #tpu.memory_space<hbm>> -> memref<1x2x112xi32, #tpu.memory_space<hbm>>
      %dma_start3A_189 = tpu.memref_squeeze %dma_start3A_188 : memref<1x2x112xi32, #tpu.memory_space<hbm>> -> memref<2x112xi32, #tpu.memory_space<hbm>>
      %dma_start3A_190 = arith.constant 0 : i32
      %dma_start3A_191 = arith.constant 0 : i32
      %dma_start3A_192 = tpu.memref_slice %arg10[%rem3A_176, %dma_start3A_190, %dma_start3A_191] : memref<3x2x112xi32, #tpu.memory_space<vmem>> -> memref<1x2x112xi32, #tpu.memory_space<vmem>>
      %dma_start3A_193 = tpu.memref_squeeze %dma_start3A_192 : memref<1x2x112xi32, #tpu.memory_space<vmem>> -> memref<2x112xi32, #tpu.memory_space<vmem>>
      %dma_start3A_194 = arith.constant 0 : i32
      %dma_start3A_195 = arith.constant 0 : i32
      %dma_start3A_196 = tpu.memref_slice %arg3[%add3A_181, %dma_start3A_194, %dma_start3A_195] : memref<2864x2x112xi32, #tpu.memory_space<hbm>> -> memref<1x2x112xi32, #tpu.memory_space<hbm>>
      %dma_start3A_197 = tpu.memref_squeeze %dma_start3A_196 : memref<1x2x112xi32, #tpu.memory_space<hbm>> -> memref<2x112xi32, #tpu.memory_space<hbm>>
      tpu.enqueue_dma source(%dma_start3A_197 : memref<2x112xi32, #tpu.memory_space<hbm>>) target(%dma_start3A_193 : memref<2x112xi32, #tpu.memory_space<vmem>>) target_semaphore(%arg14 : memref<!tpu.dma_semaphore, #tpu.memory_space<semaphore_mem>>)
      %mul3A_198 = arith.constant 112 : i32
      %mul3A_199 = arith.muli %min3A_172, %mul3A_198 : i32
      %add3A_200 = arith.addi %mul3A_6, %mul3A_199 : i32
      %dma_start3A_201 = arith.constant 0 : i32
      %dma_start3A_202 = tpu.memref_slice %arg11[%rem3A_180, %dma_start3A_201] : memref<4x112xi32, #tpu.memory_space<vmem>> -> memref<1x112xi32, #tpu.memory_space<vmem>>
      %dma_start3A_203 = tpu.memref_squeeze %dma_start3A_202 : memref<1x112xi32, #tpu.memory_space<vmem>> -> memref<112xi32, #tpu.memory_space<vmem>>
      %dma_start3A_204 = tpu.memref_slice %arg4[%add3A_200] : memref<320768xi32, #tpu.memory_space<hbm>> -> memref<112xi32, #tpu.memory_space<hbm>>
      %dma_start3A_205 = arith.constant 0 : i32
      %dma_start3A_206 = tpu.memref_slice %arg11[%rem3A_180, %dma_start3A_205] : memref<4x112xi32, #tpu.memory_space<vmem>> -> memref<1x112xi32, #tpu.memory_space<vmem>>
      %dma_start3A_207 = tpu.memref_squeeze %dma_start3A_206 : memref<1x112xi32, #tpu.memory_space<vmem>> -> memref<112xi32, #tpu.memory_space<vmem>>
      %dma_start3A_208 = tpu.memref_slice %arg4[%add3A_200] : memref<320768xi32, #tpu.memory_space<hbm>> -> memref<112xi32, #tpu.memory_space<hbm>>
      tpu.enqueue_dma source(%dma_start3A_208 : memref<112xi32, #tpu.memory_space<hbm>>) target(%dma_start3A_207 : memref<112xi32, #tpu.memory_space<vmem>>) target_semaphore(%arg14 : memref<!tpu.dma_semaphore, #tpu.memory_space<semaphore_mem>>)
      %get3A = arith.constant 0 : i32
      %get3A_209 = arith.index_cast %rem3A_163 : i32 to index
      %get3A_210 = arith.index_cast %get3A : i32 to index
      %get3A_211 = arith.constant 0 : index
      %get3A_212 = tpu.vector_load %arg10[%get3A_209, %get3A_210, %get3A_211] {strides = array<i32>} : memref<3x2x112xi32, #tpu.memory_space<vmem>>, vector<16xi32>,
      %get3A_213 = arith.constant 1 : i32
      %get3A_214 = arith.index_cast %rem3A_163 : i32 to index
      %get3A_215 = arith.index_cast %get3A_213 : i32 to index
      %get3A_216 = arith.constant 0 : index
      %get3A_217 = tpu.vector_load %arg10[%get3A_214, %get3A_215, %get3A_216] {strides = array<i32>} : memref<3x2x112xi32, #tpu.memory_space<vmem>>, vector<16xi32>,
      %bitcast3A = vector.bitcast %get3A_217 : vector<16xi32> to vector<16xf32>
      %get3A_218 = arith.index_cast %rem3A_165 : i32 to index
      %get3A_219 = arith.constant 0 : index
      %get3A_220 = tpu.vector_load %arg11[%get3A_218, %get3A_219] {strides = array<i32>} : memref<4x112xi32, #tpu.memory_space<vmem>>, vector<16xi32>,
      %gather3A = tpu.vector_load_idx %arg8[%get3A_212] : memref<10000xf32, #tpu.memory_space<vmem>>[vector<16xi32>], vector<16xf32>,
      %gather3A_221 = tpu.vector_load_idx %arg9[%get3A_220] : memref<10000xf32, #tpu.memory_space<vmem>>[vector<16xi32>], vector<16xf32>,
      %add3A_222 = arith.addf %gather3A, %gather3A_221 : vector<16xf32>
      %add3A_223 = arith.addf %add3A_222, %add3A_222 : vector<16xf32>
      %exp3A = math.exp %add3A_223 : vector<16xf32>
      %add3A_224 = arith.constant 1.000000e+00 : f32
      %add3A_225 = vector.broadcast %add3A_224 : f32 to vector<16xf32>
      %add3A_226 = arith.addf %exp3A, %add3A_225 : vector<16xf32>
      %div3A_227 = arith.constant 2.000000e+00 : f32
      %div3A_228 = vector.broadcast %div3A_227 : f32 to vector<16xf32>
      %div3A_229 = arith.divf %div3A_228, %add3A_226 : vector<16xf32>
      %sub3A_230 = arith.constant 1.000000e+00 : f32
      %sub3A_231 = vector.broadcast %sub3A_230 : f32 to vector<16xf32>
      %sub3A_232 = arith.subf %sub3A_231, %div3A_229 : vector<16xf32>
      %mul3A_233 = arith.mulf %sub3A_232, %bitcast3A : vector<16xf32>
      %swap3A = arith.constant 0 : index
      %swap3A_234 = tpu.vector_load %arg12[%swap3A] {strides = array<i32>} : memref<112xf32, #tpu.memory_space<vmem>>, vector<16xf32>,
      tpu.vector_store %arg12[%swap3A], %mul3A_233 {strides = array<i32>} : memref<112xf32, #tpu.memory_space<vmem>>, vector<16xf32>,
      %get3A_235 = arith.constant 0 : i32
      %get3A_236 = arith.index_cast %rem3A_163 : i32 to index
      %get3A_237 = arith.index_cast %get3A_235 : i32 to index
      %get3A_238 = arith.constant 16 : index
      %get3A_239 = tpu.vector_load %arg10[%get3A_236, %get3A_237, %get3A_238] {strides = array<i32>} : memref<3x2x112xi32, #tpu.memory_space<vmem>>, vector<16xi32>,
      %get3A_240 = arith.constant 1 : i32
      %get3A_241 = arith.index_cast %rem3A_163 : i32 to index
      %get3A_242 = arith.index_cast %get3A_240 : i32 to index
      %get3A_243 = arith.constant 16 : index
      %get3A_244 = tpu.vector_load %arg10[%get3A_241, %get3A_242, %get3A_243] {strides = array<i32>} : memref<3x2x112xi32, #tpu.memory_space<vmem>>, vector<16xi32>,
      %bitcast3A_245 = vector.bitcast %get3A_244 : vector<16xi32> to vector<16xf32>
      %get3A_246 = arith.index_cast %rem3A_165 : i32 to index
      %get3A_247 = arith.constant 16 : index
      %get3A_248 = tpu.vector_load %arg11[%get3A_246, %get3A_247] {strides = array<i32>} : memref<4x112xi32, #tpu.memory_space<vmem>>, vector<16xi32>,
      %gather3A_249 = tpu.vector_load_idx %arg8[%get3A_239] : memref<10000xf32, #tpu.memory_space<vmem>>[vector<16xi32>], vector<16xf32>,
      %gather3A_250 = tpu.vector_load_idx %arg9[%get3A_248] : memref<10000xf32, #tpu.memory_space<vmem>>[vector<16xi32>], vector<16xf32>,
      %add3A_251 = arith.addf %gather3A_249, %gather3A_250 : vector<16xf32>
      %add3A_252 = arith.addf %add3A_251, %add3A_251 : vector<16xf32>
      %exp3A_253 = math.exp %add3A_252 : vector<16xf32>
      %add3A_254 = arith.constant 1.000000e+00 : f32
      %add3A_255 = vector.broadcast %add3A_254 : f32 to vector<16xf32>
      %add3A_256 = arith.addf %exp3A_253, %add3A_255 : vector<16xf32>
      %div3A_257 = arith.constant 2.000000e+00 : f32
      %div3A_258 = vector.broadcast %div3A_257 : f32 to vector<16xf32>
      %div3A_259 = arith.divf %div3A_258, %add3A_256 : vector<16xf32>
      %sub3A_260 = arith.constant 1.000000e+00 : f32
      %sub3A_261 = vector.broadcast %sub3A_260 : f32 to vector<16xf32>
      %sub3A_262 = arith.subf %sub3A_261, %div3A_259 : vector<16xf32>
      %mul3A_263 = arith.mulf %sub3A_262, %bitcast3A_245 : vector<16xf32>
      %swap3A_264 = arith.constant 16 : index
      %swap3A_265 = tpu.vector_load %arg12[%swap3A_264] {strides = array<i32>} : memref<112xf32, #tpu.memory_space<vmem>>, vector<16xf32>,
      tpu.vector_store %arg12[%swap3A_264], %mul3A_263 {strides = array<i32>} : memref<112xf32, #tpu.memory_space<vmem>>, vector<16xf32>,
      %get3A_266 = arith.constant 0 : i32
      %get3A_267 = arith.index_cast %rem3A_163 : i32 to index
      %get3A_268 = arith.index_cast %get3A_266 : i32 to index
      %get3A_269 = arith.constant 32 : index
      %get3A_270 = tpu.vector_load %arg10[%get3A_267, %get3A_268, %get3A_269] {strides = array<i32>} : memref<3x2x112xi32, #tpu.memory_space<vmem>>, vector<16xi32>,
      %get3A_271 = arith.constant 1 : i32
      %get3A_272 = arith.index_cast %rem3A_163 : i32 to index
      %get3A_273 = arith.index_cast %get3A_271 : i32 to index
      %get3A_274 = arith.constant 32 : index
      %get3A_275 = tpu.vector_load %arg10[%get3A_272, %get3A_273, %get3A_274] {strides = array<i32>} : memref<3x2x112xi32, #tpu.memory_space<vmem>>, vector<16xi32>,
      %bitcast3A_276 = vector.bitcast %get3A_275 : vector<16xi32> to vector<16xf32>
      %get3A_277 = arith.index_cast %rem3A_165 : i32 to index
      %get3A_278 = arith.constant 32 : index
      %get3A_279 = tpu.vector_load %arg11[%get3A_277, %get3A_278] {strides = array<i32>} : memref<4x112xi32, #tpu.memory_space<vmem>>, vector<16xi32>,
      %gather3A_280 = tpu.vector_load_idx %arg8[%get3A_270] : memref<10000xf32, #tpu.memory_space<vmem>>[vector<16xi32>], vector<16xf32>,
      %gather3A_281 = tpu.vector_load_idx %arg9[%get3A_279] : memref<10000xf32, #tpu.memory_space<vmem>>[vector<16xi32>], vector<16xf32>,
      %add3A_282 = arith.addf %gather3A_280, %gather3A_281 : vector<16xf32>
      %add3A_283 = arith.addf %add3A_282, %add3A_282 : vector<16xf32>
      %exp3A_284 = math.exp %add3A_283 : vector<16xf32>
      %add3A_285 = arith.constant 1.000000e+00 : f32
      %add3A_286 = vector.broadcast %add3A_285 : f32 to vector<16xf32>
      %add3A_287 = arith.addf %exp3A_284, %add3A_286 : vector<16xf32>
      %div3A_288 = arith.constant 2.000000e+00 : f32
      %div3A_289 = vector.broadcast %div3A_288 : f32 to vector<16xf32>
      %div3A_290 = arith.divf %div3A_289, %add3A_287 : vector<16xf32>
      %sub3A_291 = arith.constant 1.000000e+00 : f32
      %sub3A_292 = vector.broadcast %sub3A_291 : f32 to vector<16xf32>
      %sub3A_293 = arith.subf %sub3A_292, %div3A_290 : vector<16xf32>
      %mul3A_294 = arith.mulf %sub3A_293, %bitcast3A_276 : vector<16xf32>
      %swap3A_295 = arith.constant 32 : index
      %swap3A_296 = tpu.vector_load %arg12[%swap3A_295] {strides = array<i32>} : memref<112xf32, #tpu.memory_space<vmem>>, vector<16xf32>,
      tpu.vector_store %arg12[%swap3A_295], %mul3A_294 {strides = array<i32>} : memref<112xf32, #tpu.memory_space<vmem>>, vector<16xf32>,
      %get3A_297 = arith.constant 0 : i32
      %get3A_298 = arith.index_cast %rem3A_163 : i32 to index
      %get3A_299 = arith.index_cast %get3A_297 : i32 to index
      %get3A_300 = arith.constant 48 : index
      %get3A_301 = tpu.vector_load %arg10[%get3A_298, %get3A_299, %get3A_300] {strides = array<i32>} : memref<3x2x112xi32, #tpu.memory_space<vmem>>, vector<16xi32>,
      %get3A_302 = arith.constant 1 : i32
      %get3A_303 = arith.index_cast %rem3A_163 : i32 to index
      %get3A_304 = arith.index_cast %get3A_302 : i32 to index
      %get3A_305 = arith.constant 48 : index
      %get3A_306 = tpu.vector_load %arg10[%get3A_303, %get3A_304, %get3A_305] {strides = array<i32>} : memref<3x2x112xi32, #tpu.memory_space<vmem>>, vector<16xi32>,
      %bitcast3A_307 = vector.bitcast %get3A_306 : vector<16xi32> to vector<16xf32>
      %get3A_308 = arith.index_cast %rem3A_165 : i32 to index
      %get3A_309 = arith.constant 48 : index
      %get3A_310 = tpu.vector_load %arg11[%get3A_308, %get3A_309] {strides = array<i32>} : memref<4x112xi32, #tpu.memory_space<vmem>>, vector<16xi32>,
      %gather3A_311 = tpu.vector_load_idx %arg8[%get3A_301] : memref<10000xf32, #tpu.memory_space<vmem>>[vector<16xi32>], vector<16xf32>,
      %gather3A_312 = tpu.vector_load_idx %arg9[%get3A_310] : memref<10000xf32, #tpu.memory_space<vmem>>[vector<16xi32>], vector<16xf32>,
      %add3A_313 = arith.addf %gather3A_311, %gather3A_312 : vector<16xf32>
      %add3A_314 = arith.addf %add3A_313, %add3A_313 : vector<16xf32>
      %exp3A_315 = math.exp %add3A_314 : vector<16xf32>
      %add3A_316 = arith.constant 1.000000e+00 : f32
      %add3A_317 = vector.broadcast %add3A_316 : f32 to vector<16xf32>
      %add3A_318 = arith.addf %exp3A_315, %add3A_317 : vector<16xf32>
      %div3A_319 = arith.constant 2.000000e+00 : f32
      %div3A_320 = vector.broadcast %div3A_319 : f32 to vector<16xf32>
      %div3A_321 = arith.divf %div3A_320, %add3A_318 : vector<16xf32>
      %sub3A_322 = arith.constant 1.000000e+00 : f32
      %sub3A_323 = vector.broadcast %sub3A_322 : f32 to vector<16xf32>
      %sub3A_324 = arith.subf %sub3A_323, %div3A_321 : vector<16xf32>
      %mul3A_325 = arith.mulf %sub3A_324, %bitcast3A_307 : vector<16xf32>
      %swap3A_326 = arith.constant 48 : index
      %swap3A_327 = tpu.vector_load %arg12[%swap3A_326] {strides = array<i32>} : memref<112xf32, #tpu.memory_space<vmem>>, vector<16xf32>,
      tpu.vector_store %arg12[%swap3A_326], %mul3A_325 {strides = array<i32>} : memref<112xf32, #tpu.memory_space<vmem>>, vector<16xf32>,
      %get3A_328 = arith.constant 0 : i32
      %get3A_329 = arith.index_cast %rem3A_163 : i32 to index
      %get3A_330 = arith.index_cast %get3A_328 : i32 to index
      %get3A_331 = arith.constant 64 : index
      %get3A_332 = tpu.vector_load %arg10[%get3A_329, %get3A_330, %get3A_331] {strides = array<i32>} : memref<3x2x112xi32, #tpu.memory_space<vmem>>, vector<16xi32>,
      %get3A_333 = arith.constant 1 : i32
      %get3A_334 = arith.index_cast %rem3A_163 : i32 to index
      %get3A_335 = arith.index_cast %get3A_333 : i32 to index
      %get3A_336 = arith.constant 64 : index
      %get3A_337 = tpu.vector_load %arg10[%get3A_334, %get3A_335, %get3A_336] {strides = array<i32>} : memref<3x2x112xi32, #tpu.memory_space<vmem>>, vector<16xi32>,
      %bitcast3A_338 = vector.bitcast %get3A_337 : vector<16xi32> to vector<16xf32>
      %get3A_339 = arith.index_cast %rem3A_165 : i32 to index
      %get3A_340 = arith.constant 64 : index
      %get3A_341 = tpu.vector_load %arg11[%get3A_339, %get3A_340] {strides = array<i32>} : memref<4x112xi32, #tpu.memory_space<vmem>>, vector<16xi32>,
      %gather3A_342 = tpu.vector_load_idx %arg8[%get3A_332] : memref<10000xf32, #tpu.memory_space<vmem>>[vector<16xi32>], vector<16xf32>,
      %gather3A_343 = tpu.vector_load_idx %arg9[%get3A_341] : memref<10000xf32, #tpu.memory_space<vmem>>[vector<16xi32>], vector<16xf32>,
      %add3A_344 = arith.addf %gather3A_342, %gather3A_343 : vector<16xf32>
      %add3A_345 = arith.addf %add3A_344, %add3A_344 : vector<16xf32>
      %exp3A_346 = math.exp %add3A_345 : vector<16xf32>
      %add3A_347 = arith.constant 1.000000e+00 : f32
      %add3A_348 = vector.broadcast %add3A_347 : f32 to vector<16xf32>
      %add3A_349 = arith.addf %exp3A_346, %add3A_348 : vector<16xf32>
      %div3A_350 = arith.constant 2.000000e+00 : f32
      %div3A_351 = vector.broadcast %div3A_350 : f32 to vector<16xf32>
      %div3A_352 = arith.divf %div3A_351, %add3A_349 : vector<16xf32>
      %sub3A_353 = arith.constant 1.000000e+00 : f32
      %sub3A_354 = vector.broadcast %sub3A_353 : f32 to vector<16xf32>
      %sub3A_355 = arith.subf %sub3A_354, %div3A_352 : vector<16xf32>
      %mul3A_356 = arith.mulf %sub3A_355, %bitcast3A_338 : vector<16xf32>
      %swap3A_357 = arith.constant 64 : index
      %swap3A_358 = tpu.vector_load %arg12[%swap3A_357] {strides = array<i32>} : memref<112xf32, #tpu.memory_space<vmem>>, vector<16xf32>,
      tpu.vector_store %arg12[%swap3A_357], %mul3A_356 {strides = array<i32>} : memref<112xf32, #tpu.memory_space<vmem>>, vector<16xf32>,
      %get3A_359 = arith.constant 0 : i32
      %get3A_360 = arith.index_cast %rem3A_163 : i32 to index
      %get3A_361 = arith.index_cast %get3A_359 : i32 to index
      %get3A_362 = arith.constant 80 : index
      %get3A_363 = tpu.vector_load %arg10[%get3A_360, %get3A_361, %get3A_362] {strides = array<i32>} : memref<3x2x112xi32, #tpu.memory_space<vmem>>, vector<16xi32>,
      %get3A_364 = arith.constant 1 : i32
      %get3A_365 = arith.index_cast %rem3A_163 : i32 to index
      %get3A_366 = arith.index_cast %get3A_364 : i32 to index
      %get3A_367 = arith.constant 80 : index
      %get3A_368 = tpu.vector_load %arg10[%get3A_365, %get3A_366, %get3A_367] {strides = array<i32>} : memref<3x2x112xi32, #tpu.memory_space<vmem>>, vector<16xi32>,
      %bitcast3A_369 = vector.bitcast %get3A_368 : vector<16xi32> to vector<16xf32>
      %get3A_370 = arith.index_cast %rem3A_165 : i32 to index
      %get3A_371 = arith.constant 80 : index
      %get3A_372 = tpu.vector_load %arg11[%get3A_370, %get3A_371] {strides = array<i32>} : memref<4x112xi32, #tpu.memory_space<vmem>>, vector<16xi32>,
      %gather3A_373 = tpu.vector_load_idx %arg8[%get3A_363] : memref<10000xf32, #tpu.memory_space<vmem>>[vector<16xi32>], vector<16xf32>,
      %gather3A_374 = tpu.vector_load_idx %arg9[%get3A_372] : memref<10000xf32, #tpu.memory_space<vmem>>[vector<16xi32>], vector<16xf32>,
      %add3A_375 = arith.addf %gather3A_373, %gather3A_374 : vector<16xf32>
      %add3A_376 = arith.addf %add3A_375, %add3A_375 : vector<16xf32>
      %exp3A_377 = math.exp %add3A_376 : vector<16xf32>
      %add3A_378 = arith.constant 1.000000e+00 : f32
      %add3A_379 = vector.broadcast %add3A_378 : f32 to vector<16xf32>
      %add3A_380 = arith.addf %exp3A_377, %add3A_379 : vector<16xf32>
      %div3A_381 = arith.constant 2.000000e+00 : f32
      %div3A_382 = vector.broadcast %div3A_381 : f32 to vector<16xf32>
      %div3A_383 = arith.divf %div3A_382, %add3A_380 : vector<16xf32>
      %sub3A_384 = arith.constant 1.000000e+00 : f32
      %sub3A_385 = vector.broadcast %sub3A_384 : f32 to vector<16xf32>
      %sub3A_386 = arith.subf %sub3A_385, %div3A_383 : vector<16xf32>
      %mul3A_387 = arith.mulf %sub3A_386, %bitcast3A_369 : vector<16xf32>
      %swap3A_388 = arith.constant 80 : index
      %swap3A_389 = tpu.vector_load %arg12[%swap3A_388] {strides = array<i32>} : memref<112xf32, #tpu.memory_space<vmem>>, vector<16xf32>,
      tpu.vector_store %arg12[%swap3A_388], %mul3A_387 {strides = array<i32>} : memref<112xf32, #tpu.memory_space<vmem>>, vector<16xf32>,
      %get3A_390 = arith.constant 0 : i32
      %get3A_391 = arith.index_cast %rem3A_163 : i32 to index
      %get3A_392 = arith.index_cast %get3A_390 : i32 to index
      %get3A_393 = arith.constant 96 : index
      %get3A_394 = tpu.vector_load %arg10[%get3A_391, %get3A_392, %get3A_393] {strides = array<i32>} : memref<3x2x112xi32, #tpu.memory_space<vmem>>, vector<16xi32>,
      %get3A_395 = arith.constant 1 : i32
      %get3A_396 = arith.index_cast %rem3A_163 : i32 to index
      %get3A_397 = arith.index_cast %get3A_395 : i32 to index
      %get3A_398 = arith.constant 96 : index
      %get3A_399 = tpu.vector_load %arg10[%get3A_396, %get3A_397, %get3A_398] {strides = array<i32>} : memref<3x2x112xi32, #tpu.memory_space<vmem>>, vector<16xi32>,
      %bitcast3A_400 = vector.bitcast %get3A_399 : vector<16xi32> to vector<16xf32>
      %get3A_401 = arith.index_cast %rem3A_165 : i32 to index
      %get3A_402 = arith.constant 96 : index
      %get3A_403 = tpu.vector_load %arg11[%get3A_401, %get3A_402] {strides = array<i32>} : memref<4x112xi32, #tpu.memory_space<vmem>>, vector<16xi32>,
      %gather3A_404 = tpu.vector_load_idx %arg8[%get3A_394] : memref<10000xf32, #tpu.memory_space<vmem>>[vector<16xi32>], vector<16xf32>,
      %gather3A_405 = tpu.vector_load_idx %arg9[%get3A_403] : memref<10000xf32, #tpu.memory_space<vmem>>[vector<16xi32>], vector<16xf32>,
      %add3A_406 = arith.addf %gather3A_404, %gather3A_405 : vector<16xf32>
      %add3A_407 = arith.addf %add3A_406, %add3A_406 : vector<16xf32>
      %exp3A_408 = math.exp %add3A_407 : vector<16xf32>
      %add3A_409 = arith.constant 1.000000e+00 : f32
      %add3A_410 = vector.broadcast %add3A_409 : f32 to vector<16xf32>
      %add3A_411 = arith.addf %exp3A_408, %add3A_410 : vector<16xf32>
      %div3A_412 = arith.constant 2.000000e+00 : f32
      %div3A_413 = vector.broadcast %div3A_412 : f32 to vector<16xf32>
      %div3A_414 = arith.divf %div3A_413, %add3A_411 : vector<16xf32>
      %sub3A_415 = arith.constant 1.000000e+00 : f32
      %sub3A_416 = vector.broadcast %sub3A_415 : f32 to vector<16xf32>
      %sub3A_417 = arith.subf %sub3A_416, %div3A_414 : vector<16xf32>
      %mul3A_418 = arith.mulf %sub3A_417, %bitcast3A_400 : vector<16xf32>
      %swap3A_419 = arith.constant 96 : index
      %swap3A_420 = tpu.vector_load %arg12[%swap3A_419] {strides = array<i32>} : memref<112xf32, #tpu.memory_space<vmem>>, vector<16xf32>,
      tpu.vector_store %arg12[%swap3A_419], %mul3A_418 {strides = array<i32>} : memref<112xf32, #tpu.memory_space<vmem>>, vector<16xf32>,
      %dma_wait3A_421 = arith.constant 0 : i32
      %dma_wait3A_422 = arith.constant 0 : i32
      %dma_wait3A_423 = arith.constant 0 : i32
      %dma_wait3A_424 = tpu.memref_slice %arg10[%dma_wait3A_421, %dma_wait3A_422, %dma_wait3A_423] : memref<3x2x112xi32, #tpu.memory_space<vmem>> -> memref<1x2x112xi32, #tpu.memory_space<vmem>>
      %dma_wait3A_425 = tpu.memref_squeeze %dma_wait3A_424 : memref<1x2x112xi32, #tpu.memory_space<vmem>> -> memref<2x112xi32, #tpu.memory_space<vmem>>
      %dma_wait3A_426 = arith.constant 0 : i32
      %dma_wait3A_427 = arith.constant 0 : i32
      %dma_wait3A_428 = tpu.memref_slice %arg3[%add3A, %dma_wait3A_426, %dma_wait3A_427] : memref<2864x2x112xi32, #tpu.memory_space<hbm>> -> memref<1x2x112xi32, #tpu.memory_space<hbm>>
      %dma_wait3A_429 = tpu.memref_squeeze %dma_wait3A_428 : memref<1x2x112xi32, #tpu.memory_space<hbm>> -> memref<2x112xi32, #tpu.memory_space<hbm>>
      %dma_wait3A_430 = arith.constant 0 : i32
      %dma_wait3A_431 = arith.constant 0 : i32
      %dma_wait3A_432 = tpu.memref_slice %arg10[%dma_wait3A_421, %dma_wait3A_430, %dma_wait3A_431] : memref<3x2x112xi32, #tpu.memory_space<vmem>> -> memref<1x2x112xi32, #tpu.memory_space<vmem>>
      %dma_wait3A_433 = tpu.memref_squeeze %dma_wait3A_432 : memref<1x2x112xi32, #tpu.memory_space<vmem>> -> memref<2x112xi32, #tpu.memory_space<vmem>>
      %dma_wait3A_434 = arith.constant 0 : i32
      %dma_wait3A_435 = arith.constant 0 : i32
      %dma_wait3A_436 = tpu.memref_slice %arg3[%add3A, %dma_wait3A_434, %dma_wait3A_435] : memref<2864x2x112xi32, #tpu.memory_space<hbm>> -> memref<1x2x112xi32, #tpu.memory_space<hbm>>
      %dma_wait3A_437 = tpu.memref_squeeze %dma_wait3A_436 : memref<1x2x112xi32, #tpu.memory_space<hbm>> -> memref<2x112xi32, #tpu.memory_space<hbm>>
      tpu.wait_dma2 semaphore(%arg14 : memref<!tpu.dma_semaphore, #tpu.memory_space<semaphore_mem>>) src(%dma_wait3A_437 : memref<2x112xi32, #tpu.memory_space<hbm>>) dst(%dma_wait3A_433 : memref<2x112xi32, #tpu.memory_space<vmem>>)
      %dma_wait3A_438 = arith.constant 0 : i32
      %dma_wait3A_439 = arith.constant 0 : i32
      %dma_wait3A_440 = tpu.memref_slice %arg11[%dma_wait3A_438, %dma_wait3A_439] : memref<4x112xi32, #tpu.memory_space<vmem>> -> memref<1x112xi32, #tpu.memory_space<vmem>>
      %dma_wait3A_441 = tpu.memref_squeeze %dma_wait3A_440 : memref<1x112xi32, #tpu.memory_space<vmem>> -> memref<112xi32, #tpu.memory_space<vmem>>
      %dma_wait3A_442 = tpu.memref_slice %arg4[%mul3A_6] : memref<320768xi32, #tpu.memory_space<hbm>> -> memref<112xi32, #tpu.memory_space<hbm>>
      %dma_wait3A_443 = arith.constant 0 : i32
      %dma_wait3A_444 = tpu.memref_slice %arg11[%dma_wait3A_438, %dma_wait3A_443] : memref<4x112xi32, #tpu.memory_space<vmem>> -> memref<1x112xi32, #tpu.memory_space<vmem>>
      %dma_wait3A_445 = tpu.memref_squeeze %dma_wait3A_444 : memref<1x112xi32, #tpu.memory_space<vmem>> -> memref<112xi32, #tpu.memory_space<vmem>>
      %dma_wait3A_446 = tpu.memref_slice %arg4[%mul3A_6] : memref<320768xi32, #tpu.memory_space<hbm>> -> memref<112xi32, #tpu.memory_space<hbm>>
      tpu.wait_dma2 semaphore(%arg14 : memref<!tpu.dma_semaphore, #tpu.memory_space<semaphore_mem>>) src(%dma_wait3A_446 : memref<112xi32, #tpu.memory_space<hbm>>) dst(%dma_wait3A_445 : memref<112xi32, #tpu.memory_space<vmem>>)
      %ge3A = arith.constant 1 : i32
      %ge3A_447 = arith.cmpi sge, %add3A_162, %ge3A : i32
      %convert_element_type3A = arith.extui %ge3A_447 : i1 to i32
      %cond3A = arith.constant 0 : i32
      %cond3A_448 = arith.cmpi ne, %convert_element_type3A, %cond3A : i32
      scf.if %cond3A_448 {
        %dma_wait3A_501 = arith.constant 0 : i32
        %dma_wait3A_502 = arith.constant 0 : i32
        %dma_wait3A_503 = arith.constant 0 : i32
        %dma_wait3A_504 = arith.constant 0 : i32
        %dma_wait3A_505 = tpu.memref_slice %arg13[%dma_wait3A_501, %dma_wait3A_503, %dma_wait3A_504] : memref<2x112x128xf32, #tpu.memory_space<vmem>> -> memref<1x112x128xf32, #tpu.memory_space<vmem>>
        %dma_wait3A_506 = tpu.memref_squeeze %dma_wait3A_505 : memref<1x112x128xf32, #tpu.memory_space<vmem>> -> memref<112x128xf32, #tpu.memory_space<vmem>>
        %dma_wait3A_507 = arith.constant 0 : i32
        %dma_wait3A_508 = tpu.memref_slice %arg11[%dma_wait3A_502, %dma_wait3A_507] : memref<4x112xi32, #tpu.memory_space<vmem>> -> memref<1x112xi32, #tpu.memory_space<vmem>>
        %dma_wait3A_509 = tpu.memref_squeeze %dma_wait3A_508 : memref<1x112xi32, #tpu.memory_space<vmem>> -> memref<112xi32, #tpu.memory_space<vmem>>
        %dma_wait3A_510 = arith.constant 0 : i32
        %dma_wait3A_511 = arith.constant 0 : i32
        %dma_wait3A_512 = tpu.memref_slice %arg7[%dma_wait3A_510, %dma_wait3A_511] : memref<10000x128xf32, #tpu.memory_space<vmem_shared>> -> memref<10000x128xf32, #tpu.memory_space<vmem_shared>>
        tpu.wait_indirect_dma semaphore(%arg16 : memref<!tpu.dma_semaphore, #tpu.memory_space<semaphore_mem>>) src(%dma_wait3A_506 : memref<112x128xf32, #tpu.memory_space<vmem>>) dst(%dma_wait3A_512 : memref<10000x128xf32, #tpu.memory_space<vmem_shared>>)
      } else {
      }
      %add3A_449 = arith.constant 1 : i32
      %add3A_450 = arith.addi %add3A_162, %add3A_449 : i32
      %sub3A_451 = arith.constant 1 : i32
      %sub3A_452 = arith.subi %select_n3A, %sub3A_451 : i32
      %min3A_453 = arith.minsi %add3A_450, %sub3A_452 : i32
      %add3A_454 = arith.constant 1 : i32
      %add3A_455 = arith.addi %add3A_162, %add3A_454 : i32
      %rem3A_456 = arith.constant 3 : i32
      %rem3A_457 = arith.remsi %add3A_455, %rem3A_456 : i32
      %add3A_458 = arith.constant 1 : i32
      %add3A_459 = arith.addi %add3A_162, %add3A_458 : i32
      %rem3A_460 = arith.constant 2 : i32
      %rem3A_461 = arith.remsi %add3A_459, %rem3A_460 : i32
      %dma_start3A_462 = arith.constant 0 : i32
      %dma_start3A_463 = arith.constant 0 : i32
      %dma_start3A_464 = arith.constant 0 : i32
      %dma_start3A_465 = tpu.memref_slice %arg13[%rem3A_461, %dma_start3A_463, %dma_start3A_464] : memref<2x112x128xf32, #tpu.memory_space<vmem>> -> memref<1x112x128xf32, #tpu.memory_space<vmem>>
      %dma_start3A_466 = tpu.memref_squeeze %dma_start3A_465 : memref<1x112x128xf32, #tpu.memory_space<vmem>> -> memref<112x128xf32, #tpu.memory_space<vmem>>
      %dma_start3A_467 = arith.constant 0 : i32
      %dma_start3A_468 = tpu.memref_slice %arg10[%rem3A_457, %dma_start3A_462, %dma_start3A_467] : memref<3x2x112xi32, #tpu.memory_space<vmem>> -> memref<1x1x112xi32, #tpu.memory_space<vmem>>
      %dma_start3A_469 = tpu.memref_squeeze %dma_start3A_468 : memref<1x1x112xi32, #tpu.memory_space<vmem>> -> memref<112xi32, #tpu.memory_space<vmem>>
      %dma_start3A_470 = arith.constant 0 : i32
      %dma_start3A_471 = arith.constant 0 : i32
      %dma_start3A_472 = tpu.memref_slice %arg2[%dma_start3A_470, %dma_start3A_471] : memref<10000x128xf32, #tpu.memory_space<hbm>> -> memref<10000x128xf32, #tpu.memory_space<hbm>>
      tpu.enqueue_indirect_dma source(%dma_start3A_472 : memref<10000x128xf32, #tpu.memory_space<hbm>>) target(%dma_start3A_466 : memref<112x128xf32, #tpu.memory_space<vmem>>) offsets(%dma_start3A_469 : memref<112xi32, #tpu.memory_space<vmem>>) semaphore(%arg15 : memref<!tpu.dma_semaphore, #tpu.memory_space<semaphore_mem>>)
      %dma_wait3A_473 = arith.constant 0 : i32
      %dma_wait3A_474 = arith.constant 0 : i32
      %dma_wait3A_475 = arith.constant 0 : i32
      %dma_wait3A_476 = arith.constant 0 : i32
      %dma_wait3A_477 = arith.constant 0 : i32
      %dma_wait3A_478 = tpu.memref_slice %arg13[%dma_wait3A_475, %dma_wait3A_476, %dma_wait3A_477] : memref<2x112x128xf32, #tpu.memory_space<vmem>> -> memref<1x112x128xf32, #tpu.memory_space<vmem>>
      %dma_wait3A_479 = tpu.memref_squeeze %dma_wait3A_478 : memref<1x112x128xf32, #tpu.memory_space<vmem>> -> memref<112x128xf32, #tpu.memory_space<vmem>>
      %dma_wait3A_480 = arith.constant 0 : i32
      %dma_wait3A_481 = tpu.memref_slice %arg10[%dma_wait3A_473, %dma_wait3A_474, %dma_wait3A_480] : memref<3x2x112xi32, #tpu.memory_space<vmem>> -> memref<1x1x112xi32, #tpu.memory_space<vmem>>
      %dma_wait3A_482 = tpu.memref_squeeze %dma_wait3A_481 : memref<1x1x112xi32, #tpu.memory_space<vmem>> -> memref<112xi32, #tpu.memory_space<vmem>>
      %dma_wait3A_483 = arith.constant 0 : i32
      %dma_wait3A_484 = arith.constant 0 : i32
      %dma_wait3A_485 = tpu.memref_slice %arg2[%dma_wait3A_483, %dma_wait3A_484] : memref<10000x128xf32, #tpu.memory_space<hbm>> -> memref<10000x128xf32, #tpu.memory_space<hbm>>
      tpu.wait_indirect_dma semaphore(%arg15 : memref<!tpu.dma_semaphore, #tpu.memory_space<semaphore_mem>>) src(%dma_wait3A_485 : memref<10000x128xf32, #tpu.memory_space<hbm>>) dst(%dma_wait3A_479 : memref<112x128xf32, #tpu.memory_space<vmem>>)
      %scan3A_486 = arith.constant 0 : i32
      %scan3A_487 = arith.constant 112 : i32
      %scan3A_488 = arith.addi %scan3A_486, %scan3A_487 : i32
      %scan3A_489 = arith.constant 4 : i32
      scf.for %scan3A_501 = %scan3A_486 to %scan3A_488 step %scan3A_489  : i32 {
        %mul3A_502 = arith.constant 1 : i32
        %mul3A_503 = arith.muli %scan3A_501, %mul3A_502 : i32
        %add3A_504 = arith.constant 0 : i32
        %add3A_505 = arith.addi %add3A_504, %mul3A_503 : i32
        %broadcast_in_dim3A = vector.broadcast %add3A_505 : i32 to vector<16xi32>
        %gather3A_506 = tpu.vector_load_idx %arg12[%broadcast_in_dim3A] : memref<112xf32, #tpu.memory_space<vmem>>[vector<16xi32>], vector<16xf32>,
        %get3A_507 = arith.index_cast %rem3A_167 : i32 to index
        %get3A_508 = arith.index_cast %add3A_505 : i32 to index
        %get3A_509 = arith.constant 0 : index
        %get3A_510 = tpu.vector_load %arg13[%get3A_507, %get3A_508, %get3A_509] {strides = array<i32>} : memref<2x112x128xf32, #tpu.memory_space<vmem>>, vector<16xf32>,
        %mul3A_511 = arith.mulf %get3A_510, %gather3A_506 : vector<16xf32>
        %swap3A_512 = arith.index_cast %rem3A_167 : i32 to index
        %swap3A_513 = arith.index_cast %add3A_505 : i32 to index
        %swap3A_514 = arith.constant 0 : index
        %swap3A_515 = tpu.vector_load %arg13[%swap3A_512, %swap3A_513, %swap3A_514] {strides = array<i32>} : memref<2x112x128xf32, #tpu.memory_space<vmem>>, vector<16xf32>,
        tpu.vector_store %arg13[%swap3A_512, %swap3A_513, %swap3A_514], %mul3A_511 {strides = array<i32>} : memref<2x112x128xf32, #tpu.memory_space<vmem>>, vector<16xf32>,
        %get3A_516 = arith.index_cast %rem3A_167 : i32 to index
        %get3A_517 = arith.index_cast %add3A_505 : i32 to index
        %get3A_518 = arith.constant 16 : index
        %get3A_519 = tpu.vector_load %arg13[%get3A_516, %get3A_517, %get3A_518] {strides = array<i32>} : memref<2x112x128xf32, #tpu.memory_space<vmem>>, vector<16xf32>,
        %mul3A_520 = arith.mulf %get3A_519, %gather3A_506 : vector<16xf32>
        %swap3A_521 = arith.index_cast %rem3A_167 : i32 to index
        %swap3A_522 = arith.index_cast %add3A_505 : i32 to index
        %swap3A_523 = arith.constant 16 : index
        %swap3A_524 = tpu.vector_load %arg13[%swap3A_521, %swap3A_522, %swap3A_523] {strides = array<i32>} : memref<2x112x128xf32, #tpu.memory_space<vmem>>, vector<16xf32>,
        tpu.vector_store %arg13[%swap3A_521, %swap3A_522, %swap3A_523], %mul3A_520 {strides = array<i32>} : memref<2x112x128xf32, #tpu.memory_space<vmem>>, vector<16xf32>,
        %get3A_525 = arith.index_cast %rem3A_167 : i32 to index
        %get3A_526 = arith.index_cast %add3A_505 : i32 to index
        %get3A_527 = arith.constant 32 : index
        %get3A_528 = tpu.vector_load %arg13[%get3A_525, %get3A_526, %get3A_527] {strides = array<i32>} : memref<2x112x128xf32, #tpu.memory_space<vmem>>, vector<16xf32>,
        %mul3A_529 = arith.mulf %get3A_528, %gather3A_506 : vector<16xf32>
        %swap3A_530 = arith.index_cast %rem3A_167 : i32 to index
        %swap3A_531 = arith.index_cast %add3A_505 : i32 to index
        %swap3A_532 = arith.constant 32 : index
        %swap3A_533 = tpu.vector_load %arg13[%swap3A_530, %swap3A_531, %swap3A_532] {strides = array<i32>} : memref<2x112x128xf32, #tpu.memory_space<vmem>>, vector<16xf32>,
        tpu.vector_store %arg13[%swap3A_530, %swap3A_531, %swap3A_532], %mul3A_529 {strides = array<i32>} : memref<2x112x128xf32, #tpu.memory_space<vmem>>, vector<16xf32>,
        %get3A_534 = arith.index_cast %rem3A_167 : i32 to index
        %get3A_535 = arith.index_cast %add3A_505 : i32 to index
        %get3A_536 = arith.constant 48 : index
        %get3A_537 = tpu.vector_load %arg13[%get3A_534, %get3A_535, %get3A_536] {strides = array<i32>} : memref<2x112x128xf32, #tpu.memory_space<vmem>>, vector<16xf32>,
        %mul3A_538 = arith.mulf %get3A_537, %gather3A_506 : vector<16xf32>
        %swap3A_539 = arith.index_cast %rem3A_167 : i32 to index
        %swap3A_540 = arith.index_cast %add3A_505 : i32 to index
        %swap3A_541 = arith.constant 48 : index
        %swap3A_542 = tpu.vector_load %arg13[%swap3A_539, %swap3A_540, %swap3A_541] {strides = array<i32>} : memref<2x112x128xf32, #tpu.memory_space<vmem>>, vector<16xf32>,
        tpu.vector_store %arg13[%swap3A_539, %swap3A_540, %swap3A_541], %mul3A_538 {strides = array<i32>} : memref<2x112x128xf32, #tpu.memory_space<vmem>>, vector<16xf32>,
        %get3A_543 = arith.index_cast %rem3A_167 : i32 to index
        %get3A_544 = arith.index_cast %add3A_505 : i32 to index
        %get3A_545 = arith.constant 64 : index
        %get3A_546 = tpu.vector_load %arg13[%get3A_543, %get3A_544, %get3A_545] {strides = array<i32>} : memref<2x112x128xf32, #tpu.memory_space<vmem>>, vector<16xf32>,
        %mul3A_547 = arith.mulf %get3A_546, %gather3A_506 : vector<16xf32>
        %swap3A_548 = arith.index_cast %rem3A_167 : i32 to index
        %swap3A_549 = arith.index_cast %add3A_505 : i32 to index
        %swap3A_550 = arith.constant 64 : index
        %swap3A_551 = tpu.vector_load %arg13[%swap3A_548, %swap3A_549, %swap3A_550] {strides = array<i32>} : memref<2x112x128xf32, #tpu.memory_space<vmem>>, vector<16xf32>,
        tpu.vector_store %arg13[%swap3A_548, %swap3A_549, %swap3A_550], %mul3A_547 {strides = array<i32>} : memref<2x112x128xf32, #tpu.memory_space<vmem>>, vector<16xf32>,
        %get3A_552 = arith.index_cast %rem3A_167 : i32 to index
        %get3A_553 = arith.index_cast %add3A_505 : i32 to index
        %get3A_554 = arith.constant 80 : index
        %get3A_555 = tpu.vector_load %arg13[%get3A_552, %get3A_553, %get3A_554] {strides = array<i32>} : memref<2x112x128xf32, #tpu.memory_space<vmem>>, vector<16xf32>,
        %mul3A_556 = arith.mulf %get3A_555, %gather3A_506 : vector<16xf32>
        %swap3A_557 = arith.index_cast %rem3A_167 : i32 to index
        %swap3A_558 = arith.index_cast %add3A_505 : i32 to index
        %swap3A_559 = arith.constant 80 : index
        %swap3A_560 = tpu.vector_load %arg13[%swap3A_557, %swap3A_558, %swap3A_559] {strides = array<i32>} : memref<2x112x128xf32, #tpu.memory_space<vmem>>, vector<16xf32>,
        tpu.vector_store %arg13[%swap3A_557, %swap3A_558, %swap3A_559], %mul3A_556 {strides = array<i32>} : memref<2x112x128xf32, #tpu.memory_space<vmem>>, vector<16xf32>,
        %get3A_561 = arith.index_cast %rem3A_167 : i32 to index
        %get3A_562 = arith.index_cast %add3A_505 : i32 to index
        %get3A_563 = arith.constant 96 : index
        %get3A_564 = tpu.vector_load %arg13[%get3A_561, %get3A_562, %get3A_563] {strides = array<i32>} : memref<2x112x128xf32, #tpu.memory_space<vmem>>, vector<16xf32>,
        %mul3A_565 = arith.mulf %get3A_564, %gather3A_506 : vector<16xf32>
        %swap3A_566 = arith.index_cast %rem3A_167 : i32 to index
        %swap3A_567 = arith.index_cast %add3A_505 : i32 to index
        %swap3A_568 = arith.constant 96 : index
        %swap3A_569 = tpu.vector_load %arg13[%swap3A_566, %swap3A_567, %swap3A_568] {strides = array<i32>} : memref<2x112x128xf32, #tpu.memory_space<vmem>>, vector<16xf32>,
        tpu.vector_store %arg13[%swap3A_566, %swap3A_567, %swap3A_568], %mul3A_565 {strides = array<i32>} : memref<2x112x128xf32, #tpu.memory_space<vmem>>, vector<16xf32>,
        %get3A_570 = arith.index_cast %rem3A_167 : i32 to index
        %get3A_571 = arith.index_cast %add3A_505 : i32 to index
        %get3A_572 = arith.constant 112 : index
        %get3A_573 = tpu.vector_load %arg13[%get3A_570, %get3A_571, %get3A_572] {strides = array<i32>} : memref<2x112x128xf32, #tpu.memory_space<vmem>>, vector<16xf32>,
        %mul3A_574 = arith.mulf %get3A_573, %gather3A_506 : vector<16xf32>
        %swap3A_575 = arith.index_cast %rem3A_167 : i32 to index
        %swap3A_576 = arith.index_cast %add3A_505 : i32 to index
        %swap3A_577 = arith.constant 112 : index
        %swap3A_578 = tpu.vector_load %arg13[%swap3A_575, %swap3A_576, %swap3A_577] {strides = array<i32>} : memref<2x112x128xf32, #tpu.memory_space<vmem>>, vector<16xf32>,
        tpu.vector_store %arg13[%swap3A_575, %swap3A_576, %swap3A_577], %mul3A_574 {strides = array<i32>} : memref<2x112x128xf32, #tpu.memory_space<vmem>>, vector<16xf32>,
        %scan3A_579 = arith.constant 1 : i32
        %scan3A_580 = arith.addi %scan3A_501, %scan3A_579 : i32
        %mul3A_581 = arith.constant 1 : i32
        %mul3A_582 = arith.muli %scan3A_580, %mul3A_581 : i32
        %add3A_583 = arith.constant 0 : i32
        %add3A_584 = arith.addi %add3A_583, %mul3A_582 : i32
        %broadcast_in_dim3A_585 = vector.broadcast %add3A_584 : i32 to vector<16xi32>
        %gather3A_586 = tpu.vector_load_idx %arg12[%broadcast_in_dim3A_585] : memref<112xf32, #tpu.memory_space<vmem>>[vector<16xi32>], vector<16xf32>,
        %get3A_587 = arith.index_cast %rem3A_167 : i32 to index
        %get3A_588 = arith.index_cast %add3A_584 : i32 to index
        %get3A_589 = arith.constant 0 : index
        %get3A_590 = tpu.vector_load %arg13[%get3A_587, %get3A_588, %get3A_589] {strides = array<i32>} : memref<2x112x128xf32, #tpu.memory_space<vmem>>, vector<16xf32>,
        %mul3A_591 = arith.mulf %get3A_590, %gather3A_586 : vector<16xf32>
        %swap3A_592 = arith.index_cast %rem3A_167 : i32 to index
        %swap3A_593 = arith.index_cast %add3A_584 : i32 to index
        %swap3A_594 = arith.constant 0 : index
        %swap3A_595 = tpu.vector_load %arg13[%swap3A_592, %swap3A_593, %swap3A_594] {strides = array<i32>} : memref<2x112x128xf32, #tpu.memory_space<vmem>>, vector<16xf32>,
        tpu.vector_store %arg13[%swap3A_592, %swap3A_593, %swap3A_594], %mul3A_591 {strides = array<i32>} : memref<2x112x128xf32, #tpu.memory_space<vmem>>, vector<16xf32>,
        %get3A_596 = arith.index_cast %rem3A_167 : i32 to index
        %get3A_597 = arith.index_cast %add3A_584 : i32 to index
        %get3A_598 = arith.constant 16 : index
        %get3A_599 = tpu.vector_load %arg13[%get3A_596, %get3A_597, %get3A_598] {strides = array<i32>} : memref<2x112x128xf32, #tpu.memory_space<vmem>>, vector<16xf32>,
        %mul3A_600 = arith.mulf %get3A_599, %gather3A_586 : vector<16xf32>
        %swap3A_601 = arith.index_cast %rem3A_167 : i32 to index
        %swap3A_602 = arith.index_cast %add3A_584 : i32 to index
        %swap3A_603 = arith.constant 16 : index
        %swap3A_604 = tpu.vector_load %arg13[%swap3A_601, %swap3A_602, %swap3A_603] {strides = array<i32>} : memref<2x112x128xf32, #tpu.memory_space<vmem>>, vector<16xf32>,
        tpu.vector_store %arg13[%swap3A_601, %swap3A_602, %swap3A_603], %mul3A_600 {strides = array<i32>} : memref<2x112x128xf32, #tpu.memory_space<vmem>>, vector<16xf32>,
        %get3A_605 = arith.index_cast %rem3A_167 : i32 to index
        %get3A_606 = arith.index_cast %add3A_584 : i32 to index
        %get3A_607 = arith.constant 32 : index
        %get3A_608 = tpu.vector_load %arg13[%get3A_605, %get3A_606, %get3A_607] {strides = array<i32>} : memref<2x112x128xf32, #tpu.memory_space<vmem>>, vector<16xf32>,
        %mul3A_609 = arith.mulf %get3A_608, %gather3A_586 : vector<16xf32>
        %swap3A_610 = arith.index_cast %rem3A_167 : i32 to index
        %swap3A_611 = arith.index_cast %add3A_584 : i32 to index
        %swap3A_612 = arith.constant 32 : index
        %swap3A_613 = tpu.vector_load %arg13[%swap3A_610, %swap3A_611, %swap3A_612] {strides = array<i32>} : memref<2x112x128xf32, #tpu.memory_space<vmem>>, vector<16xf32>,
        tpu.vector_store %arg13[%swap3A_610, %swap3A_611, %swap3A_612], %mul3A_609 {strides = array<i32>} : memref<2x112x128xf32, #tpu.memory_space<vmem>>, vector<16xf32>,
        %get3A_614 = arith.index_cast %rem3A_167 : i32 to index
        %get3A_615 = arith.index_cast %add3A_584 : i32 to index
        %get3A_616 = arith.constant 48 : index
        %get3A_617 = tpu.vector_load %arg13[%get3A_614, %get3A_615, %get3A_616] {strides = array<i32>} : memref<2x112x128xf32, #tpu.memory_space<vmem>>, vector<16xf32>,
        %mul3A_618 = arith.mulf %get3A_617, %gather3A_586 : vector<16xf32>
        %swap3A_619 = arith.index_cast %rem3A_167 : i32 to index
        %swap3A_620 = arith.index_cast %add3A_584 : i32 to index
        %swap3A_621 = arith.constant 48 : index
        %swap3A_622 = tpu.vector_load %arg13[%swap3A_619, %swap3A_620, %swap3A_621] {strides = array<i32>} : memref<2x112x128xf32, #tpu.memory_space<vmem>>, vector<16xf32>,
        tpu.vector_store %arg13[%swap3A_619, %swap3A_620, %swap3A_621], %mul3A_618 {strides = array<i32>} : memref<2x112x128xf32, #tpu.memory_space<vmem>>, vector<16xf32>,
        %get3A_623 = arith.index_cast %rem3A_167 : i32 to index
        %get3A_624 = arith.index_cast %add3A_584 : i32 to index
        %get3A_625 = arith.constant 64 : index
        %get3A_626 = tpu.vector_load %arg13[%get3A_623, %get3A_624, %get3A_625] {strides = array<i32>} : memref<2x112x128xf32, #tpu.memory_space<vmem>>, vector<16xf32>,
        %mul3A_627 = arith.mulf %get3A_626, %gather3A_586 : vector<16xf32>
        %swap3A_628 = arith.index_cast %rem3A_167 : i32 to index
        %swap3A_629 = arith.index_cast %add3A_584 : i32 to index
        %swap3A_630 = arith.constant 64 : index
        %swap3A_631 = tpu.vector_load %arg13[%swap3A_628, %swap3A_629, %swap3A_630] {strides = array<i32>} : memref<2x112x128xf32, #tpu.memory_space<vmem>>, vector<16xf32>,
        tpu.vector_store %arg13[%swap3A_628, %swap3A_629, %swap3A_630], %mul3A_627 {strides = array<i32>} : memref<2x112x128xf32, #tpu.memory_space<vmem>>, vector<16xf32>,
        %get3A_632 = arith.index_cast %rem3A_167 : i32 to index
        %get3A_633 = arith.index_cast %add3A_584 : i32 to index
        %get3A_634 = arith.constant 80 : index
        %get3A_635 = tpu.vector_load %arg13[%get3A_632, %get3A_633, %get3A_634] {strides = array<i32>} : memref<2x112x128xf32, #tpu.memory_space<vmem>>, vector<16xf32>,
        %mul3A_636 = arith.mulf %get3A_635, %gather3A_586 : vector<16xf32>
        %swap3A_637 = arith.index_cast %rem3A_167 : i32 to index
        %swap3A_638 = arith.index_cast %add3A_584 : i32 to index
        %swap3A_639 = arith.constant 80 : index
        %swap3A_640 = tpu.vector_load %arg13[%swap3A_637, %swap3A_638, %swap3A_639] {strides = array<i32>} : memref<2x112x128xf32, #tpu.memory_space<vmem>>, vector<16xf32>,
        tpu.vector_store %arg13[%swap3A_637, %swap3A_638, %swap3A_639], %mul3A_636 {strides = array<i32>} : memref<2x112x128xf32, #tpu.memory_space<vmem>>, vector<16xf32>,
        %get3A_641 = arith.index_cast %rem3A_167 : i32 to index
        %get3A_642 = arith.index_cast %add3A_584 : i32 to index
        %get3A_643 = arith.constant 96 : index
        %get3A_644 = tpu.vector_load %arg13[%get3A_641, %get3A_642, %get3A_643] {strides = array<i32>} : memref<2x112x128xf32, #tpu.memory_space<vmem>>, vector<16xf32>,
        %mul3A_645 = arith.mulf %get3A_644, %gather3A_586 : vector<16xf32>
        %swap3A_646 = arith.index_cast %rem3A_167 : i32 to index
        %swap3A_647 = arith.index_cast %add3A_584 : i32 to index
        %swap3A_648 = arith.constant 96 : index
        %swap3A_649 = tpu.vector_load %arg13[%swap3A_646, %swap3A_647, %swap3A_648] {strides = array<i32>} : memref<2x112x128xf32, #tpu.memory_space<vmem>>, vector<16xf32>,
        tpu.vector_store %arg13[%swap3A_646, %swap3A_647, %swap3A_648], %mul3A_645 {strides = array<i32>} : memref<2x112x128xf32, #tpu.memory_space<vmem>>, vector<16xf32>,
        %get3A_650 = arith.index_cast %rem3A_167 : i32 to index
        %get3A_651 = arith.index_cast %add3A_584 : i32 to index
        %get3A_652 = arith.constant 112 : index
        %get3A_653 = tpu.vector_load %arg13[%get3A_650, %get3A_651, %get3A_652] {strides = array<i32>} : memref<2x112x128xf32, #tpu.memory_space<vmem>>, vector<16xf32>,
        %mul3A_654 = arith.mulf %get3A_653, %gather3A_586 : vector<16xf32>
        %swap3A_655 = arith.index_cast %rem3A_167 : i32 to index
        %swap3A_656 = arith.index_cast %add3A_584 : i32 to index
        %swap3A_657 = arith.constant 112 : index
        %swap3A_658 = tpu.vector_load %arg13[%swap3A_655, %swap3A_656, %swap3A_657] {strides = array<i32>} : memref<2x112x128xf32, #tpu.memory_space<vmem>>, vector<16xf32>,
        tpu.vector_store %arg13[%swap3A_655, %swap3A_656, %swap3A_657], %mul3A_654 {strides = array<i32>} : memref<2x112x128xf32, #tpu.memory_space<vmem>>, vector<16xf32>,
        %scan3A_659 = arith.constant 2 : i32
        %scan3A_660 = arith.addi %scan3A_501, %scan3A_659 : i32
        %mul3A_661 = arith.constant 1 : i32
        %mul3A_662 = arith.muli %scan3A_660, %mul3A_661 : i32
        %add3A_663 = arith.constant 0 : i32
        %add3A_664 = arith.addi %add3A_663, %mul3A_662 : i32
        %broadcast_in_dim3A_665 = vector.broadcast %add3A_664 : i32 to vector<16xi32>
        %gather3A_666 = tpu.vector_load_idx %arg12[%broadcast_in_dim3A_665] : memref<112xf32, #tpu.memory_space<vmem>>[vector<16xi32>], vector<16xf32>,
        %get3A_667 = arith.index_cast %rem3A_167 : i32 to index
        %get3A_668 = arith.index_cast %add3A_664 : i32 to index
        %get3A_669 = arith.constant 0 : index
        %get3A_670 = tpu.vector_load %arg13[%get3A_667, %get3A_668, %get3A_669] {strides = array<i32>} : memref<2x112x128xf32, #tpu.memory_space<vmem>>, vector<16xf32>,
        %mul3A_671 = arith.mulf %get3A_670, %gather3A_666 : vector<16xf32>
        %swap3A_672 = arith.index_cast %rem3A_167 : i32 to index
        %swap3A_673 = arith.index_cast %add3A_664 : i32 to index
        %swap3A_674 = arith.constant 0 : index
        %swap3A_675 = tpu.vector_load %arg13[%swap3A_672, %swap3A_673, %swap3A_674] {strides = array<i32>} : memref<2x112x128xf32, #tpu.memory_space<vmem>>, vector<16xf32>,
        tpu.vector_store %arg13[%swap3A_672, %swap3A_673, %swap3A_674], %mul3A_671 {strides = array<i32>} : memref<2x112x128xf32, #tpu.memory_space<vmem>>, vector<16xf32>,
        %get3A_676 = arith.index_cast %rem3A_167 : i32 to index
        %get3A_677 = arith.index_cast %add3A_664 : i32 to index
        %get3A_678 = arith.constant 16 : index
        %get3A_679 = tpu.vector_load %arg13[%get3A_676, %get3A_677, %get3A_678] {strides = array<i32>} : memref<2x112x128xf32, #tpu.memory_space<vmem>>, vector<16xf32>,
        %mul3A_680 = arith.mulf %get3A_679, %gather3A_666 : vector<16xf32>
        %swap3A_681 = arith.index_cast %rem3A_167 : i32 to index
        %swap3A_682 = arith.index_cast %add3A_664 : i32 to index
        %swap3A_683 = arith.constant 16 : index
        %swap3A_684 = tpu.vector_load %arg13[%swap3A_681, %swap3A_682, %swap3A_683] {strides = array<i32>} : memref<2x112x128xf32, #tpu.memory_space<vmem>>, vector<16xf32>,
        tpu.vector_store %arg13[%swap3A_681, %swap3A_682, %swap3A_683], %mul3A_680 {strides = array<i32>} : memref<2x112x128xf32, #tpu.memory_space<vmem>>, vector<16xf32>,
        %get3A_685 = arith.index_cast %rem3A_167 : i32 to index
        %get3A_686 = arith.index_cast %add3A_664 : i32 to index
        %get3A_687 = arith.constant 32 : index
        %get3A_688 = tpu.vector_load %arg13[%get3A_685, %get3A_686, %get3A_687] {strides = array<i32>} : memref<2x112x128xf32, #tpu.memory_space<vmem>>, vector<16xf32>,
        %mul3A_689 = arith.mulf %get3A_688, %gather3A_666 : vector<16xf32>
        %swap3A_690 = arith.index_cast %rem3A_167 : i32 to index
        %swap3A_691 = arith.index_cast %add3A_664 : i32 to index
        %swap3A_692 = arith.constant 32 : index
        %swap3A_693 = tpu.vector_load %arg13[%swap3A_690, %swap3A_691, %swap3A_692] {strides = array<i32>} : memref<2x112x128xf32, #tpu.memory_space<vmem>>, vector<16xf32>,
        tpu.vector_store %arg13[%swap3A_690, %swap3A_691, %swap3A_692], %mul3A_689 {strides = array<i32>} : memref<2x112x128xf32, #tpu.memory_space<vmem>>, vector<16xf32>,
        %get3A_694 = arith.index_cast %rem3A_167 : i32 to index
        %get3A_695 = arith.index_cast %add3A_664 : i32 to index
        %get3A_696 = arith.constant 48 : index
        %get3A_697 = tpu.vector_load %arg13[%get3A_694, %get3A_695, %get3A_696] {strides = array<i32>} : memref<2x112x128xf32, #tpu.memory_space<vmem>>, vector<16xf32>,
        %mul3A_698 = arith.mulf %get3A_697, %gather3A_666 : vector<16xf32>
        %swap3A_699 = arith.index_cast %rem3A_167 : i32 to index
        %swap3A_700 = arith.index_cast %add3A_664 : i32 to index
        %swap3A_701 = arith.constant 48 : index
        %swap3A_702 = tpu.vector_load %arg13[%swap3A_699, %swap3A_700, %swap3A_701] {strides = array<i32>} : memref<2x112x128xf32, #tpu.memory_space<vmem>>, vector<16xf32>,
        tpu.vector_store %arg13[%swap3A_699, %swap3A_700, %swap3A_701], %mul3A_698 {strides = array<i32>} : memref<2x112x128xf32, #tpu.memory_space<vmem>>, vector<16xf32>,
        %get3A_703 = arith.index_cast %rem3A_167 : i32 to index
        %get3A_704 = arith.index_cast %add3A_664 : i32 to index
        %get3A_705 = arith.constant 64 : index
        %get3A_706 = tpu.vector_load %arg13[%get3A_703, %get3A_704, %get3A_705] {strides = array<i32>} : memref<2x112x128xf32, #tpu.memory_space<vmem>>, vector<16xf32>,
        %mul3A_707 = arith.mulf %get3A_706, %gather3A_666 : vector<16xf32>
        %swap3A_708 = arith.index_cast %rem3A_167 : i32 to index
        %swap3A_709 = arith.index_cast %add3A_664 : i32 to index
        %swap3A_710 = arith.constant 64 : index
        %swap3A_711 = tpu.vector_load %arg13[%swap3A_708, %swap3A_709, %swap3A_710] {strides = array<i32>} : memref<2x112x128xf32, #tpu.memory_space<vmem>>, vector<16xf32>,
        tpu.vector_store %arg13[%swap3A_708, %swap3A_709, %swap3A_710], %mul3A_707 {strides = array<i32>} : memref<2x112x128xf32, #tpu.memory_space<vmem>>, vector<16xf32>,
        %get3A_712 = arith.index_cast %rem3A_167 : i32 to index
        %get3A_713 = arith.index_cast %add3A_664 : i32 to index
        %get3A_714 = arith.constant 80 : index
        %get3A_715 = tpu.vector_load %arg13[%get3A_712, %get3A_713, %get3A_714] {strides = array<i32>} : memref<2x112x128xf32, #tpu.memory_space<vmem>>, vector<16xf32>,
        %mul3A_716 = arith.mulf %get3A_715, %gather3A_666 : vector<16xf32>
        %swap3A_717 = arith.index_cast %rem3A_167 : i32 to index
        %swap3A_718 = arith.index_cast %add3A_664 : i32 to index
        %swap3A_719 = arith.constant 80 : index
        %swap3A_720 = tpu.vector_load %arg13[%swap3A_717, %swap3A_718, %swap3A_719] {strides = array<i32>} : memref<2x112x128xf32, #tpu.memory_space<vmem>>, vector<16xf32>,
        tpu.vector_store %arg13[%swap3A_717, %swap3A_718, %swap3A_719], %mul3A_716 {strides = array<i32>} : memref<2x112x128xf32, #tpu.memory_space<vmem>>, vector<16xf32>,
        %get3A_721 = arith.index_cast %rem3A_167 : i32 to index
        %get3A_722 = arith.index_cast %add3A_664 : i32 to index
        %get3A_723 = arith.constant 96 : index
        %get3A_724 = tpu.vector_load %arg13[%get3A_721, %get3A_722, %get3A_723] {strides = array<i32>} : memref<2x112x128xf32, #tpu.memory_space<vmem>>, vector<16xf32>,
        %mul3A_725 = arith.mulf %get3A_724, %gather3A_666 : vector<16xf32>
        %swap3A_726 = arith.index_cast %rem3A_167 : i32 to index
        %swap3A_727 = arith.index_cast %add3A_664 : i32 to index
        %swap3A_728 = arith.constant 96 : index
        %swap3A_729 = tpu.vector_load %arg13[%swap3A_726, %swap3A_727, %swap3A_728] {strides = array<i32>} : memref<2x112x128xf32, #tpu.memory_space<vmem>>, vector<16xf32>,
        tpu.vector_store %arg13[%swap3A_726, %swap3A_727, %swap3A_728], %mul3A_725 {strides = array<i32>} : memref<2x112x128xf32, #tpu.memory_space<vmem>>, vector<16xf32>,
        %get3A_730 = arith.index_cast %rem3A_167 : i32 to index
        %get3A_731 = arith.index_cast %add3A_664 : i32 to index
        %get3A_732 = arith.constant 112 : index
        %get3A_733 = tpu.vector_load %arg13[%get3A_730, %get3A_731, %get3A_732] {strides = array<i32>} : memref<2x112x128xf32, #tpu.memory_space<vmem>>, vector<16xf32>,
        %mul3A_734 = arith.mulf %get3A_733, %gather3A_666 : vector<16xf32>
        %swap3A_735 = arith.index_cast %rem3A_167 : i32 to index
        %swap3A_736 = arith.index_cast %add3A_664 : i32 to index
        %swap3A_737 = arith.constant 112 : index
        %swap3A_738 = tpu.vector_load %arg13[%swap3A_735, %swap3A_736, %swap3A_737] {strides = array<i32>} : memref<2x112x128xf32, #tpu.memory_space<vmem>>, vector<16xf32>,
        tpu.vector_store %arg13[%swap3A_735, %swap3A_736, %swap3A_737], %mul3A_734 {strides = array<i32>} : memref<2x112x128xf32, #tpu.memory_space<vmem>>, vector<16xf32>,
        %scan3A_739 = arith.constant 3 : i32
        %scan3A_740 = arith.addi %scan3A_501, %scan3A_739 : i32
        %mul3A_741 = arith.constant 1 : i32
        %mul3A_742 = arith.muli %scan3A_740, %mul3A_741 : i32
        %add3A_743 = arith.constant 0 : i32
        %add3A_744 = arith.addi %add3A_743, %mul3A_742 : i32
        %broadcast_in_dim3A_745 = vector.broadcast %add3A_744 : i32 to vector<16xi32>
        %gather3A_746 = tpu.vector_load_idx %arg12[%broadcast_in_dim3A_745] : memref<112xf32, #tpu.memory_space<vmem>>[vector<16xi32>], vector<16xf32>,
        %get3A_747 = arith.index_cast %rem3A_167 : i32 to index
        %get3A_748 = arith.index_cast %add3A_744 : i32 to index
        %get3A_749 = arith.constant 0 : index
        %get3A_750 = tpu.vector_load %arg13[%get3A_747, %get3A_748, %get3A_749] {strides = array<i32>} : memref<2x112x128xf32, #tpu.memory_space<vmem>>, vector<16xf32>,
        %mul3A_751 = arith.mulf %get3A_750, %gather3A_746 : vector<16xf32>
        %swap3A_752 = arith.index_cast %rem3A_167 : i32 to index
        %swap3A_753 = arith.index_cast %add3A_744 : i32 to index
        %swap3A_754 = arith.constant 0 : index
        %swap3A_755 = tpu.vector_load %arg13[%swap3A_752, %swap3A_753, %swap3A_754] {strides = array<i32>} : memref<2x112x128xf32, #tpu.memory_space<vmem>>, vector<16xf32>,
        tpu.vector_store %arg13[%swap3A_752, %swap3A_753, %swap3A_754], %mul3A_751 {strides = array<i32>} : memref<2x112x128xf32, #tpu.memory_space<vmem>>, vector<16xf32>,
        %get3A_756 = arith.index_cast %rem3A_167 : i32 to index
        %get3A_757 = arith.index_cast %add3A_744 : i32 to index
        %get3A_758 = arith.constant 16 : index
        %get3A_759 = tpu.vector_load %arg13[%get3A_756, %get3A_757, %get3A_758] {strides = array<i32>} : memref<2x112x128xf32, #tpu.memory_space<vmem>>, vector<16xf32>,
        %mul3A_760 = arith.mulf %get3A_759, %gather3A_746 : vector<16xf32>
        %swap3A_761 = arith.index_cast %rem3A_167 : i32 to index
        %swap3A_762 = arith.index_cast %add3A_744 : i32 to index
        %swap3A_763 = arith.constant 16 : index
        %swap3A_764 = tpu.vector_load %arg13[%swap3A_761, %swap3A_762, %swap3A_763] {strides = array<i32>} : memref<2x112x128xf32, #tpu.memory_space<vmem>>, vector<16xf32>,
        tpu.vector_store %arg13[%swap3A_761, %swap3A_762, %swap3A_763], %mul3A_760 {strides = array<i32>} : memref<2x112x128xf32, #tpu.memory_space<vmem>>, vector<16xf32>,
        %get3A_765 = arith.index_cast %rem3A_167 : i32 to index
        %get3A_766 = arith.index_cast %add3A_744 : i32 to index
        %get3A_767 = arith.constant 32 : index
        %get3A_768 = tpu.vector_load %arg13[%get3A_765, %get3A_766, %get3A_767] {strides = array<i32>} : memref<2x112x128xf32, #tpu.memory_space<vmem>>, vector<16xf32>,
        %mul3A_769 = arith.mulf %get3A_768, %gather3A_746 : vector<16xf32>
        %swap3A_770 = arith.index_cast %rem3A_167 : i32 to index
        %swap3A_771 = arith.index_cast %add3A_744 : i32 to index
        %swap3A_772 = arith.constant 32 : index
        %swap3A_773 = tpu.vector_load %arg13[%swap3A_770, %swap3A_771, %swap3A_772] {strides = array<i32>} : memref<2x112x128xf32, #tpu.memory_space<vmem>>, vector<16xf32>,
        tpu.vector_store %arg13[%swap3A_770, %swap3A_771, %swap3A_772], %mul3A_769 {strides = array<i32>} : memref<2x112x128xf32, #tpu.memory_space<vmem>>, vector<16xf32>,
        %get3A_774 = arith.index_cast %rem3A_167 : i32 to index
        %get3A_775 = arith.index_cast %add3A_744 : i32 to index
        %get3A_776 = arith.constant 48 : index
        %get3A_777 = tpu.vector_load %arg13[%get3A_774, %get3A_775, %get3A_776] {strides = array<i32>} : memref<2x112x128xf32, #tpu.memory_space<vmem>>, vector<16xf32>,
        %mul3A_778 = arith.mulf %get3A_777, %gather3A_746 : vector<16xf32>
        %swap3A_779 = arith.index_cast %rem3A_167 : i32 to index
        %swap3A_780 = arith.index_cast %add3A_744 : i32 to index
        %swap3A_781 = arith.constant 48 : index
        %swap3A_782 = tpu.vector_load %arg13[%swap3A_779, %swap3A_780, %swap3A_781] {strides = array<i32>} : memref<2x112x128xf32, #tpu.memory_space<vmem>>, vector<16xf32>,
        tpu.vector_store %arg13[%swap3A_779, %swap3A_780, %swap3A_781], %mul3A_778 {strides = array<i32>} : memref<2x112x128xf32, #tpu.memory_space<vmem>>, vector<16xf32>,
        %get3A_783 = arith.index_cast %rem3A_167 : i32 to index
        %get3A_784 = arith.index_cast %add3A_744 : i32 to index
        %get3A_785 = arith.constant 64 : index
        %get3A_786 = tpu.vector_load %arg13[%get3A_783, %get3A_784, %get3A_785] {strides = array<i32>} : memref<2x112x128xf32, #tpu.memory_space<vmem>>, vector<16xf32>,
        %mul3A_787 = arith.mulf %get3A_786, %gather3A_746 : vector<16xf32>
        %swap3A_788 = arith.index_cast %rem3A_167 : i32 to index
        %swap3A_789 = arith.index_cast %add3A_744 : i32 to index
        %swap3A_790 = arith.constant 64 : index
        %swap3A_791 = tpu.vector_load %arg13[%swap3A_788, %swap3A_789, %swap3A_790] {strides = array<i32>} : memref<2x112x128xf32, #tpu.memory_space<vmem>>, vector<16xf32>,
        tpu.vector_store %arg13[%swap3A_788, %swap3A_789, %swap3A_790], %mul3A_787 {strides = array<i32>} : memref<2x112x128xf32, #tpu.memory_space<vmem>>, vector<16xf32>,
        %get3A_792 = arith.index_cast %rem3A_167 : i32 to index
        %get3A_793 = arith.index_cast %add3A_744 : i32 to index
        %get3A_794 = arith.constant 80 : index
        %get3A_795 = tpu.vector_load %arg13[%get3A_792, %get3A_793, %get3A_794] {strides = array<i32>} : memref<2x112x128xf32, #tpu.memory_space<vmem>>, vector<16xf32>,
        %mul3A_796 = arith.mulf %get3A_795, %gather3A_746 : vector<16xf32>
        %swap3A_797 = arith.index_cast %rem3A_167 : i32 to index
        %swap3A_798 = arith.index_cast %add3A_744 : i32 to index
        %swap3A_799 = arith.constant 80 : index
        %swap3A_800 = tpu.vector_load %arg13[%swap3A_797, %swap3A_798, %swap3A_799] {strides = array<i32>} : memref<2x112x128xf32, #tpu.memory_space<vmem>>, vector<16xf32>,
        tpu.vector_store %arg13[%swap3A_797, %swap3A_798, %swap3A_799], %mul3A_796 {strides = array<i32>} : memref<2x112x128xf32, #tpu.memory_space<vmem>>, vector<16xf32>,
        %get3A_801 = arith.index_cast %rem3A_167 : i32 to index
        %get3A_802 = arith.index_cast %add3A_744 : i32 to index
        %get3A_803 = arith.constant 96 : index
        %get3A_804 = tpu.vector_load %arg13[%get3A_801, %get3A_802, %get3A_803] {strides = array<i32>} : memref<2x112x128xf32, #tpu.memory_space<vmem>>, vector<16xf32>,
        %mul3A_805 = arith.mulf %get3A_804, %gather3A_746 : vector<16xf32>
        %swap3A_806 = arith.index_cast %rem3A_167 : i32 to index
        %swap3A_807 = arith.index_cast %add3A_744 : i32 to index
        %swap3A_808 = arith.constant 96 : index
        %swap3A_809 = tpu.vector_load %arg13[%swap3A_806, %swap3A_807, %swap3A_808] {strides = array<i32>} : memref<2x112x128xf32, #tpu.memory_space<vmem>>, vector<16xf32>,
        tpu.vector_store %arg13[%swap3A_806, %swap3A_807, %swap3A_808], %mul3A_805 {strides = array<i32>} : memref<2x112x128xf32, #tpu.memory_space<vmem>>, vector<16xf32>,
        %get3A_810 = arith.index_cast %rem3A_167 : i32 to index
        %get3A_811 = arith.index_cast %add3A_744 : i32 to index
        %get3A_812 = arith.constant 112 : index
        %get3A_813 = tpu.vector_load %arg13[%get3A_810, %get3A_811, %get3A_812] {strides = array<i32>} : memref<2x112x128xf32, #tpu.memory_space<vmem>>, vector<16xf32>,
        %mul3A_814 = arith.mulf %get3A_813, %gather3A_746 : vector<16xf32>
        %swap3A_815 = arith.index_cast %rem3A_167 : i32 to index
        %swap3A_816 = arith.index_cast %add3A_744 : i32 to index
        %swap3A_817 = arith.constant 112 : index
        %swap3A_818 = tpu.vector_load %arg13[%swap3A_815, %swap3A_816, %swap3A_817] {strides = array<i32>} : memref<2x112x128xf32, #tpu.memory_space<vmem>>, vector<16xf32>,
        tpu.vector_store %arg13[%swap3A_815, %swap3A_816, %swap3A_817], %mul3A_814 {strides = array<i32>} : memref<2x112x128xf32, #tpu.memory_space<vmem>>, vector<16xf32>,
      }
      %scan3A_490 = arith.constant 112 : i32
      %dma_start3A_491 = arith.constant 0 : i32
      %dma_start3A_492 = arith.constant 0 : i32
      %dma_start3A_493 = tpu.memref_slice %arg13[%rem3A_167, %dma_start3A_491, %dma_start3A_492] : memref<2x112x128xf32, #tpu.memory_space<vmem>> -> memref<1x112x128xf32, #tpu.memory_space<vmem>>
      %dma_start3A_494 = tpu.memref_squeeze %dma_start3A_493 : memref<1x112x128xf32, #tpu.memory_space<vmem>> -> memref<112x128xf32, #tpu.memory_space<vmem>>
      %dma_start3A_495 = arith.constant 0 : i32
      %dma_start3A_496 = tpu.memref_slice %arg11[%rem3A_165, %dma_start3A_495] : memref<4x112xi32, #tpu.memory_space<vmem>> -> memref<1x112xi32, #tpu.memory_space<vmem>>
      %dma_start3A_497 = tpu.memref_squeeze %dma_start3A_496 : memref<1x112xi32, #tpu.memory_space<vmem>> -> memref<112xi32, #tpu.memory_space<vmem>>
      %dma_start3A_498 = arith.constant 0 : i32
      %dma_start3A_499 = arith.constant 0 : i32
      %dma_start3A_500 = tpu.memref_slice %arg7[%dma_start3A_498, %dma_start3A_499] : memref<10000x128xf32, #tpu.memory_space<vmem_shared>> -> memref<10000x128xf32, #tpu.memory_space<vmem_shared>>
      tpu.enqueue_indirect_dma source(%dma_start3A_494 : memref<112x128xf32, #tpu.memory_space<vmem>>) target(%dma_start3A_500 : memref<10000x128xf32, #tpu.memory_space<vmem_shared>>) offsets(%dma_start3A_497 : memref<112xi32, #tpu.memory_space<vmem>>) semaphore(%arg16 : memref<!tpu.dma_semaphore, #tpu.memory_space<semaphore_mem>>) {add = true}
    }
    %while3A_104 = arith.constant 1 : i32
    scf.for %while3A_160 = %while3A_102 to %while3A_98 step %while3A_104  : i32 {
      %mul3A_161 = arith.muli %while3A_160, %while3A : i32
      %add3A_162 = arith.addi %while3A_95, %mul3A_161 : i32
      %rem3A = arith.constant 3 : i32
      %rem3A_163 = arith.remsi %add3A_162, %rem3A : i32
      %rem3A_164 = arith.constant 4 : i32
      %rem3A_165 = arith.remsi %add3A_162, %rem3A_164 : i32
      %rem3A_166 = arith.constant 2 : i32
      %rem3A_167 = arith.remsi %add3A_162, %rem3A_166 : i32
      %add3A_168 = arith.constant 2 : i32
      %add3A_169 = arith.addi %add3A_162, %add3A_168 : i32
      %sub3A_170 = arith.constant 1 : i32
      %sub3A_171 = arith.subi %select_n3A, %sub3A_170 : i32
      %min3A_172 = arith.minsi %add3A_169, %sub3A_171 : i32
      %add3A_173 = arith.constant 2 : i32
      %add3A_174 = arith.addi %add3A_162, %add3A_173 : i32
      %rem3A_175 = arith.constant 3 : i32
      %rem3A_176 = arith.remsi %add3A_174, %rem3A_175 : i32
      %add3A_177 = arith.constant 2 : i32
      %add3A_178 = arith.addi %add3A_162, %add3A_177 : i32
      %rem3A_179 = arith.constant 4 : i32
      %rem3A_180 = arith.remsi %add3A_178, %rem3A_179 : i32
      %add3A_181 = arith.addi %add3A, %min3A_172 : i32
      %dma_start3A_182 = arith.constant 0 : i32
      %dma_start3A_183 = arith.constant 0 : i32
      %dma_start3A_184 = tpu.memref_slice %arg10[%rem3A_176, %dma_start3A_182, %dma_start3A_183] : memref<3x2x112xi32, #tpu.memory_space<vmem>> -> memref<1x2x112xi32, #tpu.memory_space<vmem>>
      %dma_start3A_185 = tpu.memref_squeeze %dma_start3A_184 : memref<1x2x112xi32, #tpu.memory_space<vmem>> -> memref<2x112xi32, #tpu.memory_space<vmem>>
      %dma_start3A_186 = arith.constant 0 : i32
      %dma_start3A_187 = arith.constant 0 : i32
      %dma_start3A_188 = tpu.memref_slice %arg3[%add3A_181, %dma_start3A_186, %dma_start3A_187] : memref<2864x2x112xi32, #tpu.memory_space<hbm>> -> memref<1x2x112xi32, #tpu.memory_space<hbm>>
      %dma_start3A_189 = tpu.memref_squeeze %dma_start3A_188 : memref<1x2x112xi32, #tpu.memory_space<hbm>> -> memref<2x112xi32, #tpu.memory_space<hbm>>
      %dma_start3A_190 = arith.constant 0 : i32
      %dma_start3A_191 = arith.constant 0 : i32
      %dma_start3A_192 = tpu.memref_slice %arg10[%rem3A_176, %dma_start3A_190, %dma_start3A_191] : memref<3x2x112xi32, #tpu.memory_space<vmem>> -> memref<1x2x112xi32, #tpu.memory_space<vmem>>
      %dma_start3A_193 = tpu.memref_squeeze %dma_start3A_192 : memref<1x2x112xi32, #tpu.memory_space<vmem>> -> memref<2x112xi32, #tpu.memory_space<vmem>>
      %dma_start3A_194 = arith.constant 0 : i32
      %dma_start3A_195 = arith.constant 0 : i32
      %dma_start3A_196 = tpu.memref_slice %arg3[%add3A_181, %dma_start3A_194, %dma_start3A_195] : memref<2864x2x112xi32, #tpu.memory_space<hbm>> -> memref<1x2x112xi32, #tpu.memory_space<hbm>>
      %dma_start3A_197 = tpu.memref_squeeze %dma_start3A_196 : memref<1x2x112xi32, #tpu.memory_space<hbm>> -> memref<2x112xi32, #tpu.memory_space<hbm>>
      tpu.enqueue_dma source(%dma_start3A_197 : memref<2x112xi32, #tpu.memory_space<hbm>>) target(%dma_start3A_193 : memref<2x112xi32, #tpu.memory_space<vmem>>) target_semaphore(%arg14 : memref<!tpu.dma_semaphore, #tpu.memory_space<semaphore_mem>>)
      %mul3A_198 = arith.constant 112 : i32
      %mul3A_199 = arith.muli %min3A_172, %mul3A_198 : i32
      %add3A_200 = arith.addi %mul3A_6, %mul3A_199 : i32
      %dma_start3A_201 = arith.constant 0 : i32
      %dma_start3A_202 = tpu.memref_slice %arg11[%rem3A_180, %dma_start3A_201] : memref<4x112xi32, #tpu.memory_space<vmem>> -> memref<1x112xi32, #tpu.memory_space<vmem>>
      %dma_start3A_203 = tpu.memref_squeeze %dma_start3A_202 : memref<1x112xi32, #tpu.memory_space<vmem>> -> memref<112xi32, #tpu.memory_space<vmem>>
      %dma_start3A_204 = tpu.memref_slice %arg4[%add3A_200] : memref<320768xi32, #tpu.memory_space<hbm>> -> memref<112xi32, #tpu.memory_space<hbm>>
      %dma_start3A_205 = arith.constant 0 : i32
      %dma_start3A_206 = tpu.memref_slice %arg11[%rem3A_180, %dma_start3A_205] : memref<4x112xi32, #tpu.memory_space<vmem>> -> memref<1x112xi32, #tpu.memory_space<vmem>>
      %dma_start3A_207 = tpu.memref_squeeze %dma_start3A_206 : memref<1x112xi32, #tpu.memory_space<vmem>> -> memref<112xi32, #tpu.memory_space<vmem>>
      %dma_start3A_208 = tpu.memref_slice %arg4[%add3A_200] : memref<320768xi32, #tpu.memory_space<hbm>> -> memref<112xi32, #tpu.memory_space<hbm>>
      tpu.enqueue_dma source(%dma_start3A_208 : memref<112xi32, #tpu.memory_space<hbm>>) target(%dma_start3A_207 : memref<112xi32, #tpu.memory_space<vmem>>) target_semaphore(%arg14 : memref<!tpu.dma_semaphore, #tpu.memory_space<semaphore_mem>>)
      %get3A = arith.constant 0 : i32
      %get3A_209 = arith.index_cast %rem3A_163 : i32 to index
      %get3A_210 = arith.index_cast %get3A : i32 to index
      %get3A_211 = arith.constant 0 : index
      %get3A_212 = tpu.vector_load %arg10[%get3A_209, %get3A_210, %get3A_211] {strides = array<i32>} : memref<3x2x112xi32, #tpu.memory_space<vmem>>, vector<16xi32>,
      %get3A_213 = arith.constant 1 : i32
      %get3A_214 = arith.index_cast %rem3A_163 : i32 to index
      %get3A_215 = arith.index_cast %get3A_213 : i32 to index
      %get3A_216 = arith.constant 0 : index
      %get3A_217 = tpu.vector_load %arg10[%get3A_214, %get3A_215, %get3A_216] {strides = array<i32>} : memref<3x2x112xi32, #tpu.memory_space<vmem>>, vector<16xi32>,
      %bitcast3A = vector.bitcast %get3A_217 : vector<16xi32> to vector<16xf32>
      %get3A_218 = arith.index_cast %rem3A_165 : i32 to index
      %get3A_219 = arith.constant 0 : index
      %get3A_220 = tpu.vector_load %arg11[%get3A_218, %get3A_219] {strides = array<i32>} : memref<4x112xi32, #tpu.memory_space<vmem>>, vector<16xi32>,
      %gather3A = tpu.vector_load_idx %arg8[%get3A_212] : memref<10000xf32, #tpu.memory_space<vmem>>[vector<16xi32>], vector<16xf32>,
      %gather3A_221 = tpu.vector_load_idx %arg9[%get3A_220] : memref<10000xf32, #tpu.memory_space<vmem>>[vector<16xi32>], vector<16xf32>,
      %add3A_222 = arith.addf %gather3A, %gather3A_221 : vector<16xf32>
      %add3A_223 = arith.addf %add3A_222, %add3A_222 : vector<16xf32>
      %exp3A = math.exp %add3A_223 : vector<16xf32>
      %add3A_224 = arith.constant 1.000000e+00 : f32
      %add3A_225 = vector.broadcast %add3A_224 : f32 to vector<16xf32>
      %add3A_226 = arith.addf %exp3A, %add3A_225 : vector<16xf32>
      %div3A_227 = arith.constant 2.000000e+00 : f32
      %div3A_228 = vector.broadcast %div3A_227 : f32 to vector<16xf32>
      %div3A_229 = arith.divf %div3A_228, %add3A_226 : vector<16xf32>
      %sub3A_230 = arith.constant 1.000000e+00 : f32
      %sub3A_231 = vector.broadcast %sub3A_230 : f32 to vector<16xf32>
      %sub3A_232 = arith.subf %sub3A_231, %div3A_229 : vector<16xf32>
      %mul3A_233 = arith.mulf %sub3A_232, %bitcast3A : vector<16xf32>
      %swap3A = arith.constant 0 : index
      %swap3A_234 = tpu.vector_load %arg12[%swap3A] {strides = array<i32>} : memref<112xf32, #tpu.memory_space<vmem>>, vector<16xf32>,
      tpu.vector_store %arg12[%swap3A], %mul3A_233 {strides = array<i32>} : memref<112xf32, #tpu.memory_space<vmem>>, vector<16xf32>,
      %get3A_235 = arith.constant 0 : i32
      %get3A_236 = arith.index_cast %rem3A_163 : i32 to index
      %get3A_237 = arith.index_cast %get3A_235 : i32 to index
      %get3A_238 = arith.constant 16 : index
      %get3A_239 = tpu.vector_load %arg10[%get3A_236, %get3A_237, %get3A_238] {strides = array<i32>} : memref<3x2x112xi32, #tpu.memory_space<vmem>>, vector<16xi32>,
      %get3A_240 = arith.constant 1 : i32
      %get3A_241 = arith.index_cast %rem3A_163 : i32 to index
      %get3A_242 = arith.index_cast %get3A_240 : i32 to index
      %get3A_243 = arith.constant 16 : index
      %get3A_244 = tpu.vector_load %arg10[%get3A_241, %get3A_242, %get3A_243] {strides = array<i32>} : memref<3x2x112xi32, #tpu.memory_space<vmem>>, vector<16xi32>,
      %bitcast3A_245 = vector.bitcast %get3A_244 : vector<16xi32> to vector<16xf32>
      %get3A_246 = arith.index_cast %rem3A_165 : i32 to index
      %get3A_247 = arith.constant 16 : index
      %get3A_248 = tpu.vector_load %arg11[%get3A_246, %get3A_247] {strides = array<i32>} : memref<4x112xi32, #tpu.memory_space<vmem>>, vector<16xi32>,
      %gather3A_249 = tpu.vector_load_idx %arg8[%get3A_239] : memref<10000xf32, #tpu.memory_space<vmem>>[vector<16xi32>], vector<16xf32>,
      %gather3A_250 = tpu.vector_load_idx %arg9[%get3A_248] : memref<10000xf32, #tpu.memory_space<vmem>>[vector<16xi32>], vector<16xf32>,
      %add3A_251 = arith.addf %gather3A_249, %gather3A_250 : vector<16xf32>
      %add3A_252 = arith.addf %add3A_251, %add3A_251 : vector<16xf32>
      %exp3A_253 = math.exp %add3A_252 : vector<16xf32>
      %add3A_254 = arith.constant 1.000000e+00 : f32
      %add3A_255 = vector.broadcast %add3A_254 : f32 to vector<16xf32>
      %add3A_256 = arith.addf %exp3A_253, %add3A_255 : vector<16xf32>
      %div3A_257 = arith.constant 2.000000e+00 : f32
      %div3A_258 = vector.broadcast %div3A_257 : f32 to vector<16xf32>
      %div3A_259 = arith.divf %div3A_258, %add3A_256 : vector<16xf32>
      %sub3A_260 = arith.constant 1.000000e+00 : f32
      %sub3A_261 = vector.broadcast %sub3A_260 : f32 to vector<16xf32>
      %sub3A_262 = arith.subf %sub3A_261, %div3A_259 : vector<16xf32>
      %mul3A_263 = arith.mulf %sub3A_262, %bitcast3A_245 : vector<16xf32>
      %swap3A_264 = arith.constant 16 : index
      %swap3A_265 = tpu.vector_load %arg12[%swap3A_264] {strides = array<i32>} : memref<112xf32, #tpu.memory_space<vmem>>, vector<16xf32>,
      tpu.vector_store %arg12[%swap3A_264], %mul3A_263 {strides = array<i32>} : memref<112xf32, #tpu.memory_space<vmem>>, vector<16xf32>,
      %get3A_266 = arith.constant 0 : i32
      %get3A_267 = arith.index_cast %rem3A_163 : i32 to index
      %get3A_268 = arith.index_cast %get3A_266 : i32 to index
      %get3A_269 = arith.constant 32 : index
      %get3A_270 = tpu.vector_load %arg10[%get3A_267, %get3A_268, %get3A_269] {strides = array<i32>} : memref<3x2x112xi32, #tpu.memory_space<vmem>>, vector<16xi32>,
      %get3A_271 = arith.constant 1 : i32
      %get3A_272 = arith.index_cast %rem3A_163 : i32 to index
      %get3A_273 = arith.index_cast %get3A_271 : i32 to index
      %get3A_274 = arith.constant 32 : index
      %get3A_275 = tpu.vector_load %arg10[%get3A_272, %get3A_273, %get3A_274] {strides = array<i32>} : memref<3x2x112xi32, #tpu.memory_space<vmem>>, vector<16xi32>,
      %bitcast3A_276 = vector.bitcast %get3A_275 : vector<16xi32> to vector<16xf32>
      %get3A_277 = arith.index_cast %rem3A_165 : i32 to index
      %get3A_278 = arith.constant 32 : index
      %get3A_279 = tpu.vector_load %arg11[%get3A_277, %get3A_278] {strides = array<i32>} : memref<4x112xi32, #tpu.memory_space<vmem>>, vector<16xi32>,
      %gather3A_280 = tpu.vector_load_idx %arg8[%get3A_270] : memref<10000xf32, #tpu.memory_space<vmem>>[vector<16xi32>], vector<16xf32>,
      %gather3A_281 = tpu.vector_load_idx %arg9[%get3A_279] : memref<10000xf32, #tpu.memory_space<vmem>>[vector<16xi32>], vector<16xf32>,
      %add3A_282 = arith.addf %gather3A_280, %gather3A_281 : vector<16xf32>
      %add3A_283 = arith.addf %add3A_282, %add3A_282 : vector<16xf32>
      %exp3A_284 = math.exp %add3A_283 : vector<16xf32>
      %add3A_285 = arith.constant 1.000000e+00 : f32
      %add3A_286 = vector.broadcast %add3A_285 : f32 to vector<16xf32>
      %add3A_287 = arith.addf %exp3A_284, %add3A_286 : vector<16xf32>
      %div3A_288 = arith.constant 2.000000e+00 : f32
      %div3A_289 = vector.broadcast %div3A_288 : f32 to vector<16xf32>
      %div3A_290 = arith.divf %div3A_289, %add3A_287 : vector<16xf32>
      %sub3A_291 = arith.constant 1.000000e+00 : f32
      %sub3A_292 = vector.broadcast %sub3A_291 : f32 to vector<16xf32>
      %sub3A_293 = arith.subf %sub3A_292, %div3A_290 : vector<16xf32>
      %mul3A_294 = arith.mulf %sub3A_293, %bitcast3A_276 : vector<16xf32>
      %swap3A_295 = arith.constant 32 : index
      %swap3A_296 = tpu.vector_load %arg12[%swap3A_295] {strides = array<i32>} : memref<112xf32, #tpu.memory_space<vmem>>, vector<16xf32>,
      tpu.vector_store %arg12[%swap3A_295], %mul3A_294 {strides = array<i32>} : memref<112xf32, #tpu.memory_space<vmem>>, vector<16xf32>,
      %get3A_297 = arith.constant 0 : i32
      %get3A_298 = arith.index_cast %rem3A_163 : i32 to index
      %get3A_299 = arith.index_cast %get3A_297 : i32 to index
      %get3A_300 = arith.constant 48 : index
      %get3A_301 = tpu.vector_load %arg10[%get3A_298, %get3A_299, %get3A_300] {strides = array<i32>} : memref<3x2x112xi32, #tpu.memory_space<vmem>>, vector<16xi32>,
      %get3A_302 = arith.constant 1 : i32
      %get3A_303 = arith.index_cast %rem3A_163 : i32 to index
      %get3A_304 = arith.index_cast %get3A_302 : i32 to index
      %get3A_305 = arith.constant 48 : index
      %get3A_306 = tpu.vector_load %arg10[%get3A_303, %get3A_304, %get3A_305] {strides = array<i32>} : memref<3x2x112xi32, #tpu.memory_space<vmem>>, vector<16xi32>,
      %bitcast3A_307 = vector.bitcast %get3A_306 : vector<16xi32> to vector<16xf32>
      %get3A_308 = arith.index_cast %rem3A_165 : i32 to index
      %get3A_309 = arith.constant 48 : index
      %get3A_310 = tpu.vector_load %arg11[%get3A_308, %get3A_309] {strides = array<i32>} : memref<4x112xi32, #tpu.memory_space<vmem>>, vector<16xi32>,
      %gather3A_311 = tpu.vector_load_idx %arg8[%get3A_301] : memref<10000xf32, #tpu.memory_space<vmem>>[vector<16xi32>], vector<16xf32>,
      %gather3A_312 = tpu.vector_load_idx %arg9[%get3A_310] : memref<10000xf32, #tpu.memory_space<vmem>>[vector<16xi32>], vector<16xf32>,
      %add3A_313 = arith.addf %gather3A_311, %gather3A_312 : vector<16xf32>
      %add3A_314 = arith.addf %add3A_313, %add3A_313 : vector<16xf32>
      %exp3A_315 = math.exp %add3A_314 : vector<16xf32>
      %add3A_316 = arith.constant 1.000000e+00 : f32
      %add3A_317 = vector.broadcast %add3A_316 : f32 to vector<16xf32>
      %add3A_318 = arith.addf %exp3A_315, %add3A_317 : vector<16xf32>
      %div3A_319 = arith.constant 2.000000e+00 : f32
      %div3A_320 = vector.broadcast %div3A_319 : f32 to vector<16xf32>
      %div3A_321 = arith.divf %div3A_320, %add3A_318 : vector<16xf32>
      %sub3A_322 = arith.constant 1.000000e+00 : f32
      %sub3A_323 = vector.broadcast %sub3A_322 : f32 to vector<16xf32>
      %sub3A_324 = arith.subf %sub3A_323, %div3A_321 : vector<16xf32>
      %mul3A_325 = arith.mulf %sub3A_324, %bitcast3A_307 : vector<16xf32>
      %swap3A_326 = arith.constant 48 : index
      %swap3A_327 = tpu.vector_load %arg12[%swap3A_326] {strides = array<i32>} : memref<112xf32, #tpu.memory_space<vmem>>, vector<16xf32>,
      tpu.vector_store %arg12[%swap3A_326], %mul3A_325 {strides = array<i32>} : memref<112xf32, #tpu.memory_space<vmem>>, vector<16xf32>,
      %get3A_328 = arith.constant 0 : i32
      %get3A_329 = arith.index_cast %rem3A_163 : i32 to index
      %get3A_330 = arith.index_cast %get3A_328 : i32 to index
      %get3A_331 = arith.constant 64 : index
      %get3A_332 = tpu.vector_load %arg10[%get3A_329, %get3A_330, %get3A_331] {strides = array<i32>} : memref<3x2x112xi32, #tpu.memory_space<vmem>>, vector<16xi32>,
      %get3A_333 = arith.constant 1 : i32
      %get3A_334 = arith.index_cast %rem3A_163 : i32 to index
      %get3A_335 = arith.index_cast %get3A_333 : i32 to index
      %get3A_336 = arith.constant 64 : index
      %get3A_337 = tpu.vector_load %arg10[%get3A_334, %get3A_335, %get3A_336] {strides = array<i32>} : memref<3x2x112xi32, #tpu.memory_space<vmem>>, vector<16xi32>,
      %bitcast3A_338 = vector.bitcast %get3A_337 : vector<16xi32> to vector<16xf32>
      %get3A_339 = arith.index_cast %rem3A_165 : i32 to index
      %get3A_340 = arith.constant 64 : index
      %get3A_341 = tpu.vector_load %arg11[%get3A_339, %get3A_340] {strides = array<i32>} : memref<4x112xi32, #tpu.memory_space<vmem>>, vector<16xi32>,
      %gather3A_342 = tpu.vector_load_idx %arg8[%get3A_332] : memref<10000xf32, #tpu.memory_space<vmem>>[vector<16xi32>], vector<16xf32>,
      %gather3A_343 = tpu.vector_load_idx %arg9[%get3A_341] : memref<10000xf32, #tpu.memory_space<vmem>>[vector<16xi32>], vector<16xf32>,
      %add3A_344 = arith.addf %gather3A_342, %gather3A_343 : vector<16xf32>
      %add3A_345 = arith.addf %add3A_344, %add3A_344 : vector<16xf32>
      %exp3A_346 = math.exp %add3A_345 : vector<16xf32>
      %add3A_347 = arith.constant 1.000000e+00 : f32
      %add3A_348 = vector.broadcast %add3A_347 : f32 to vector<16xf32>
      %add3A_349 = arith.addf %exp3A_346, %add3A_348 : vector<16xf32>
      %div3A_350 = arith.constant 2.000000e+00 : f32
      %div3A_351 = vector.broadcast %div3A_350 : f32 to vector<16xf32>
      %div3A_352 = arith.divf %div3A_351, %add3A_349 : vector<16xf32>
      %sub3A_353 = arith.constant 1.000000e+00 : f32
      %sub3A_354 = vector.broadcast %sub3A_353 : f32 to vector<16xf32>
      %sub3A_355 = arith.subf %sub3A_354, %div3A_352 : vector<16xf32>
      %mul3A_356 = arith.mulf %sub3A_355, %bitcast3A_338 : vector<16xf32>
      %swap3A_357 = arith.constant 64 : index
      %swap3A_358 = tpu.vector_load %arg12[%swap3A_357] {strides = array<i32>} : memref<112xf32, #tpu.memory_space<vmem>>, vector<16xf32>,
      tpu.vector_store %arg12[%swap3A_357], %mul3A_356 {strides = array<i32>} : memref<112xf32, #tpu.memory_space<vmem>>, vector<16xf32>,
      %get3A_359 = arith.constant 0 : i32
      %get3A_360 = arith.index_cast %rem3A_163 : i32 to index
      %get3A_361 = arith.index_cast %get3A_359 : i32 to index
      %get3A_362 = arith.constant 80 : index
      %get3A_363 = tpu.vector_load %arg10[%get3A_360, %get3A_361, %get3A_362] {strides = array<i32>} : memref<3x2x112xi32, #tpu.memory_space<vmem>>, vector<16xi32>,
      %get3A_364 = arith.constant 1 : i32
      %get3A_365 = arith.index_cast %rem3A_163 : i32 to index
      %get3A_366 = arith.index_cast %get3A_364 : i32 to index
      %get3A_367 = arith.constant 80 : index
      %get3A_368 = tpu.vector_load %arg10[%get3A_365, %get3A_366, %get3A_367] {strides = array<i32>} : memref<3x2x112xi32, #tpu.memory_space<vmem>>, vector<16xi32>,
      %bitcast3A_369 = vector.bitcast %get3A_368 : vector<16xi32> to vector<16xf32>
      %get3A_370 = arith.index_cast %rem3A_165 : i32 to index
      %get3A_371 = arith.constant 80 : index
      %get3A_372 = tpu.vector_load %arg11[%get3A_370, %get3A_371] {strides = array<i32>} : memref<4x112xi32, #tpu.memory_space<vmem>>, vector<16xi32>,
      %gather3A_373 = tpu.vector_load_idx %arg8[%get3A_363] : memref<10000xf32, #tpu.memory_space<vmem>>[vector<16xi32>], vector<16xf32>,
      %gather3A_374 = tpu.vector_load_idx %arg9[%get3A_372] : memref<10000xf32, #tpu.memory_space<vmem>>[vector<16xi32>], vector<16xf32>,
      %add3A_375 = arith.addf %gather3A_373, %gather3A_374 : vector<16xf32>
      %add3A_376 = arith.addf %add3A_375, %add3A_375 : vector<16xf32>
      %exp3A_377 = math.exp %add3A_376 : vector<16xf32>
      %add3A_378 = arith.constant 1.000000e+00 : f32
      %add3A_379 = vector.broadcast %add3A_378 : f32 to vector<16xf32>
      %add3A_380 = arith.addf %exp3A_377, %add3A_379 : vector<16xf32>
      %div3A_381 = arith.constant 2.000000e+00 : f32
      %div3A_382 = vector.broadcast %div3A_381 : f32 to vector<16xf32>
      %div3A_383 = arith.divf %div3A_382, %add3A_380 : vector<16xf32>
      %sub3A_384 = arith.constant 1.000000e+00 : f32
      %sub3A_385 = vector.broadcast %sub3A_384 : f32 to vector<16xf32>
      %sub3A_386 = arith.subf %sub3A_385, %div3A_383 : vector<16xf32>
      %mul3A_387 = arith.mulf %sub3A_386, %bitcast3A_369 : vector<16xf32>
      %swap3A_388 = arith.constant 80 : index
      %swap3A_389 = tpu.vector_load %arg12[%swap3A_388] {strides = array<i32>} : memref<112xf32, #tpu.memory_space<vmem>>, vector<16xf32>,
      tpu.vector_store %arg12[%swap3A_388], %mul3A_387 {strides = array<i32>} : memref<112xf32, #tpu.memory_space<vmem>>, vector<16xf32>,
      %get3A_390 = arith.constant 0 : i32
      %get3A_391 = arith.index_cast %rem3A_163 : i32 to index
      %get3A_392 = arith.index_cast %get3A_390 : i32 to index
      %get3A_393 = arith.constant 96 : index
      %get3A_394 = tpu.vector_load %arg10[%get3A_391, %get3A_392, %get3A_393] {strides = array<i32>} : memref<3x2x112xi32, #tpu.memory_space<vmem>>, vector<16xi32>,
      %get3A_395 = arith.constant 1 : i32
      %get3A_396 = arith.index_cast %rem3A_163 : i32 to index
      %get3A_397 = arith.index_cast %get3A_395 : i32 to index
      %get3A_398 = arith.constant 96 : index
      %get3A_399 = tpu.vector_load %arg10[%get3A_396, %get3A_397, %get3A_398] {strides = array<i32>} : memref<3x2x112xi32, #tpu.memory_space<vmem>>, vector<16xi32>,
      %bitcast3A_400 = vector.bitcast %get3A_399 : vector<16xi32> to vector<16xf32>
      %get3A_401 = arith.index_cast %rem3A_165 : i32 to index
      %get3A_402 = arith.constant 96 : index
      %get3A_403 = tpu.vector_load %arg11[%get3A_401, %get3A_402] {strides = array<i32>} : memref<4x112xi32, #tpu.memory_space<vmem>>, vector<16xi32>,
      %gather3A_404 = tpu.vector_load_idx %arg8[%get3A_394] : memref<10000xf32, #tpu.memory_space<vmem>>[vector<16xi32>], vector<16xf32>,
      %gather3A_405 = tpu.vector_load_idx %arg9[%get3A_403] : memref<10000xf32, #tpu.memory_space<vmem>>[vector<16xi32>], vector<16xf32>,
      %add3A_406 = arith.addf %gather3A_404, %gather3A_405 : vector<16xf32>
      %add3A_407 = arith.addf %add3A_406, %add3A_406 : vector<16xf32>
      %exp3A_408 = math.exp %add3A_407 : vector<16xf32>
      %add3A_409 = arith.constant 1.000000e+00 : f32
      %add3A_410 = vector.broadcast %add3A_409 : f32 to vector<16xf32>
      %add3A_411 = arith.addf %exp3A_408, %add3A_410 : vector<16xf32>
      %div3A_412 = arith.constant 2.000000e+00 : f32
      %div3A_413 = vector.broadcast %div3A_412 : f32 to vector<16xf32>
      %div3A_414 = arith.divf %div3A_413, %add3A_411 : vector<16xf32>
      %sub3A_415 = arith.constant 1.000000e+00 : f32
      %sub3A_416 = vector.broadcast %sub3A_415 : f32 to vector<16xf32>
      %sub3A_417 = arith.subf %sub3A_416, %div3A_414 : vector<16xf32>
      %mul3A_418 = arith.mulf %sub3A_417, %bitcast3A_400 : vector<16xf32>
      %swap3A_419 = arith.constant 96 : index
      %swap3A_420 = tpu.vector_load %arg12[%swap3A_419] {strides = array<i32>} : memref<112xf32, #tpu.memory_space<vmem>>, vector<16xf32>,
      tpu.vector_store %arg12[%swap3A_419], %mul3A_418 {strides = array<i32>} : memref<112xf32, #tpu.memory_space<vmem>>, vector<16xf32>,
      %dma_wait3A_421 = arith.constant 0 : i32
      %dma_wait3A_422 = arith.constant 0 : i32
      %dma_wait3A_423 = arith.constant 0 : i32
      %dma_wait3A_424 = tpu.memref_slice %arg10[%dma_wait3A_421, %dma_wait3A_422, %dma_wait3A_423] : memref<3x2x112xi32, #tpu.memory_space<vmem>> -> memref<1x2x112xi32, #tpu.memory_space<vmem>>
      %dma_wait3A_425 = tpu.memref_squeeze %dma_wait3A_424 : memref<1x2x112xi32, #tpu.memory_space<vmem>> -> memref<2x112xi32, #tpu.memory_space<vmem>>
      %dma_wait3A_426 = arith.constant 0 : i32
      %dma_wait3A_427 = arith.constant 0 : i32
      %dma_wait3A_428 = tpu.memref_slice %arg3[%add3A, %dma_wait3A_426, %dma_wait3A_427] : memref<2864x2x112xi32, #tpu.memory_space<hbm>> -> memref<1x2x112xi32, #tpu.memory_space<hbm>>
      %dma_wait3A_429 = tpu.memref_squeeze %dma_wait3A_428 : memref<1x2x112xi32, #tpu.memory_space<hbm>> -> memref<2x112xi32, #tpu.memory_space<hbm>>
      %dma_wait3A_430 = arith.constant 0 : i32
      %dma_wait3A_431 = arith.constant 0 : i32
      %dma_wait3A_432 = tpu.memref_slice %arg10[%dma_wait3A_421, %dma_wait3A_430, %dma_wait3A_431] : memref<3x2x112xi32, #tpu.memory_space<vmem>> -> memref<1x2x112xi32, #tpu.memory_space<vmem>>
      %dma_wait3A_433 = tpu.memref_squeeze %dma_wait3A_432 : memref<1x2x112xi32, #tpu.memory_space<vmem>> -> memref<2x112xi32, #tpu.memory_space<vmem>>
      %dma_wait3A_434 = arith.constant 0 : i32
      %dma_wait3A_435 = arith.constant 0 : i32
      %dma_wait3A_436 = tpu.memref_slice %arg3[%add3A, %dma_wait3A_434, %dma_wait3A_435] : memref<2864x2x112xi32, #tpu.memory_space<hbm>> -> memref<1x2x112xi32, #tpu.memory_space<hbm>>
      %dma_wait3A_437 = tpu.memref_squeeze %dma_wait3A_436 : memref<1x2x112xi32, #tpu.memory_space<hbm>> -> memref<2x112xi32, #tpu.memory_space<hbm>>
      tpu.wait_dma2 semaphore(%arg14 : memref<!tpu.dma_semaphore, #tpu.memory_space<semaphore_mem>>) src(%dma_wait3A_437 : memref<2x112xi32, #tpu.memory_space<hbm>>) dst(%dma_wait3A_433 : memref<2x112xi32, #tpu.memory_space<vmem>>)
      %dma_wait3A_438 = arith.constant 0 : i32
      %dma_wait3A_439 = arith.constant 0 : i32
      %dma_wait3A_440 = tpu.memref_slice %arg11[%dma_wait3A_438, %dma_wait3A_439] : memref<4x112xi32, #tpu.memory_space<vmem>> -> memref<1x112xi32, #tpu.memory_space<vmem>>
      %dma_wait3A_441 = tpu.memref_squeeze %dma_wait3A_440 : memref<1x112xi32, #tpu.memory_space<vmem>> -> memref<112xi32, #tpu.memory_space<vmem>>
      %dma_wait3A_442 = tpu.memref_slice %arg4[%mul3A_6] : memref<320768xi32, #tpu.memory_space<hbm>> -> memref<112xi32, #tpu.memory_space<hbm>>
      %dma_wait3A_443 = arith.constant 0 : i32
      %dma_wait3A_444 = tpu.memref_slice %arg11[%dma_wait3A_438, %dma_wait3A_443] : memref<4x112xi32, #tpu.memory_space<vmem>> -> memref<1x112xi32, #tpu.memory_space<vmem>>
      %dma_wait3A_445 = tpu.memref_squeeze %dma_wait3A_444 : memref<1x112xi32, #tpu.memory_space<vmem>> -> memref<112xi32, #tpu.memory_space<vmem>>
      %dma_wait3A_446 = tpu.memref_slice %arg4[%mul3A_6] : memref<320768xi32, #tpu.memory_space<hbm>> -> memref<112xi32, #tpu.memory_space<hbm>>
      tpu.wait_dma2 semaphore(%arg14 : memref<!tpu.dma_semaphore, #tpu.memory_space<semaphore_mem>>) src(%dma_wait3A_446 : memref<112xi32, #tpu.memory_space<hbm>>) dst(%dma_wait3A_445 : memref<112xi32, #tpu.memory_space<vmem>>)
      %ge3A = arith.constant 1 : i32
      %ge3A_447 = arith.cmpi sge, %add3A_162, %ge3A : i32
      %convert_element_type3A = arith.extui %ge3A_447 : i1 to i32
      %cond3A = arith.constant 0 : i32
      %cond3A_448 = arith.cmpi ne, %convert_element_type3A, %cond3A : i32
      scf.if %cond3A_448 {
        %dma_wait3A_501 = arith.constant 0 : i32
        %dma_wait3A_502 = arith.constant 0 : i32
        %dma_wait3A_503 = arith.constant 0 : i32
        %dma_wait3A_504 = arith.constant 0 : i32
        %dma_wait3A_505 = tpu.memref_slice %arg13[%dma_wait3A_501, %dma_wait3A_503, %dma_wait3A_504] : memref<2x112x128xf32, #tpu.memory_space<vmem>> -> memref<1x112x128xf32, #tpu.memory_space<vmem>>
        %dma_wait3A_506 = tpu.memref_squeeze %dma_wait3A_505 : memref<1x112x128xf32, #tpu.memory_space<vmem>> -> memref<112x128xf32, #tpu.memory_space<vmem>>
        %dma_wait3A_507 = arith.constant 0 : i32
        %dma_wait3A_508 = tpu.memref_slice %arg11[%dma_wait3A_502, %dma_wait3A_507] : memref<4x112xi32, #tpu.memory_space<vmem>> -> memref<1x112xi32, #tpu.memory_space<vmem>>
        %dma_wait3A_509 = tpu.memref_squeeze %dma_wait3A_508 : memref<1x112xi32, #tpu.memory_space<vmem>> -> memref<112xi32, #tpu.memory_space<vmem>>
        %dma_wait3A_510 = arith.constant 0 : i32
        %dma_wait3A_511 = arith.constant 0 : i32
        %dma_wait3A_512 = tpu.memref_slice %arg7[%dma_wait3A_510, %dma_wait3A_511] : memref<10000x128xf32, #tpu.memory_space<vmem_shared>> -> memref<10000x128xf32, #tpu.memory_space<vmem_shared>>
        tpu.wait_indirect_dma semaphore(%arg16 : memref<!tpu.dma_semaphore, #tpu.memory_space<semaphore_mem>>) src(%dma_wait3A_506 : memref<112x128xf32, #tpu.memory_space<vmem>>) dst(%dma_wait3A_512 : memref<10000x128xf32, #tpu.memory_space<vmem_shared>>)
      } else {
      }
      %add3A_449 = arith.constant 1 : i32
      %add3A_450 = arith.addi %add3A_162, %add3A_449 : i32
      %sub3A_451 = arith.constant 1 : i32
      %sub3A_452 = arith.subi %select_n3A, %sub3A_451 : i32
      %min3A_453 = arith.minsi %add3A_450, %sub3A_452 : i32
      %add3A_454 = arith.constant 1 : i32
      %add3A_455 = arith.addi %add3A_162, %add3A_454 : i32
      %rem3A_456 = arith.constant 3 : i32
      %rem3A_457 = arith.remsi %add3A_455, %rem3A_456 : i32
      %add3A_458 = arith.constant 1 : i32
      %add3A_459 = arith.addi %add3A_162, %add3A_458 : i32
      %rem3A_460 = arith.constant 2 : i32
      %rem3A_461 = arith.remsi %add3A_459, %rem3A_460 : i32
      %dma_start3A_462 = arith.constant 0 : i32
      %dma_start3A_463 = arith.constant 0 : i32
      %dma_start3A_464 = arith.constant 0 : i32
      %dma_start3A_465 = tpu.memref_slice %arg13[%rem3A_461, %dma_start3A_463, %dma_start3A_464] : memref<2x112x128xf32, #tpu.memory_space<vmem>> -> memref<1x112x128xf32, #tpu.memory_space<vmem>>
      %dma_start3A_466 = tpu.memref_squeeze %dma_start3A_465 : memref<1x112x128xf32, #tpu.memory_space<vmem>> -> memref<112x128xf32, #tpu.memory_space<vmem>>
      %dma_start3A_467 = arith.constant 0 : i32
      %dma_start3A_468 = tpu.memref_slice %arg10[%rem3A_457, %dma_start3A_462, %dma_start3A_467] : memref<3x2x112xi32, #tpu.memory_space<vmem>> -> memref<1x1x112xi32, #tpu.memory_space<vmem>>
      %dma_start3A_469 = tpu.memref_squeeze %dma_start3A_468 : memref<1x1x112xi32, #tpu.memory_space<vmem>> -> memref<112xi32, #tpu.memory_space<vmem>>
      %dma_start3A_470 = arith.constant 0 : i32
      %dma_start3A_471 = arith.constant 0 : i32
      %dma_start3A_472 = tpu.memref_slice %arg2[%dma_start3A_470, %dma_start3A_471] : memref<10000x128xf32, #tpu.memory_space<hbm>> -> memref<10000x128xf32, #tpu.memory_space<hbm>>
      tpu.enqueue_indirect_dma source(%dma_start3A_472 : memref<10000x128xf32, #tpu.memory_space<hbm>>) target(%dma_start3A_466 : memref<112x128xf32, #tpu.memory_space<vmem>>) offsets(%dma_start3A_469 : memref<112xi32, #tpu.memory_space<vmem>>) semaphore(%arg15 : memref<!tpu.dma_semaphore, #tpu.memory_space<semaphore_mem>>)
      %dma_wait3A_473 = arith.constant 0 : i32
      %dma_wait3A_474 = arith.constant 0 : i32
      %dma_wait3A_475 = arith.constant 0 : i32
      %dma_wait3A_476 = arith.constant 0 : i32
      %dma_wait3A_477 = arith.constant 0 : i32
      %dma_wait3A_478 = tpu.memref_slice %arg13[%dma_wait3A_475, %dma_wait3A_476, %dma_wait3A_477] : memref<2x112x128xf32, #tpu.memory_space<vmem>> -> memref<1x112x128xf32, #tpu.memory_space<vmem>>
      %dma_wait3A_479 = tpu.memref_squeeze %dma_wait3A_478 : memref<1x112x128xf32, #tpu.memory_space<vmem>> -> memref<112x128xf32, #tpu.memory_space<vmem>>
      %dma_wait3A_480 = arith.constant 0 : i32
      %dma_wait3A_481 = tpu.memref_slice %arg10[%dma_wait3A_473, %dma_wait3A_474, %dma_wait3A_480] : memref<3x2x112xi32, #tpu.memory_space<vmem>> -> memref<1x1x112xi32, #tpu.memory_space<vmem>>
      %dma_wait3A_482 = tpu.memref_squeeze %dma_wait3A_481 : memref<1x1x112xi32, #tpu.memory_space<vmem>> -> memref<112xi32, #tpu.memory_space<vmem>>
      %dma_wait3A_483 = arith.constant 0 : i32
      %dma_wait3A_484 = arith.constant 0 : i32
      %dma_wait3A_485 = tpu.memref_slice %arg2[%dma_wait3A_483, %dma_wait3A_484] : memref<10000x128xf32, #tpu.memory_space<hbm>> -> memref<10000x128xf32, #tpu.memory_space<hbm>>
      tpu.wait_indirect_dma semaphore(%arg15 : memref<!tpu.dma_semaphore, #tpu.memory_space<semaphore_mem>>) src(%dma_wait3A_485 : memref<10000x128xf32, #tpu.memory_space<hbm>>) dst(%dma_wait3A_479 : memref<112x128xf32, #tpu.memory_space<vmem>>)
      %scan3A_486 = arith.constant 0 : i32
      %scan3A_487 = arith.constant 112 : i32
      %scan3A_488 = arith.addi %scan3A_486, %scan3A_487 : i32
      %scan3A_489 = arith.constant 4 : i32
      scf.for %scan3A_501 = %scan3A_486 to %scan3A_488 step %scan3A_489  : i32 {
        %mul3A_502 = arith.constant 1 : i32
        %mul3A_503 = arith.muli %scan3A_501, %mul3A_502 : i32
        %add3A_504 = arith.constant 0 : i32
        %add3A_505 = arith.addi %add3A_504, %mul3A_503 : i32
        %broadcast_in_dim3A = vector.broadcast %add3A_505 : i32 to vector<16xi32>
        %gather3A_506 = tpu.vector_load_idx %arg12[%broadcast_in_dim3A] : memref<112xf32, #tpu.memory_space<vmem>>[vector<16xi32>], vector<16xf32>,
        %get3A_507 = arith.index_cast %rem3A_167 : i32 to index
        %get3A_508 = arith.index_cast %add3A_505 : i32 to index
        %get3A_509 = arith.constant 0 : index
        %get3A_510 = tpu.vector_load %arg13[%get3A_507, %get3A_508, %get3A_509] {strides = array<i32>} : memref<2x112x128xf32, #tpu.memory_space<vmem>>, vector<16xf32>,
        %mul3A_511 = arith.mulf %get3A_510, %gather3A_506 : vector<16xf32>
        %swap3A_512 = arith.index_cast %rem3A_167 : i32 to index
        %swap3A_513 = arith.index_cast %add3A_505 : i32 to index
        %swap3A_514 = arith.constant 0 : index
        %swap3A_515 = tpu.vector_load %arg13[%swap3A_512, %swap3A_513, %swap3A_514] {strides = array<i32>} : memref<2x112x128xf32, #tpu.memory_space<vmem>>, vector<16xf32>,
        tpu.vector_store %arg13[%swap3A_512, %swap3A_513, %swap3A_514], %mul3A_511 {strides = array<i32>} : memref<2x112x128xf32, #tpu.memory_space<vmem>>, vector<16xf32>,
        %get3A_516 = arith.index_cast %rem3A_167 : i32 to index
        %get3A_517 = arith.index_cast %add3A_505 : i32 to index
        %get3A_518 = arith.constant 16 : index
        %get3A_519 = tpu.vector_load %arg13[%get3A_516, %get3A_517, %get3A_518] {strides = array<i32>} : memref<2x112x128xf32, #tpu.memory_space<vmem>>, vector<16xf32>,
        %mul3A_520 = arith.mulf %get3A_519, %gather3A_506 : vector<16xf32>
        %swap3A_521 = arith.index_cast %rem3A_167 : i32 to index
        %swap3A_522 = arith.index_cast %add3A_505 : i32 to index
        %swap3A_523 = arith.constant 16 : index
        %swap3A_524 = tpu.vector_load %arg13[%swap3A_521, %swap3A_522, %swap3A_523] {strides = array<i32>} : memref<2x112x128xf32, #tpu.memory_space<vmem>>, vector<16xf32>,
        tpu.vector_store %arg13[%swap3A_521, %swap3A_522, %swap3A_523], %mul3A_520 {strides = array<i32>} : memref<2x112x128xf32, #tpu.memory_space<vmem>>, vector<16xf32>,
        %get3A_525 = arith.index_cast %rem3A_167 : i32 to index
        %get3A_526 = arith.index_cast %add3A_505 : i32 to index
        %get3A_527 = arith.constant 32 : index
        %get3A_528 = tpu.vector_load %arg13[%get3A_525, %get3A_526, %get3A_527] {strides = array<i32>} : memref<2x112x128xf32, #tpu.memory_space<vmem>>, vector<16xf32>,
        %mul3A_529 = arith.mulf %get3A_528, %gather3A_506 : vector<16xf32>
        %swap3A_530 = arith.index_cast %rem3A_167 : i32 to index
        %swap3A_531 = arith.index_cast %add3A_505 : i32 to index
        %swap3A_532 = arith.constant 32 : index
        %swap3A_533 = tpu.vector_load %arg13[%swap3A_530, %swap3A_531, %swap3A_532] {strides = array<i32>} : memref<2x112x128xf32, #tpu.memory_space<vmem>>, vector<16xf32>,
        tpu.vector_store %arg13[%swap3A_530, %swap3A_531, %swap3A_532], %mul3A_529 {strides = array<i32>} : memref<2x112x128xf32, #tpu.memory_space<vmem>>, vector<16xf32>,
        %get3A_534 = arith.index_cast %rem3A_167 : i32 to index
        %get3A_535 = arith.index_cast %add3A_505 : i32 to index
        %get3A_536 = arith.constant 48 : index
        %get3A_537 = tpu.vector_load %arg13[%get3A_534, %get3A_535, %get3A_536] {strides = array<i32>} : memref<2x112x128xf32, #tpu.memory_space<vmem>>, vector<16xf32>,
        %mul3A_538 = arith.mulf %get3A_537, %gather3A_506 : vector<16xf32>
        %swap3A_539 = arith.index_cast %rem3A_167 : i32 to index
        %swap3A_540 = arith.index_cast %add3A_505 : i32 to index
        %swap3A_541 = arith.constant 48 : index
        %swap3A_542 = tpu.vector_load %arg13[%swap3A_539, %swap3A_540, %swap3A_541] {strides = array<i32>} : memref<2x112x128xf32, #tpu.memory_space<vmem>>, vector<16xf32>,
        tpu.vector_store %arg13[%swap3A_539, %swap3A_540, %swap3A_541], %mul3A_538 {strides = array<i32>} : memref<2x112x128xf32, #tpu.memory_space<vmem>>, vector<16xf32>,
        %get3A_543 = arith.index_cast %rem3A_167 : i32 to index
        %get3A_544 = arith.index_cast %add3A_505 : i32 to index
        %get3A_545 = arith.constant 64 : index
        %get3A_546 = tpu.vector_load %arg13[%get3A_543, %get3A_544, %get3A_545] {strides = array<i32>} : memref<2x112x128xf32, #tpu.memory_space<vmem>>, vector<16xf32>,
        %mul3A_547 = arith.mulf %get3A_546, %gather3A_506 : vector<16xf32>
        %swap3A_548 = arith.index_cast %rem3A_167 : i32 to index
        %swap3A_549 = arith.index_cast %add3A_505 : i32 to index
        %swap3A_550 = arith.constant 64 : index
        %swap3A_551 = tpu.vector_load %arg13[%swap3A_548, %swap3A_549, %swap3A_550] {strides = array<i32>} : memref<2x112x128xf32, #tpu.memory_space<vmem>>, vector<16xf32>,
        tpu.vector_store %arg13[%swap3A_548, %swap3A_549, %swap3A_550], %mul3A_547 {strides = array<i32>} : memref<2x112x128xf32, #tpu.memory_space<vmem>>, vector<16xf32>,
        %get3A_552 = arith.index_cast %rem3A_167 : i32 to index
        %get3A_553 = arith.index_cast %add3A_505 : i32 to index
        %get3A_554 = arith.constant 80 : index
        %get3A_555 = tpu.vector_load %arg13[%get3A_552, %get3A_553, %get3A_554] {strides = array<i32>} : memref<2x112x128xf32, #tpu.memory_space<vmem>>, vector<16xf32>,
        %mul3A_556 = arith.mulf %get3A_555, %gather3A_506 : vector<16xf32>
        %swap3A_557 = arith.index_cast %rem3A_167 : i32 to index
        %swap3A_558 = arith.index_cast %add3A_505 : i32 to index
        %swap3A_559 = arith.constant 80 : index
        %swap3A_560 = tpu.vector_load %arg13[%swap3A_557, %swap3A_558, %swap3A_559] {strides = array<i32>} : memref<2x112x128xf32, #tpu.memory_space<vmem>>, vector<16xf32>,
        tpu.vector_store %arg13[%swap3A_557, %swap3A_558, %swap3A_559], %mul3A_556 {strides = array<i32>} : memref<2x112x128xf32, #tpu.memory_space<vmem>>, vector<16xf32>,
        %get3A_561 = arith.index_cast %rem3A_167 : i32 to index
        %get3A_562 = arith.index_cast %add3A_505 : i32 to index
        %get3A_563 = arith.constant 96 : index
        %get3A_564 = tpu.vector_load %arg13[%get3A_561, %get3A_562, %get3A_563] {strides = array<i32>} : memref<2x112x128xf32, #tpu.memory_space<vmem>>, vector<16xf32>,
        %mul3A_565 = arith.mulf %get3A_564, %gather3A_506 : vector<16xf32>
        %swap3A_566 = arith.index_cast %rem3A_167 : i32 to index
        %swap3A_567 = arith.index_cast %add3A_505 : i32 to index
        %swap3A_568 = arith.constant 96 : index
        %swap3A_569 = tpu.vector_load %arg13[%swap3A_566, %swap3A_567, %swap3A_568] {strides = array<i32>} : memref<2x112x128xf32, #tpu.memory_space<vmem>>, vector<16xf32>,
        tpu.vector_store %arg13[%swap3A_566, %swap3A_567, %swap3A_568], %mul3A_565 {strides = array<i32>} : memref<2x112x128xf32, #tpu.memory_space<vmem>>, vector<16xf32>,
        %get3A_570 = arith.index_cast %rem3A_167 : i32 to index
        %get3A_571 = arith.index_cast %add3A_505 : i32 to index
        %get3A_572 = arith.constant 112 : index
        %get3A_573 = tpu.vector_load %arg13[%get3A_570, %get3A_571, %get3A_572] {strides = array<i32>} : memref<2x112x128xf32, #tpu.memory_space<vmem>>, vector<16xf32>,
        %mul3A_574 = arith.mulf %get3A_573, %gather3A_506 : vector<16xf32>
        %swap3A_575 = arith.index_cast %rem3A_167 : i32 to index
        %swap3A_576 = arith.index_cast %add3A_505 : i32 to index
        %swap3A_577 = arith.constant 112 : index
        %swap3A_578 = tpu.vector_load %arg13[%swap3A_575, %swap3A_576, %swap3A_577] {strides = array<i32>} : memref<2x112x128xf32, #tpu.memory_space<vmem>>, vector<16xf32>,
        tpu.vector_store %arg13[%swap3A_575, %swap3A_576, %swap3A_577], %mul3A_574 {strides = array<i32>} : memref<2x112x128xf32, #tpu.memory_space<vmem>>, vector<16xf32>,
        %scan3A_579 = arith.constant 1 : i32
        %scan3A_580 = arith.addi %scan3A_501, %scan3A_579 : i32
        %mul3A_581 = arith.constant 1 : i32
        %mul3A_582 = arith.muli %scan3A_580, %mul3A_581 : i32
        %add3A_583 = arith.constant 0 : i32
        %add3A_584 = arith.addi %add3A_583, %mul3A_582 : i32
        %broadcast_in_dim3A_585 = vector.broadcast %add3A_584 : i32 to vector<16xi32>
        %gather3A_586 = tpu.vector_load_idx %arg12[%broadcast_in_dim3A_585] : memref<112xf32, #tpu.memory_space<vmem>>[vector<16xi32>], vector<16xf32>,
        %get3A_587 = arith.index_cast %rem3A_167 : i32 to index
        %get3A_588 = arith.index_cast %add3A_584 : i32 to index
        %get3A_589 = arith.constant 0 : index
        %get3A_590 = tpu.vector_load %arg13[%get3A_587, %get3A_588, %get3A_589] {strides = array<i32>} : memref<2x112x128xf32, #tpu.memory_space<vmem>>, vector<16xf32>,
        %mul3A_591 = arith.mulf %get3A_590, %gather3A_586 : vector<16xf32>
        %swap3A_592 = arith.index_cast %rem3A_167 : i32 to index
        %swap3A_593 = arith.index_cast %add3A_584 : i32 to index
        %swap3A_594 = arith.constant 0 : index
        %swap3A_595 = tpu.vector_load %arg13[%swap3A_592, %swap3A_593, %swap3A_594] {strides = array<i32>} : memref<2x112x128xf32, #tpu.memory_space<vmem>>, vector<16xf32>,
        tpu.vector_store %arg13[%swap3A_592, %swap3A_593, %swap3A_594], %mul3A_591 {strides = array<i32>} : memref<2x112x128xf32, #tpu.memory_space<vmem>>, vector<16xf32>,
        %get3A_596 = arith.index_cast %rem3A_167 : i32 to index
        %get3A_597 = arith.index_cast %add3A_584 : i32 to index
        %get3A_598 = arith.constant 16 : index
        %get3A_599 = tpu.vector_load %arg13[%get3A_596, %get3A_597, %get3A_598] {strides = array<i32>} : memref<2x112x128xf32, #tpu.memory_space<vmem>>, vector<16xf32>,
        %mul3A_600 = arith.mulf %get3A_599, %gather3A_586 : vector<16xf32>
        %swap3A_601 = arith.index_cast %rem3A_167 : i32 to index
        %swap3A_602 = arith.index_cast %add3A_584 : i32 to index
        %swap3A_603 = arith.constant 16 : index
        %swap3A_604 = tpu.vector_load %arg13[%swap3A_601, %swap3A_602, %swap3A_603] {strides = array<i32>} : memref<2x112x128xf32, #tpu.memory_space<vmem>>, vector<16xf32>,
        tpu.vector_store %arg13[%swap3A_601, %swap3A_602, %swap3A_603], %mul3A_600 {strides = array<i32>} : memref<2x112x128xf32, #tpu.memory_space<vmem>>, vector<16xf32>,
        %get3A_605 = arith.index_cast %rem3A_167 : i32 to index
        %get3A_606 = arith.index_cast %add3A_584 : i32 to index
        %get3A_607 = arith.constant 32 : index
        %get3A_608 = tpu.vector_load %arg13[%get3A_605, %get3A_606, %get3A_607] {strides = array<i32>} : memref<2x112x128xf32, #tpu.memory_space<vmem>>, vector<16xf32>,
        %mul3A_609 = arith.mulf %get3A_608, %gather3A_586 : vector<16xf32>
        %swap3A_610 = arith.index_cast %rem3A_167 : i32 to index
        %swap3A_611 = arith.index_cast %add3A_584 : i32 to index
        %swap3A_612 = arith.constant 32 : index
        %swap3A_613 = tpu.vector_load %arg13[%swap3A_610, %swap3A_611, %swap3A_612] {strides = array<i32>} : memref<2x112x128xf32, #tpu.memory_space<vmem>>, vector<16xf32>,
        tpu.vector_store %arg13[%swap3A_610, %swap3A_611, %swap3A_612], %mul3A_609 {strides = array<i32>} : memref<2x112x128xf32, #tpu.memory_space<vmem>>, vector<16xf32>,
        %get3A_614 = arith.index_cast %rem3A_167 : i32 to index
        %get3A_615 = arith.index_cast %add3A_584 : i32 to index
        %get3A_616 = arith.constant 48 : index
        %get3A_617 = tpu.vector_load %arg13[%get3A_614, %get3A_615, %get3A_616] {strides = array<i32>} : memref<2x112x128xf32, #tpu.memory_space<vmem>>, vector<16xf32>,
        %mul3A_618 = arith.mulf %get3A_617, %gather3A_586 : vector<16xf32>
        %swap3A_619 = arith.index_cast %rem3A_167 : i32 to index
        %swap3A_620 = arith.index_cast %add3A_584 : i32 to index
        %swap3A_621 = arith.constant 48 : index
        %swap3A_622 = tpu.vector_load %arg13[%swap3A_619, %swap3A_620, %swap3A_621] {strides = array<i32>} : memref<2x112x128xf32, #tpu.memory_space<vmem>>, vector<16xf32>,
        tpu.vector_store %arg13[%swap3A_619, %swap3A_620, %swap3A_621], %mul3A_618 {strides = array<i32>} : memref<2x112x128xf32, #tpu.memory_space<vmem>>, vector<16xf32>,
        %get3A_623 = arith.index_cast %rem3A_167 : i32 to index
        %get3A_624 = arith.index_cast %add3A_584 : i32 to index
        %get3A_625 = arith.constant 64 : index
        %get3A_626 = tpu.vector_load %arg13[%get3A_623, %get3A_624, %get3A_625] {strides = array<i32>} : memref<2x112x128xf32, #tpu.memory_space<vmem>>, vector<16xf32>,
        %mul3A_627 = arith.mulf %get3A_626, %gather3A_586 : vector<16xf32>
        %swap3A_628 = arith.index_cast %rem3A_167 : i32 to index
        %swap3A_629 = arith.index_cast %add3A_584 : i32 to index
        %swap3A_630 = arith.constant 64 : index
        %swap3A_631 = tpu.vector_load %arg13[%swap3A_628, %swap3A_629, %swap3A_630] {strides = array<i32>} : memref<2x112x128xf32, #tpu.memory_space<vmem>>, vector<16xf32>,
        tpu.vector_store %arg13[%swap3A_628, %swap3A_629, %swap3A_630], %mul3A_627 {strides = array<i32>} : memref<2x112x128xf32, #tpu.memory_space<vmem>>, vector<16xf32>,
        %get3A_632 = arith.index_cast %rem3A_167 : i32 to index
        %get3A_633 = arith.index_cast %add3A_584 : i32 to index
        %get3A_634 = arith.constant 80 : index
        %get3A_635 = tpu.vector_load %arg13[%get3A_632, %get3A_633, %get3A_634] {strides = array<i32>} : memref<2x112x128xf32, #tpu.memory_space<vmem>>, vector<16xf32>,
        %mul3A_636 = arith.mulf %get3A_635, %gather3A_586 : vector<16xf32>
        %swap3A_637 = arith.index_cast %rem3A_167 : i32 to index
        %swap3A_638 = arith.index_cast %add3A_584 : i32 to index
        %swap3A_639 = arith.constant 80 : index
        %swap3A_640 = tpu.vector_load %arg13[%swap3A_637, %swap3A_638, %swap3A_639] {strides = array<i32>} : memref<2x112x128xf32, #tpu.memory_space<vmem>>, vector<16xf32>,
        tpu.vector_store %arg13[%swap3A_637, %swap3A_638, %swap3A_639], %mul3A_636 {strides = array<i32>} : memref<2x112x128xf32, #tpu.memory_space<vmem>>, vector<16xf32>,
        %get3A_641 = arith.index_cast %rem3A_167 : i32 to index
        %get3A_642 = arith.index_cast %add3A_584 : i32 to index
        %get3A_643 = arith.constant 96 : index
        %get3A_644 = tpu.vector_load %arg13[%get3A_641, %get3A_642, %get3A_643] {strides = array<i32>} : memref<2x112x128xf32, #tpu.memory_space<vmem>>, vector<16xf32>,
        %mul3A_645 = arith.mulf %get3A_644, %gather3A_586 : vector<16xf32>
        %swap3A_646 = arith.index_cast %rem3A_167 : i32 to index
        %swap3A_647 = arith.index_cast %add3A_584 : i32 to index
        %swap3A_648 = arith.constant 96 : index
        %swap3A_649 = tpu.vector_load %arg13[%swap3A_646, %swap3A_647, %swap3A_648] {strides = array<i32>} : memref<2x112x128xf32, #tpu.memory_space<vmem>>, vector<16xf32>,
        tpu.vector_store %arg13[%swap3A_646, %swap3A_647, %swap3A_648], %mul3A_645 {strides = array<i32>} : memref<2x112x128xf32, #tpu.memory_space<vmem>>, vector<16xf32>,
        %get3A_650 = arith.index_cast %rem3A_167 : i32 to index
        %get3A_651 = arith.index_cast %add3A_584 : i32 to index
        %get3A_652 = arith.constant 112 : index
        %get3A_653 = tpu.vector_load %arg13[%get3A_650, %get3A_651, %get3A_652] {strides = array<i32>} : memref<2x112x128xf32, #tpu.memory_space<vmem>>, vector<16xf32>,
        %mul3A_654 = arith.mulf %get3A_653, %gather3A_586 : vector<16xf32>
        %swap3A_655 = arith.index_cast %rem3A_167 : i32 to index
        %swap3A_656 = arith.index_cast %add3A_584 : i32 to index
        %swap3A_657 = arith.constant 112 : index
        %swap3A_658 = tpu.vector_load %arg13[%swap3A_655, %swap3A_656, %swap3A_657] {strides = array<i32>} : memref<2x112x128xf32, #tpu.memory_space<vmem>>, vector<16xf32>,
        tpu.vector_store %arg13[%swap3A_655, %swap3A_656, %swap3A_657], %mul3A_654 {strides = array<i32>} : memref<2x112x128xf32, #tpu.memory_space<vmem>>, vector<16xf32>,
        %scan3A_659 = arith.constant 2 : i32
        %scan3A_660 = arith.addi %scan3A_501, %scan3A_659 : i32
        %mul3A_661 = arith.constant 1 : i32
        %mul3A_662 = arith.muli %scan3A_660, %mul3A_661 : i32
        %add3A_663 = arith.constant 0 : i32
        %add3A_664 = arith.addi %add3A_663, %mul3A_662 : i32
        %broadcast_in_dim3A_665 = vector.broadcast %add3A_664 : i32 to vector<16xi32>
        %gather3A_666 = tpu.vector_load_idx %arg12[%broadcast_in_dim3A_665] : memref<112xf32, #tpu.memory_space<vmem>>[vector<16xi32>], vector<16xf32>,
        %get3A_667 = arith.index_cast %rem3A_167 : i32 to index
        %get3A_668 = arith.index_cast %add3A_664 : i32 to index
        %get3A_669 = arith.constant 0 : index
        %get3A_670 = tpu.vector_load %arg13[%get3A_667, %get3A_668, %get3A_669] {strides = array<i32>} : memref<2x112x128xf32, #tpu.memory_space<vmem>>, vector<16xf32>,
        %mul3A_671 = arith.mulf %get3A_670, %gather3A_666 : vector<16xf32>
        %swap3A_672 = arith.index_cast %rem3A_167 : i32 to index
        %swap3A_673 = arith.index_cast %add3A_664 : i32 to index
        %swap3A_674 = arith.constant 0 : index
        %swap3A_675 = tpu.vector_load %arg13[%swap3A_672, %swap3A_673, %swap3A_674] {strides = array<i32>} : memref<2x112x128xf32, #tpu.memory_space<vmem>>, vector<16xf32>,
        tpu.vector_store %arg13[%swap3A_672, %swap3A_673, %swap3A_674], %mul3A_671 {strides = array<i32>} : memref<2x112x128xf32, #tpu.memory_space<vmem>>, vector<16xf32>,
        %get3A_676 = arith.index_cast %rem3A_167 : i32 to index
        %get3A_677 = arith.index_cast %add3A_664 : i32 to index
        %get3A_678 = arith.constant 16 : index
        %get3A_679 = tpu.vector_load %arg13[%get3A_676, %get3A_677, %get3A_678] {strides = array<i32>} : memref<2x112x128xf32, #tpu.memory_space<vmem>>, vector<16xf32>,
        %mul3A_680 = arith.mulf %get3A_679, %gather3A_666 : vector<16xf32>
        %swap3A_681 = arith.index_cast %rem3A_167 : i32 to index
        %swap3A_682 = arith.index_cast %add3A_664 : i32 to index
        %swap3A_683 = arith.constant 16 : index
        %swap3A_684 = tpu.vector_load %arg13[%swap3A_681, %swap3A_682, %swap3A_683] {strides = array<i32>} : memref<2x112x128xf32, #tpu.memory_space<vmem>>, vector<16xf32>,
        tpu.vector_store %arg13[%swap3A_681, %swap3A_682, %swap3A_683], %mul3A_680 {strides = array<i32>} : memref<2x112x128xf32, #tpu.memory_space<vmem>>, vector<16xf32>,
        %get3A_685 = arith.index_cast %rem3A_167 : i32 to index
        %get3A_686 = arith.index_cast %add3A_664 : i32 to index
        %get3A_687 = arith.constant 32 : index
        %get3A_688 = tpu.vector_load %arg13[%get3A_685, %get3A_686, %get3A_687] {strides = array<i32>} : memref<2x112x128xf32, #tpu.memory_space<vmem>>, vector<16xf32>,
        %mul3A_689 = arith.mulf %get3A_688, %gather3A_666 : vector<16xf32>
        %swap3A_690 = arith.index_cast %rem3A_167 : i32 to index
        %swap3A_691 = arith.index_cast %add3A_664 : i32 to index
        %swap3A_692 = arith.constant 32 : index
        %swap3A_693 = tpu.vector_load %arg13[%swap3A_690, %swap3A_691, %swap3A_692] {strides = array<i32>} : memref<2x112x128xf32, #tpu.memory_space<vmem>>, vector<16xf32>,
        tpu.vector_store %arg13[%swap3A_690, %swap3A_691, %swap3A_692], %mul3A_689 {strides = array<i32>} : memref<2x112x128xf32, #tpu.memory_space<vmem>>, vector<16xf32>,
        %get3A_694 = arith.index_cast %rem3A_167 : i32 to index
        %get3A_695 = arith.index_cast %add3A_664 : i32 to index
        %get3A_696 = arith.constant 48 : index
        %get3A_697 = tpu.vector_load %arg13[%get3A_694, %get3A_695, %get3A_696] {strides = array<i32>} : memref<2x112x128xf32, #tpu.memory_space<vmem>>, vector<16xf32>,
        %mul3A_698 = arith.mulf %get3A_697, %gather3A_666 : vector<16xf32>
        %swap3A_699 = arith.index_cast %rem3A_167 : i32 to index
        %swap3A_700 = arith.index_cast %add3A_664 : i32 to index
        %swap3A_701 = arith.constant 48 : index
        %swap3A_702 = tpu.vector_load %arg13[%swap3A_699, %swap3A_700, %swap3A_701] {strides = array<i32>} : memref<2x112x128xf32, #tpu.memory_space<vmem>>, vector<16xf32>,
        tpu.vector_store %arg13[%swap3A_699, %swap3A_700, %swap3A_701], %mul3A_698 {strides = array<i32>} : memref<2x112x128xf32, #tpu.memory_space<vmem>>, vector<16xf32>,
        %get3A_703 = arith.index_cast %rem3A_167 : i32 to index
        %get3A_704 = arith.index_cast %add3A_664 : i32 to index
        %get3A_705 = arith.constant 64 : index
        %get3A_706 = tpu.vector_load %arg13[%get3A_703, %get3A_704, %get3A_705] {strides = array<i32>} : memref<2x112x128xf32, #tpu.memory_space<vmem>>, vector<16xf32>,
        %mul3A_707 = arith.mulf %get3A_706, %gather3A_666 : vector<16xf32>
        %swap3A_708 = arith.index_cast %rem3A_167 : i32 to index
        %swap3A_709 = arith.index_cast %add3A_664 : i32 to index
        %swap3A_710 = arith.constant 64 : index
        %swap3A_711 = tpu.vector_load %arg13[%swap3A_708, %swap3A_709, %swap3A_710] {strides = array<i32>} : memref<2x112x128xf32, #tpu.memory_space<vmem>>, vector<16xf32>,
        tpu.vector_store %arg13[%swap3A_708, %swap3A_709, %swap3A_710], %mul3A_707 {strides = array<i32>} : memref<2x112x128xf32, #tpu.memory_space<vmem>>, vector<16xf32>,
        %get3A_712 = arith.index_cast %rem3A_167 : i32 to index
        %get3A_713 = arith.index_cast %add3A_664 : i32 to index
        %get3A_714 = arith.constant 80 : index
        %get3A_715 = tpu.vector_load %arg13[%get3A_712, %get3A_713, %get3A_714] {strides = array<i32>} : memref<2x112x128xf32, #tpu.memory_space<vmem>>, vector<16xf32>,
        %mul3A_716 = arith.mulf %get3A_715, %gather3A_666 : vector<16xf32>
        %swap3A_717 = arith.index_cast %rem3A_167 : i32 to index
        %swap3A_718 = arith.index_cast %add3A_664 : i32 to index
        %swap3A_719 = arith.constant 80 : index
        %swap3A_720 = tpu.vector_load %arg13[%swap3A_717, %swap3A_718, %swap3A_719] {strides = array<i32>} : memref<2x112x128xf32, #tpu.memory_space<vmem>>, vector<16xf32>,
        tpu.vector_store %arg13[%swap3A_717, %swap3A_718, %swap3A_719], %mul3A_716 {strides = array<i32>} : memref<2x112x128xf32, #tpu.memory_space<vmem>>, vector<16xf32>,
        %get3A_721 = arith.index_cast %rem3A_167 : i32 to index
        %get3A_722 = arith.index_cast %add3A_664 : i32 to index
        %get3A_723 = arith.constant 96 : index
        %get3A_724 = tpu.vector_load %arg13[%get3A_721, %get3A_722, %get3A_723] {strides = array<i32>} : memref<2x112x128xf32, #tpu.memory_space<vmem>>, vector<16xf32>,
        %mul3A_725 = arith.mulf %get3A_724, %gather3A_666 : vector<16xf32>
        %swap3A_726 = arith.index_cast %rem3A_167 : i32 to index
        %swap3A_727 = arith.index_cast %add3A_664 : i32 to index
        %swap3A_728 = arith.constant 96 : index
        %swap3A_729 = tpu.vector_load %arg13[%swap3A_726, %swap3A_727, %swap3A_728] {strides = array<i32>} : memref<2x112x128xf32, #tpu.memory_space<vmem>>, vector<16xf32>,
        tpu.vector_store %arg13[%swap3A_726, %swap3A_727, %swap3A_728], %mul3A_725 {strides = array<i32>} : memref<2x112x128xf32, #tpu.memory_space<vmem>>, vector<16xf32>,
        %get3A_730 = arith.index_cast %rem3A_167 : i32 to index
        %get3A_731 = arith.index_cast %add3A_664 : i32 to index
        %get3A_732 = arith.constant 112 : index
        %get3A_733 = tpu.vector_load %arg13[%get3A_730, %get3A_731, %get3A_732] {strides = array<i32>} : memref<2x112x128xf32, #tpu.memory_space<vmem>>, vector<16xf32>,
        %mul3A_734 = arith.mulf %get3A_733, %gather3A_666 : vector<16xf32>
        %swap3A_735 = arith.index_cast %rem3A_167 : i32 to index
        %swap3A_736 = arith.index_cast %add3A_664 : i32 to index
        %swap3A_737 = arith.constant 112 : index
        %swap3A_738 = tpu.vector_load %arg13[%swap3A_735, %swap3A_736, %swap3A_737] {strides = array<i32>} : memref<2x112x128xf32, #tpu.memory_space<vmem>>, vector<16xf32>,
        tpu.vector_store %arg13[%swap3A_735, %swap3A_736, %swap3A_737], %mul3A_734 {strides = array<i32>} : memref<2x112x128xf32, #tpu.memory_space<vmem>>, vector<16xf32>,
        %scan3A_739 = arith.constant 3 : i32
        %scan3A_740 = arith.addi %scan3A_501, %scan3A_739 : i32
        %mul3A_741 = arith.constant 1 : i32
        %mul3A_742 = arith.muli %scan3A_740, %mul3A_741 : i32
        %add3A_743 = arith.constant 0 : i32
        %add3A_744 = arith.addi %add3A_743, %mul3A_742 : i32
        %broadcast_in_dim3A_745 = vector.broadcast %add3A_744 : i32 to vector<16xi32>
        %gather3A_746 = tpu.vector_load_idx %arg12[%broadcast_in_dim3A_745] : memref<112xf32, #tpu.memory_space<vmem>>[vector<16xi32>], vector<16xf32>,
        %get3A_747 = arith.index_cast %rem3A_167 : i32 to index
        %get3A_748 = arith.index_cast %add3A_744 : i32 to index
        %get3A_749 = arith.constant 0 : index
        %get3A_750 = tpu.vector_load %arg13[%get3A_747, %get3A_748, %get3A_749] {strides = array<i32>} : memref<2x112x128xf32, #tpu.memory_space<vmem>>, vector<16xf32>,
        %mul3A_751 = arith.mulf %get3A_750, %gather3A_746 : vector<16xf32>
        %swap3A_752 = arith.index_cast %rem3A_167 : i32 to index
        %swap3A_753 = arith.index_cast %add3A_744 : i32 to index
        %swap3A_754 = arith.constant 0 : index
        %swap3A_755 = tpu.vector_load %arg13[%swap3A_752, %swap3A_753, %swap3A_754] {strides = array<i32>} : memref<2x112x128xf32, #tpu.memory_space<vmem>>, vector<16xf32>,
        tpu.vector_store %arg13[%swap3A_752, %swap3A_753, %swap3A_754], %mul3A_751 {strides = array<i32>} : memref<2x112x128xf32, #tpu.memory_space<vmem>>, vector<16xf32>,
        %get3A_756 = arith.index_cast %rem3A_167 : i32 to index
        %get3A_757 = arith.index_cast %add3A_744 : i32 to index
        %get3A_758 = arith.constant 16 : index
        %get3A_759 = tpu.vector_load %arg13[%get3A_756, %get3A_757, %get3A_758] {strides = array<i32>} : memref<2x112x128xf32, #tpu.memory_space<vmem>>, vector<16xf32>,
        %mul3A_760 = arith.mulf %get3A_759, %gather3A_746 : vector<16xf32>
        %swap3A_761 = arith.index_cast %rem3A_167 : i32 to index
        %swap3A_762 = arith.index_cast %add3A_744 : i32 to index
        %swap3A_763 = arith.constant 16 : index
        %swap3A_764 = tpu.vector_load %arg13[%swap3A_761, %swap3A_762, %swap3A_763] {strides = array<i32>} : memref<2x112x128xf32, #tpu.memory_space<vmem>>, vector<16xf32>,
        tpu.vector_store %arg13[%swap3A_761, %swap3A_762, %swap3A_763], %mul3A_760 {strides = array<i32>} : memref<2x112x128xf32, #tpu.memory_space<vmem>>, vector<16xf32>,
        %get3A_765 = arith.index_cast %rem3A_167 : i32 to index
        %get3A_766 = arith.index_cast %add3A_744 : i32 to index
        %get3A_767 = arith.constant 32 : index
        %get3A_768 = tpu.vector_load %arg13[%get3A_765, %get3A_766, %get3A_767] {strides = array<i32>} : memref<2x112x128xf32, #tpu.memory_space<vmem>>, vector<16xf32>,
        %mul3A_769 = arith.mulf %get3A_768, %gather3A_746 : vector<16xf32>
        %swap3A_770 = arith.index_cast %rem3A_167 : i32 to index
        %swap3A_771 = arith.index_cast %add3A_744 : i32 to index
        %swap3A_772 = arith.constant 32 : index
        %swap3A_773 = tpu.vector_load %arg13[%swap3A_770, %swap3A_771, %swap3A_772] {strides = array<i32>} : memref<2x112x128xf32, #tpu.memory_space<vmem>>, vector<16xf32>,
        tpu.vector_store %arg13[%swap3A_770, %swap3A_771, %swap3A_772], %mul3A_769 {strides = array<i32>} : memref<2x112x128xf32, #tpu.memory_space<vmem>>, vector<16xf32>,
        %get3A_774 = arith.index_cast %rem3A_167 : i32 to index
        %get3A_775 = arith.index_cast %add3A_744 : i32 to index
        %get3A_776 = arith.constant 48 : index
        %get3A_777 = tpu.vector_load %arg13[%get3A_774, %get3A_775, %get3A_776] {strides = array<i32>} : memref<2x112x128xf32, #tpu.memory_space<vmem>>, vector<16xf32>,
        %mul3A_778 = arith.mulf %get3A_777, %gather3A_746 : vector<16xf32>
        %swap3A_779 = arith.index_cast %rem3A_167 : i32 to index
        %swap3A_780 = arith.index_cast %add3A_744 : i32 to index
        %swap3A_781 = arith.constant 48 : index
        %swap3A_782 = tpu.vector_load %arg13[%swap3A_779, %swap3A_780, %swap3A_781] {strides = array<i32>} : memref<2x112x128xf32, #tpu.memory_space<vmem>>, vector<16xf32>,
        tpu.vector_store %arg13[%swap3A_779, %swap3A_780, %swap3A_781], %mul3A_778 {strides = array<i32>} : memref<2x112x128xf32, #tpu.memory_space<vmem>>, vector<16xf32>,
        %get3A_783 = arith.index_cast %rem3A_167 : i32 to index
        %get3A_784 = arith.index_cast %add3A_744 : i32 to index
        %get3A_785 = arith.constant 64 : index
        %get3A_786 = tpu.vector_load %arg13[%get3A_783, %get3A_784, %get3A_785] {strides = array<i32>} : memref<2x112x128xf32, #tpu.memory_space<vmem>>, vector<16xf32>,
        %mul3A_787 = arith.mulf %get3A_786, %gather3A_746 : vector<16xf32>
        %swap3A_788 = arith.index_cast %rem3A_167 : i32 to index
        %swap3A_789 = arith.index_cast %add3A_744 : i32 to index
        %swap3A_790 = arith.constant 64 : index
        %swap3A_791 = tpu.vector_load %arg13[%swap3A_788, %swap3A_789, %swap3A_790] {strides = array<i32>} : memref<2x112x128xf32, #tpu.memory_space<vmem>>, vector<16xf32>,
        tpu.vector_store %arg13[%swap3A_788, %swap3A_789, %swap3A_790], %mul3A_787 {strides = array<i32>} : memref<2x112x128xf32, #tpu.memory_space<vmem>>, vector<16xf32>,
        %get3A_792 = arith.index_cast %rem3A_167 : i32 to index
        %get3A_793 = arith.index_cast %add3A_744 : i32 to index
        %get3A_794 = arith.constant 80 : index
        %get3A_795 = tpu.vector_load %arg13[%get3A_792, %get3A_793, %get3A_794] {strides = array<i32>} : memref<2x112x128xf32, #tpu.memory_space<vmem>>, vector<16xf32>,
        %mul3A_796 = arith.mulf %get3A_795, %gather3A_746 : vector<16xf32>
        %swap3A_797 = arith.index_cast %rem3A_167 : i32 to index
        %swap3A_798 = arith.index_cast %add3A_744 : i32 to index
        %swap3A_799 = arith.constant 80 : index
        %swap3A_800 = tpu.vector_load %arg13[%swap3A_797, %swap3A_798, %swap3A_799] {strides = array<i32>} : memref<2x112x128xf32, #tpu.memory_space<vmem>>, vector<16xf32>,
        tpu.vector_store %arg13[%swap3A_797, %swap3A_798, %swap3A_799], %mul3A_796 {strides = array<i32>} : memref<2x112x128xf32, #tpu.memory_space<vmem>>, vector<16xf32>,
        %get3A_801 = arith.index_cast %rem3A_167 : i32 to index
        %get3A_802 = arith.index_cast %add3A_744 : i32 to index
        %get3A_803 = arith.constant 96 : index
        %get3A_804 = tpu.vector_load %arg13[%get3A_801, %get3A_802, %get3A_803] {strides = array<i32>} : memref<2x112x128xf32, #tpu.memory_space<vmem>>, vector<16xf32>,
        %mul3A_805 = arith.mulf %get3A_804, %gather3A_746 : vector<16xf32>
        %swap3A_806 = arith.index_cast %rem3A_167 : i32 to index
        %swap3A_807 = arith.index_cast %add3A_744 : i32 to index
        %swap3A_808 = arith.constant 96 : index
        %swap3A_809 = tpu.vector_load %arg13[%swap3A_806, %swap3A_807, %swap3A_808] {strides = array<i32>} : memref<2x112x128xf32, #tpu.memory_space<vmem>>, vector<16xf32>,
        tpu.vector_store %arg13[%swap3A_806, %swap3A_807, %swap3A_808], %mul3A_805 {strides = array<i32>} : memref<2x112x128xf32, #tpu.memory_space<vmem>>, vector<16xf32>,
        %get3A_810 = arith.index_cast %rem3A_167 : i32 to index
        %get3A_811 = arith.index_cast %add3A_744 : i32 to index
        %get3A_812 = arith.constant 112 : index
        %get3A_813 = tpu.vector_load %arg13[%get3A_810, %get3A_811, %get3A_812] {strides = array<i32>} : memref<2x112x128xf32, #tpu.memory_space<vmem>>, vector<16xf32>,
        %mul3A_814 = arith.mulf %get3A_813, %gather3A_746 : vector<16xf32>
        %swap3A_815 = arith.index_cast %rem3A_167 : i32 to index
        %swap3A_816 = arith.index_cast %add3A_744 : i32 to index
        %swap3A_817 = arith.constant 112 : index
        %swap3A_818 = tpu.vector_load %arg13[%swap3A_815, %swap3A_816, %swap3A_817] {strides = array<i32>} : memref<2x112x128xf32, #tpu.memory_space<vmem>>, vector<16xf32>,
        tpu.vector_store %arg13[%swap3A_815, %swap3A_816, %swap3A_817], %mul3A_814 {strides = array<i32>} : memref<2x112x128xf32, #tpu.memory_space<vmem>>, vector<16xf32>,
      }
      %scan3A_490 = arith.constant 112 : i32
      %dma_start3A_491 = arith.constant 0 : i32
      %dma_start3A_492 = arith.constant 0 : i32
      %dma_start3A_493 = tpu.memref_slice %arg13[%rem3A_167, %dma_start3A_491, %dma_start3A_492] : memref<2x112x128xf32, #tpu.memory_space<vmem>> -> memref<1x112x128xf32, #tpu.memory_space<vmem>>
      %dma_start3A_494 = tpu.memref_squeeze %dma_start3A_493 : memref<1x112x128xf32, #tpu.memory_space<vmem>> -> memref<112x128xf32, #tpu.memory_space<vmem>>
      %dma_start3A_495 = arith.constant 0 : i32
      %dma_start3A_496 = tpu.memref_slice %arg11[%rem3A_165, %dma_start3A_495] : memref<4x112xi32, #tpu.memory_space<vmem>> -> memref<1x112xi32, #tpu.memory_space<vmem>>
      %dma_start3A_497 = tpu.memref_squeeze %dma_start3A_496 : memref<1x112xi32, #tpu.memory_space<vmem>> -> memref<112xi32, #tpu.memory_space<vmem>>
      %dma_start3A_498 = arith.constant 0 : i32
      %dma_start3A_499 = arith.constant 0 : i32
      %dma_start3A_500 = tpu.memref_slice %arg7[%dma_start3A_498, %dma_start3A_499] : memref<10000x128xf32, #tpu.memory_space<vmem_shared>> -> memref<10000x128xf32, #tpu.memory_space<vmem_shared>>
      tpu.enqueue_indirect_dma source(%dma_start3A_494 : memref<112x128xf32, #tpu.memory_space<vmem>>) target(%dma_start3A_500 : memref<10000x128xf32, #tpu.memory_space<vmem_shared>>) offsets(%dma_start3A_497 : memref<112xi32, #tpu.memory_space<vmem>>) semaphore(%arg16 : memref<!tpu.dma_semaphore, #tpu.memory_space<semaphore_mem>>) {add = true}
    }
    %dma_wait3A = arith.constant 0 : i32
    %dma_wait3A_105 = arith.constant 0 : i32
    %dma_wait3A_106 = arith.constant 0 : i32
    %dma_wait3A_107 = arith.constant 0 : i32
    %dma_wait3A_108 = tpu.memref_slice %arg13[%dma_wait3A, %dma_wait3A_106, %dma_wait3A_107] : memref<2x112x128xf32, #tpu.memory_space<vmem>> -> memref<1x112x128xf32, #tpu.memory_space<vmem>>
    %dma_wait3A_109 = tpu.memref_squeeze %dma_wait3A_108 : memref<1x112x128xf32, #tpu.memory_space<vmem>> -> memref<112x128xf32, #tpu.memory_space<vmem>>
    %dma_wait3A_110 = arith.constant 0 : i32
    %dma_wait3A_111 = tpu.memref_slice %arg11[%dma_wait3A_105, %dma_wait3A_110] : memref<4x112xi32, #tpu.memory_space<vmem>> -> memref<1x112xi32, #tpu.memory_space<vmem>>
    %dma_wait3A_112 = tpu.memref_squeeze %dma_wait3A_111 : memref<1x112xi32, #tpu.memory_space<vmem>> -> memref<112xi32, #tpu.memory_space<vmem>>
    %dma_wait3A_113 = arith.constant 0 : i32
    %dma_wait3A_114 = arith.constant 0 : i32
    %dma_wait3A_115 = tpu.memref_slice %arg7[%dma_wait3A_113, %dma_wait3A_114] : memref<10000x128xf32, #tpu.memory_space<vmem_shared>> -> memref<10000x128xf32, #tpu.memory_space<vmem_shared>>
    tpu.wait_indirect_dma semaphore(%arg16 : memref<!tpu.dma_semaphore, #tpu.memory_space<semaphore_mem>>) src(%dma_wait3A_109 : memref<112x128xf32, #tpu.memory_space<vmem>>) dst(%dma_wait3A_115 : memref<10000x128xf32, #tpu.memory_space<vmem_shared>>)
    %dma_wait3A_116 = arith.constant 0 : i32
    %dma_wait3A_117 = arith.constant 0 : i32
    %dma_wait3A_118 = arith.constant 0 : i32
    %dma_wait3A_119 = arith.constant 0 : i32
    %dma_wait3A_120 = arith.constant 0 : i32
    %dma_wait3A_121 = tpu.memref_slice %arg13[%dma_wait3A_118, %dma_wait3A_119, %dma_wait3A_120] : memref<2x112x128xf32, #tpu.memory_space<vmem>> -> memref<1x112x128xf32, #tpu.memory_space<vmem>>
    %dma_wait3A_122 = tpu.memref_squeeze %dma_wait3A_121 : memref<1x112x128xf32, #tpu.memory_space<vmem>> -> memref<112x128xf32, #tpu.memory_space<vmem>>
    %dma_wait3A_123 = arith.constant 0 : i32
    %dma_wait3A_124 = tpu.memref_slice %arg10[%dma_wait3A_116, %dma_wait3A_117, %dma_wait3A_123] : memref<3x2x112xi32, #tpu.memory_space<vmem>> -> memref<1x1x112xi32, #tpu.memory_space<vmem>>
    %dma_wait3A_125 = tpu.memref_squeeze %dma_wait3A_124 : memref<1x1x112xi32, #tpu.memory_space<vmem>> -> memref<112xi32, #tpu.memory_space<vmem>>
    %dma_wait3A_126 = arith.constant 0 : i32
    %dma_wait3A_127 = arith.constant 0 : i32
    %dma_wait3A_128 = tpu.memref_slice %arg2[%dma_wait3A_126, %dma_wait3A_127] : memref<10000x128xf32, #tpu.memory_space<hbm>> -> memref<10000x128xf32, #tpu.memory_space<hbm>>
    tpu.wait_indirect_dma semaphore(%arg15 : memref<!tpu.dma_semaphore, #tpu.memory_space<semaphore_mem>>) src(%dma_wait3A_128 : memref<10000x128xf32, #tpu.memory_space<hbm>>) dst(%dma_wait3A_122 : memref<112x128xf32, #tpu.memory_space<vmem>>)
    %dma_wait3A_129 = arith.constant 0 : i32
    %dma_wait3A_130 = arith.constant 0 : i32
    %dma_wait3A_131 = arith.constant 0 : i32
    %dma_wait3A_132 = tpu.memref_slice %arg10[%dma_wait3A_129, %dma_wait3A_130, %dma_wait3A_131] : memref<3x2x112xi32, #tpu.memory_space<vmem>> -> memref<1x2x112xi32, #tpu.memory_space<vmem>>
    %dma_wait3A_133 = tpu.memref_squeeze %dma_wait3A_132 : memref<1x2x112xi32, #tpu.memory_space<vmem>> -> memref<2x112xi32, #tpu.memory_space<vmem>>
    %dma_wait3A_134 = arith.constant 0 : i32
    %dma_wait3A_135 = arith.constant 0 : i32
    %dma_wait3A_136 = tpu.memref_slice %arg3[%add3A, %dma_wait3A_134, %dma_wait3A_135] : memref<2864x2x112xi32, #tpu.memory_space<hbm>> -> memref<1x2x112xi32, #tpu.memory_space<hbm>>
    %dma_wait3A_137 = tpu.memref_squeeze %dma_wait3A_136 : memref<1x2x112xi32, #tpu.memory_space<hbm>> -> memref<2x112xi32, #tpu.memory_space<hbm>>
    %dma_wait3A_138 = arith.constant 0 : i32
    %dma_wait3A_139 = arith.constant 0 : i32
    %dma_wait3A_140 = tpu.memref_slice %arg10[%dma_wait3A_129, %dma_wait3A_138, %dma_wait3A_139] : memref<3x2x112xi32, #tpu.memory_space<vmem>> -> memref<1x2x112xi32, #tpu.memory_space<vmem>>
    %dma_wait3A_141 = tpu.memref_squeeze %dma_wait3A_140 : memref<1x2x112xi32, #tpu.memory_space<vmem>> -> memref<2x112xi32, #tpu.memory_space<vmem>>
    %dma_wait3A_142 = arith.constant 0 : i32
    %dma_wait3A_143 = arith.constant 0 : i32
    %dma_wait3A_144 = tpu.memref_slice %arg3[%add3A, %dma_wait3A_142, %dma_wait3A_143] : memref<2864x2x112xi32, #tpu.memory_space<hbm>> -> memref<1x2x112xi32, #tpu.memory_space<hbm>>
    %dma_wait3A_145 = tpu.memref_squeeze %dma_wait3A_144 : memref<1x2x112xi32, #tpu.memory_space<hbm>> -> memref<2x112xi32, #tpu.memory_space<hbm>>
    tpu.wait_dma2 semaphore(%arg14 : memref<!tpu.dma_semaphore, #tpu.memory_space<semaphore_mem>>) src(%dma_wait3A_145 : memref<2x112xi32, #tpu.memory_space<hbm>>) dst(%dma_wait3A_141 : memref<2x112xi32, #tpu.memory_space<vmem>>)
    %dma_wait3A_146 = arith.constant 0 : i32
    %dma_wait3A_147 = arith.constant 0 : i32
    %dma_wait3A_148 = tpu.memref_slice %arg11[%dma_wait3A_146, %dma_wait3A_147] : memref<4x112xi32, #tpu.memory_space<vmem>> -> memref<1x112xi32, #tpu.memory_space<vmem>>
    %dma_wait3A_149 = tpu.memref_squeeze %dma_wait3A_148 : memref<1x112xi32, #tpu.memory_space<vmem>> -> memref<112xi32, #tpu.memory_space<vmem>>
    %dma_wait3A_150 = tpu.memref_slice %arg4[%mul3A_6] : memref<320768xi32, #tpu.memory_space<hbm>> -> memref<112xi32, #tpu.memory_space<hbm>>
    %dma_wait3A_151 = arith.constant 0 : i32
    %dma_wait3A_152 = tpu.memref_slice %arg11[%dma_wait3A_146, %dma_wait3A_151] : memref<4x112xi32, #tpu.memory_space<vmem>> -> memref<1x112xi32, #tpu.memory_space<vmem>>
    %dma_wait3A_153 = tpu.memref_squeeze %dma_wait3A_152 : memref<1x112xi32, #tpu.memory_space<vmem>> -> memref<112xi32, #tpu.memory_space<vmem>>
    %dma_wait3A_154 = tpu.memref_slice %arg4[%mul3A_6] : memref<320768xi32, #tpu.memory_space<hbm>> -> memref<112xi32, #tpu.memory_space<hbm>>
    tpu.wait_dma2 semaphore(%arg14 : memref<!tpu.dma_semaphore, #tpu.memory_space<semaphore_mem>>) src(%dma_wait3A_154 : memref<112xi32, #tpu.memory_space<hbm>>) dst(%dma_wait3A_153 : memref<112xi32, #tpu.memory_space<vmem>>)
    %barrier3A_155 = arith.constant 0 : index
    tpu.barrier barrier_id(%barrier3A_155)
    %mul3A_156 = arith.constant 625 : i32
    %mul3A_157 = arith.muli %arg1, %mul3A_156 : i32
    %mul3A_158 = arith.constant 625 : i32
    %mul3A_159 = arith.muli %arg1, %mul3A_158 : i32
    "tpu.region"() ({
      %run_scoped3A_160 = tpu.sem_alloc : memref<!tpu.dma_semaphore, #tpu.memory_space<semaphore_mem>>
      %dma_start3A_161 = arith.constant 0 : i32
      %dma_start3A_162 = tpu.memref_slice %arg6[%arg0, %mul3A_159, %dma_start3A_161] : memref<2x10000x128xf32, #tpu.memory_space<hbm>> -> memref<1x625x128xf32, #tpu.memory_space<hbm>>
      %dma_start3A_163 = tpu.memref_squeeze %dma_start3A_162 : memref<1x625x128xf32, #tpu.memory_space<hbm>> -> memref<625x128xf32, #tpu.memory_space<hbm>>
      %dma_start3A_164 = arith.constant 0 : i32
      %dma_start3A_165 = tpu.memref_slice %arg7[%mul3A_157, %dma_start3A_164] : memref<10000x128xf32, #tpu.memory_space<vmem_shared>> -> memref<625x128xf32, #tpu.memory_space<vmem_shared>>
      tpu.enqueue_dma source(%dma_start3A_165 : memref<625x128xf32, #tpu.memory_space<vmem_shared>>) target(%dma_start3A_163 : memref<625x128xf32, #tpu.memory_space<hbm>>) target_semaphore(%run_scoped3A_160 : memref<!tpu.dma_semaphore, #tpu.memory_space<semaphore_mem>>)
      %dma_wait3A_166 = arith.constant 0 : i32
      %dma_wait3A_167 = tpu.memref_slice %arg6[%arg0, %mul3A_159, %dma_wait3A_166] : memref<2x10000x128xf32, #tpu.memory_space<hbm>> -> memref<1x625x128xf32, #tpu.memory_space<hbm>>
      %dma_wait3A_168 = tpu.memref_squeeze %dma_wait3A_167 : memref<1x625x128xf32, #tpu.memory_space<hbm>> -> memref<625x128xf32, #tpu.memory_space<hbm>>
      %dma_wait3A_169 = arith.constant 0 : i32
      %dma_wait3A_170 = tpu.memref_slice %arg7[%mul3A_157, %dma_wait3A_169] : memref<10000x128xf32, #tpu.memory_space<vmem_shared>> -> memref<625x128xf32, #tpu.memory_space<vmem_shared>>
      tpu.wait_dma2 semaphore(%run_scoped3A_160 : memref<!tpu.dma_semaphore, #tpu.memory_space<semaphore_mem>>) src(%dma_wait3A_170 : memref<625x128xf32, #tpu.memory_space<vmem_shared>>) dst(%dma_wait3A_168 : memref<625x128xf32, #tpu.memory_space<hbm>>)
      tpu.yield
    }) : () -> ()
    return
  }
}

module attributes {stable_mosaic.version = 14 : i64} {
  func.func @_matvec_body(%arg0: memref<10000x128xf32, #tpu.memory_space<vmem>>, %arg1: memref<2x128xf32, #tpu.memory_space<vmem>>, %arg2: memref<2x10000xf32, #tpu.memory_space<vmem>>) attributes {dimension_semantics = [], scalar_prefetch = 0 : i64, scratch_operands = 0 : i64, tpu.core_type = #tpu.core_type<tc>} {
    %get3A = arith.constant 0 : index
    %get3A_0 = arith.constant 0 : index
    %get3A_1 = vector.load %arg1[%get3A, %get3A_0] : memref<2x128xf32, #tpu.memory_space<vmem>>, vector<2x128xf32>
    %get3A_2 = arith.constant 0 : index
    %get3A_3 = arith.constant 0 : index
    %get3A_4 = vector.load %arg0[%get3A_2, %get3A_3] : memref<10000x128xf32, #tpu.memory_space<vmem>>, vector<10000x128xf32>
    %dot_general3A = arith.constant dense<0.000000e+00> : vector<2x10000xf32>
    %dot_general3A_5 = tpu.matmul %get3A_1, %get3A_4, %dot_general3A {dimension_numbers = #tpu.dot_dimension_numbers<[1], [1], [0], [0], [0, 0, 1, 0], [], []>, transpose_lhs_hint = false} : vector<2x128xf32>, vector<10000x128xf32>, vector<2x10000xf32> -> vector<2x10000xf32>
    %swap3A = arith.constant 0 : index
    %swap3A_6 = arith.constant 0 : index
    %swap3A_7 = vector.load %arg2[%swap3A, %swap3A_6] : memref<2x10000xf32, #tpu.memory_space<vmem>>, vector<2x10000xf32>
    tpu.vector_store %arg2[%swap3A, %swap3A_6], %dot_general3A_5 {strides = array<i32>} : memref<2x10000xf32, #tpu.memory_space<vmem>>, vector<2x10000xf32>,
    return
  }
}

module attributes {stable_mosaic.version = 14 : i64} {
  func.func @_combine_body(%arg0: i32, %arg1: memref<2x1000x128xf32, #tpu.memory_space<vmem>>, %arg2: memref<1000x128xf32, #tpu.memory_space<vmem>>) attributes {dimension_semantics = [#tpu.dimension_semantics<arbitrary>], iteration_bounds = array<i64: 10>, scalar_prefetch = 0 : i64, scratch_operands = 0 : i64, tpu.core_type = #tpu.core_type<tc>, window_params = [{transform_indices = @transform_0, window_bounds = array<i64: 2, 1000, 128>}, {transform_indices = @transform_1, window_bounds = array<i64: 1000, 128>}]} {
    %get3A = arith.constant 0 : index
    %get3A_0 = arith.constant 0 : index
    %get3A_1 = arith.constant 0 : index
    %get3A_2 = vector.load %arg1[%get3A, %get3A_0, %get3A_1] : memref<2x1000x128xf32, #tpu.memory_space<vmem>>, vector<1x1000x128xf32>
    %get3A_3 = vector.shape_cast %get3A_2 : vector<1x1000x128xf32> to vector<1000x128xf32>
    %get3A_4 = arith.constant 1 : index
    %get3A_5 = arith.constant 0 : index
    %get3A_6 = arith.constant 0 : index
    %get3A_7 = vector.load %arg1[%get3A_4, %get3A_5, %get3A_6] : memref<2x1000x128xf32, #tpu.memory_space<vmem>>, vector<1x1000x128xf32>
    %get3A_8 = vector.shape_cast %get3A_7 : vector<1x1000x128xf32> to vector<1000x128xf32>
    %add3A = arith.addf %get3A_3, %get3A_8 : vector<1000x128xf32>
    %swap3A = arith.constant 0 : index
    %swap3A_9 = arith.constant 0 : index
    %swap3A_10 = vector.load %arg2[%swap3A, %swap3A_9] : memref<1000x128xf32, #tpu.memory_space<vmem>>, vector<1000x128xf32>
    tpu.vector_store %arg2[%swap3A, %swap3A_9], %add3A {strides = array<i32>} : memref<1000x128xf32, #tpu.memory_space<vmem>>, vector<1000x128xf32>,
    return
  }
  func.func @transform_0(%arg0: i32) -> (i32, i32, i32) {
    %c0_i32 = arith.constant 0 : i32
    %c0_i32_0 = arith.constant 0 : i32
    %c0_i32_1 = arith.constant 0 : i32
    return %c0_i32, %arg0, %c0_i32_0 : i32, i32, i32
  }
  func.func @transform_1(%arg0: i32) -> (i32, i32) {
    %c0_i32 = arith.constant 0 : i32
    %c0_i32_0 = arith.constant 0 : i32
    return %arg0, %c0_i32 : i32, i32
  }
}

</mosaic_0001>

<sc_bundles>
// kernel: kernel.5.cloned.1.call-start
scs
__scs_entry_jumppad:
0x0: {  	(pc) =	sbr.rel $0x88, $3  }
0x1: {  	(tag) =	ssettag $0x0;
	lr =	simm.s32 $0x1  }
0x2: {  	[smem:$0x3F9C] =	sst lr;
	_ =	strace $0xD0000000  }
0x3: {  	_ = 	snop  }
0x4: {  	_ = 	snop  }
0x5: {  	_ = 	snop  }
0x6: {  	_ = 	snop  }
0x7: {  	_ = 	snop  }
__scs_overlays_trampoline_lowered:
0x8: {  	[smem:$0x3FAB] =	sst s0  }
0x9: {  	[smem:$0x3FAC] =	sst s1  }
0xa: {  	[smem:$0x3FAD] =	sst s2  }
0xb: {  	[smem:$0x3FAE] =	sst s3  }
0xc: {  	[smem:$0x3FAF] =	sst s4  }
0xd: {  	[smem:$0x3FB0] =	sst s5  }
0xe: {  	[smem:$0x3FB1] =	sst s6  }
0xf: {  	[smem:$0x3FB2] =	sst s7  }
0x10: {  	[smem:$0x3FB3] =	sst s8  }
0x11: {  	[smem:$0x3FB4] =	sst s9;
	s0 =	simm.s32 @!p0 $0x0  }
0x12: {  	s1 =	sld [smem:$0x3F9A];
	s0 =	simm.s32 @p0 $0x1  }
0x13: {  	[smem:$0x3FB5] =	sst s0;
	s0 =	simm.s32 @!p1 $0x0  }
0x14: {  	s2 =	sld [smem:$0x3F99];
	s0 =	simm.s32 @p1 $0x1  }
0x15: {  	[smem:$0x3FB6] =	sst s0;
	s0 =	simm.s32 @!p2 $0x0  }
0x16: {  	s3 =	sld [smem:$0x3FDB];
	s0 =	simm.s32 @p2 $0x1  }
0x17: {  	s4 =	simm.s32 $0x1BF5;
	[smem:$0x3FB8] =	sst s0  }
0x18: {  	s0 =	sld [smem:$0x3F9B];
	_ =	swait.ge [sflag:s4], $0x0  }
0x19: {  	s7 =	sld [smem:$0x3F9C]  }
0x1a: {  	s8 =	sadd.s32 $0xFFFFE003, lr  }
0x1b: {  	s9 =	sadd.s32 $0xFFFFFEF7, lr;
	s5 =	simm.s32 $0xFFFFFFFF;
	p2 =	slt.u32 s8, $0xFFFFF086  }
0x1c: {  	p1 =	slt.u32 s9, $0xF7A;
	s5 =	simm.s32 @!p2 $0x0  }
0x1d: {  	s5 =	simm.s32 @p1 $0x1;
	p0 =	seq.s32 s7, s2  }
0x1e: {  	s7 =	smul.u32 @!p0 $0xF7A, s2;
	p2 =	seq.s32 @!p0 s5, $0x0  }
0x1f: {  	s9 =	smul.u32 $0xF7A, s1;
	s8 =	simm.s32 @!p0 $0x1BF5;
	p2 =	por !p2, p0  }
0x20: {  	[sflag:s8] =	ssyncset.s32 @!p0 $0xFFFFF086;
	s6 =	sadd.s32 @!p0 s3, s7;
	s7 =	simm.s32 @!p0 $0x108  }
0x21: {  	s3 =	sadd.s32 s3, s9;
	s6 =	sadd.s32 @!p0 $0x88, s6;
	s7 =	simm.s32 @p2 $0x1082  }
0x22: {  	[simem:s7], [sflag:s8] =	dma.local @!p0 [hbm:s6], $0xF7A  }
0x23: {  	s9 =	sor.u32 $0xD0000000, s2;
	s6 =	simm.s32 $0x108;
	_ =	swait.ge @!p0 [sflag:s8], $0x0  }
0x24: {  	s3 =	sadd.s32 $0x88, s3;
	s6 =	simm.s32 @!p1 $0x1082;
	[sflag:s4] =	ssyncset.s32 $0xFFFFF086  }
0x25: {  	[simem:s6], [sflag:s4] =	dma.local [hbm:s3], $0xF7A  }
0x26: {  	[smem:$0x3F9C] =	sst s1;
	(tag) =	ssettag s2;
	_ =	strace s9  }
0x27: {  	s1 =	sld [smem:$0x3FAC]  }
0x28: {  	s2 =	sld [smem:$0x3FAD]  }
0x29: {  	s4 =	sld [smem:$0x3FAF]  }
0x2a: {  	p0 =	seq.s32 s5, $0x0;
	s5 =	sld [smem:$0x3FB0]  }
0x2b: {  	s6 =	sld [smem:$0x3FB1]  }
0x2c: {  	s7 =	sld [smem:$0x3FB2]  }
0x2d: {  	s3 =	simm.s32 $0x108;
	s8 =	sld [smem:$0x3FB3]  }
0x2e: {  	s3 =	simm.s32 @!p0 $0x1082;
	s9 =	sld [smem:$0x3FB4]  }
0x2f: {  	lr =	sadd.s32 s0, s3;
	s0 =	sld [smem:$0x3FAB]  }
0x30: {  	s3 =	sld [smem:$0x3FAE]  }
0x31: {  	[smem:$0x3FB7] =	sst s10  }
0x32: {  	s10 =	sld [smem:$0x3FB5];
	_ =	sdelay $0x3  }
0x33: {  	p0 =	seq.s32 s10, $0x1;
	s10 =	sld [smem:$0x3FB7];
	_ =	sdelay $0x3  }
0x34: {  	[smem:$0x3FB7] =	sst s10  }
0x35: {  	s10 =	sld [smem:$0x3FB6];
	_ =	sdelay $0x3  }
0x36: {  	p1 =	seq.s32 s10, $0x1;
	s10 =	sld [smem:$0x3FB7];
	_ =	sdelay $0x3  }
0x37: {  	[smem:$0x3FB7] =	sst s10  }
0x38: {  	s10 =	sld [smem:$0x3FB8]  }
0x39: {  	_ = 	snop;
	(pc) =	sbr.ind lr, $3  }
0x3a: {  	_ = 	snop  }
0x3b: {  	_ = 	snop  }
0x3c: {  	p2 =	seq.s32 s10, $0x1;
	s10 =	sld [smem:$0x3FB7]  }
0x3d: {  	_ =	shalt  }
0x3e: {  	_ =	shalt  }
0x3f: {  	_ =	shalt  }
0x40: {  	_ =	shalt  }
0x41: {  	_ =	shalt  }
0x42: {  	_ =	shalt  }
0x43: {  	_ =	shalt  }
0x44: {  	_ =	shalt  }
0x45: {  	_ =	shalt  }
0x46: {  	_ =	shalt  }
0x47: {  	_ =	shalt  }
0x48: {  	_ =	shalt  }
0x49: {  	_ =	shalt  }
0x4a: {  	_ =	shalt  }
0x4b: {  	_ =	shalt  }
0x4c: {  	_ =	shalt  }
0x4d: {  	_ =	shalt  }
0x4e: {  	_ =	shalt  }
0x4f: {  	_ =	shalt  }
0x50: {  	_ =	shalt  }
0x51: {  	_ =	shalt  }
0x52: {  	_ =	shalt  }
0x53: {  	_ =	shalt  }
0x54: {  	_ =	shalt  }
0x55: {  	_ =	shalt  }
0x56: {  	_ =	shalt  }
0x57: {  	_ =	shalt  }
0x58: {  	_ =	shalt  }
0x59: {  	_ =	shalt  }
0x5a: {  	_ =	shalt  }
0x5b: {  	_ =	shalt  }
0x5c: {  	_ =	shalt  }
0x5d: {  	_ =	shalt  }
0x5e: {  	_ =	shalt  }
0x5f: {  	_ =	shalt  }
0x60: {  	_ =	shalt  }
0x61: {  	_ =	shalt  }
0x62: {  	_ =	shalt  }
0x63: {  	_ =	shalt  }
0x64: {  	_ =	shalt  }
0x65: {  	_ =	shalt  }
0x66: {  	_ =	shalt  }
0x67: {  	_ =	shalt  }
0x68: {  	_ =	shalt  }
0x69: {  	_ =	shalt  }
0x6a: {  	_ =	shalt  }
0x6b: {  	_ =	shalt  }
0x6c: {  	_ =	shalt  }
0x6d: {  	_ =	shalt  }
0x6e: {  	_ =	shalt  }
0x6f: {  	_ =	shalt  }
0x70: {  	_ =	shalt  }
0x71: {  	_ =	shalt  }
0x72: {  	_ =	shalt  }
0x73: {  	_ =	shalt  }
0x74: {  	_ =	shalt  }
0x75: {  	_ =	shalt  }
0x76: {  	_ =	shalt  }
0x77: {  	_ =	shalt  }
0x78: {  	_ =	shalt  }
0x79: {  	_ =	shalt  }
0x7a: {  	_ =	shalt  }
0x7b: {  	_ =	shalt  }
0x7c: {  	_ =	shalt  }
0x7d: {  	_ =	shalt  }
0x7e: {  	_ =	shalt  }
0x7f: {  	_ =	shalt  }
0x80: {  	_ =	shalt  }
0x81: {  	_ =	shalt  }
0x82: {  	_ =	shalt  }
0x83: {  	_ =	shalt  }
0x84: {  	_ =	shalt  }
0x85: {  	_ =	shalt  }
0x86: {  	_ =	shalt  }
0x87: {  	_ =	shalt  }
.Lfunc_end0:
.L_simem_size_0:
called_computation_lowered:
.L_overlay_start_0:
0x88: {  	s2 =	sld [smem:$0x3FD9]  }
0x89: {  	s3 =	sld [smem:$0x3FFE];
	_ =	sdelay $0x1  }
0x8a: {  	s1 =	srdreg.scid  }
0x8b: {  	s0 =	sand.u32 $0x1, s1  }
0x8c: {  	s17 =	sshll.u32 s0, $0xA;
	s2 =	sadd.s32 s3, s2  }
0x8d: {  	s2 =	sadd.s32 s2, s17  }
0x8e: {  	[smem:$0x3FC3] =	sst s2  }
0x8f: {  	_ = 	snop  }
0x90: {  	s2 =	sld [smem:$0x3FC9]  }
0x91: {  	s18 =	sld [smem:$0x3FD0];
	(tm) =	ssettm $0x1  }
0x92: {  	s4 =	sld [smem:$0x3FFB];
	_ =	sdelay $0x3  }
0x93: {  	_ =	strace s4  }
0x94: {  	s4 =	sld [smem:$0x3FFC];
	_ =	sdelay $0x3  }
0x95: {  	_ =	strace s4  }
0x96: {  	s4 =	sld [smem:$0x3FFD];
	_ =	sdelay $0x3  }
0x97: {  	_ =	strace s4  }
0x98: {  	_ =	strace $0x8FFFFFFF  }
0x99: {  	s19 =	sld [smem:$0x3FDB];
	_ =	sdelay $0x1  }
0x9a: {  	s5 =	simm.s32 $_scs_section_size  }
0x9b: {  	s6 =	simm.s32 $_size__tile_overlayer_lowered;
	s7 =	simm.s32 $_tile_overlayer_lowered  }
0x9c: {  	s22 =	simm.s32 $0x1BFF;
	s21 =	sshll.u32 s7, $0x1;
	s4 =	sadd.s32 s5, s19  }
0x9d: {  	s8 =	simm.s32 $0x0;
	s20 =	sshll.u32 s6, $0x1;
	s6 =	sadd.s32 s21, s4  }
0x9e: {  	[timem:s8], [sflag:s22] =	dma.local [hbm:s6], s20  }
0x9f: {  	_ =	swait.ge [sflag:s22], s20  }
0xa0: {  	s5 =	ssub.s32 $0x0, s20;
	[sflag:s22] =	ssyncset.done $0x0  }
0xa1: {  	[sflag:s22] =	ssyncadd.s32 s5;
	_ =	sdelay $0x1  }
0xa2: {  	s23 =	simm.s32 $0x1B8B  }
0xa3: {  	_ =	swait.ge [sflag:s23], $0x1  }
0xa4: {  	[sflag:s23] =	ssyncset.done $0x0  }
0xa5: {  	s25 =	simm.s32 $0x1B8E;
	s24 =	sld [smem:$0x3FFE];
	[sflag:s23] =	ssyncadd.s32 $0xFFFFFFFF  }
0xa6: {  	s26 =	simm.s32 $execute0_lowered;
	[smem:$0x3FD2] =	sst s25  }
0xa7: {  	s6 =	sshll.u32 s26, $0x1;
	_ =	strace $0x80000046;
	[dreg:$0x1] =	wrdreg $0xFFFFFFFF  }
0xa8: {  	s28 =	simm.s32 $_size_execute0_lowered;
	s4 =	sadd.s32 s4, s6;
	[dreg:$0x0] =	wrdreg $0x0  }
0xa9: {  	s6 =	sshll.u32 s28, $0x1;
	[dreg:$0x2] =	wrdreg s4  }
0xaa: {  	[dreg:$0x3] =	wrdreg s6  }
0xab: {  	[dreg:$0x4] =	wrdreg $0xC0  }
0xac: {  	_ =	task [dreg:s8], $0x5FFFF  }
0xad: {  	[dreg:$0x1] =	wrdreg $0xFFFFFFFF  }
0xae: {  	[dreg:$0x0] =	wrdreg $0x60  }
0xaf: {  	[dreg:$0x2] =	wrdreg s2  }
0xb0: {  	[dreg:$0x3] =	wrdreg s18  }
0xb1: {  	[dreg:$0x4] =	wrdreg s24  }
0xb2: {  	[dreg:$0x5] =	wrdreg $0x0  }
0xb3: {  	[dreg:$0x6] =	wrdreg $0x9  }
0xb4: {  	_ =	task.clear_ibuf [dreg:s8], $0x7FFFF;
	_ =	strace $0x90000046  }
0xb5: {  	s29 =	simm.s32 $0x9;
	_ =	strace $0x80000048  }
0xb6: {  	_ =	swait.ge [sflag:s29], $0x1  }
0xb7: {  	[sflag:s29] =	ssyncadd.s32 $0xFFFFFFFF  }
0xb8: {  	_ =	strace $0x90000048  }
0xb9: {  	_ =	sfence  }
0xba: {  	s30 =	sld [smem:$0x0];
	_ =	sdelay $0x2  }
0xbb: {  	s31 =	sshll.u32 s1, $0xD;
	s1 =	sshrl.u32 s1, $0x2  }
0xbc: {  	s3 =	sand.u32 $0x4000, s31;
	s1 =	sadd.s32 s1, s30  }
0xbd: {  	s0 =	sor.u32 s3, s0;
	s1 =	sshll.u32 s1, $0x11  }
0xbe: {  	s0 =	sor.u32 s1, s0  }
0xbf: {  	s0 =	sadd.s32 $0x8F2B, s0  }
0xc0: {  	[sflag:s0] =	ssyncadd.remote.s32 $0x1  }
0xc1: {  	_ =	sfence.sel $0xFFFF  }
0xc2: {  	[dreg:$0x0] =	wrdreg $0xFFFFFFFF;
	(pc) =	sbr.abs _section_cstart, $3  }
0xc3: {  	[dreg:$0x1] =	wrdreg $0xFFFFFFFF  }
0xc4: {  	_ =	task.clear_ibuf [dreg:s8], $0x2FFFF;
	_ =	strace $0x9FFFFFFF  }
0xc5: {  	(tm) =	ssettm $0x7FFFFFFF  }
tec
execute0_lowered:
.L_overlay_start_1:
0x0: {  	(tag) =	ssettag $0x1  }
0x1: {  	s1 =	rddreg [dreg:$0x0]  }
0x2: {  	s2 =	rddreg [dreg:$0x1]  }
0x3: {  	s0 =	rddreg [dreg:$0x2]  }
0x4: {  	s4 =	rddreg [dreg:$0x3];
	s13 =	stileid.u32  }
0x5: {  	s3 =	srdreg.scid;
	s5 =	simm.s32 $0x0;
	s7 =	smul.u32 $0x13880, s13  }
0x6: {  	s28 =	simm.s32 $0x18B70;
	s30 =	simm.s32 $0x70;
	s14 =	smul.u32 $0xB3, s13  }
0x7: {  	s31 =	simm.s32 $0x1;
	s3 =	sand.u32 $0x1, s3;
	s13 =	smul.u32 $0x4E200, s13  }
0x8: {  	[smem:$0x7FF] =	sst s5;
	s6 =	sadd.s32 $0xE00, s0;
	s8 =	smul.u32 $0x138800, s3  }
0x9: {  	s9 =	sadd.s32 $0x400, s0;
	s10 =	ssub.s32 $0x2, s3;
	s11 =	smul.u32 $0x5A, s3  }
0xa: {  	_ =	strace $0x80000047;
	[dreg:$0x5] =	wrdreg s9;
	s15 =	sshrl.u32 s10, $0x1  }
0xb: {  	s16 =	sshrl.u32 s13, $0x2;
	s8 =	sadd.s32 s7, s8;
	s9 =	sadd.s32 s11, s14  }
0xc: {  	s10 =	ssub.s32 s10, s15;
	s8 =	sshrl.u32 s8, $0x3;
	s17 =	smul.u32 $0x1C, s9  }
0xd: {  	s11 =	sadd.s32 s7, s4;
	s12 =	sadd.s32 s8, s0;
	s0 =	sadd.s32 $0x8E2, s0  }
0xe: {  	s7 =	simm.s32 $0x3;
	[dreg:$0x6] =	wrdreg s0;
	s22 =	sadd.s32 s2, s17  }
0xf: {  	s0 =	sadd.s32 s16, s4;
	s29 =	sadd.s32 $0xAC00, s12;
	[dreg:$0xc] =	wrdreg s22  }
0x10: {  	s14 =	smul.u32 $0x70, s9;
	s18 =	sadd.s32 $0x3800, s0;
	[dreg:$0xf] =	wrdreg s29  }
0x11: {  	s20 =	smul.u32 $0xE0, s9;
	s19 =	sadd.s32 $0x7000, s0;
	[dreg:$0x7] =	wrdreg s18  }
0x12: {  	s8 =	ssub.s32 $0x5A, s3;
	s15 =	sadd.s32 $0xA800, s0;
	[dreg:$0x8] =	wrdreg s19  }
0x13: {  	s23 =	sshrl.u32 s14, $0x3;
	s21 =	sadd.s32 $0xE000, s0;
	[dreg:$0x9] =	wrdreg s15  }
0x14: {  	s24 =	sshrl.u32 s20, $0x3;
	s0 =	sadd.s32 $0x11800, s0;
	[dreg:$0xa] =	wrdreg s21  }
0x15: {  	s25 =	sadd.s32 s2, s24;
	s24 =	simm.s32 $0x13880;
	[dreg:$0xb] =	wrdreg s0  }
0x16: {  	s18 =	sadd.s32 s6, s23;
	s19 =	sxor.u32 $0x59, s3;
	s0 =	sadd.s32 $0x1C, s25  }
0x17: {  	s23 =	smax.u32 s10, $0x1;
	s25 =	simm.s32 $0x4;
	s3 =	simm.s32 $0x18B00  }
0x18: {  	s10 =	simm.s32 $0x0;
	[dreg:$0xd] =	wrdreg s0;
	s26 =	sadd.s32 $0xE, s18  }
0x19: {  	v0 =	vimm.f32 $0.0e+00;
	s0 =	simm.s32 $0x2;
	[dreg:$0xe] =	wrdreg s26;
	s26 =	simm.s32 $0x15F90  }
.LBB2_1:
0x1a: {  	s12 =	rddreg [dreg:$0x5]  }
0x1b: {  	[tilespmem:s24], [sflag:$0x4] =	stream.linear.gather [hbm4b:s12+s5], $0x2710, $0x38;
	[tilespmem:$0x1FB70] =	vst v63  }
0x1c: {  	_ =	swait.ge [sflag:s25], $0x2710  }
0x1d: {  	[sflag:s25] =	ssyncset.done $0x0  }
0x1e: {  	s29 =	rddreg [dreg:$0x6];
	[sflag:s25] =	ssyncadd.s32 $0xFFFFD8F0  }
0x1f: {  	[tilespmem:s26], [sflag:$0x4] =	stream.linear.gather [hbm4b:s29+s5], $0x2710, $0x38;
	[tilespmem:$0x1FB70] =	vst v63  }
0x20: {  	_ =	swait.ge [sflag:s25], $0x2710  }
0x21: {  	[sflag:s25] =	ssyncset.done $0x0  }
0x22: {  	s12 =	simm.s32 $0x18C70;
	[sflag:s25] =	ssyncadd.s32 $0xFFFFD8F0  }
0x23: {  	[tilespmem:s12+$0xFFFFFF00] =	vst v0  }
0x24: {  	[tilespmem:s12+$0xF0] =	vst v0  }
0x25: {  	[tilespmem:s12+$0xE0] =	vst v0  }
0x26: {  	[tilespmem:s12+$0xD0] =	vst v0  }
0x27: {  	[tilespmem:s12+$0xC0] =	vst v0  }
0x28: {  	[tilespmem:s12+$0xB0] =	vst v0  }
0x29: {  	[tilespmem:s12+$0xA0] =	vst v0  }
0x2a: {  	[tilespmem:s12+$0x90] =	vst v0  }
0x2b: {  	[tilespmem:s12+$0x80] =	vst v0  }
0x2c: {  	[tilespmem:s12+$0x70] =	vst v0  }
0x2d: {  	[tilespmem:s12+$0x60] =	vst v0  }
0x2e: {  	[tilespmem:s12+$0x50] =	vst v0  }
0x2f: {  	[tilespmem:s12+$0x40] =	vst v0  }
0x30: {  	[tilespmem:s12+$0x30] =	vst v0  }
0x31: {  	[tilespmem:s12+$0x20] =	vst v0  }
0x32: {  	[tilespmem:s12+$0x10] =	vst v0  }
0x33: {  	[tilespmem:s12+$0x0] =	vst v0  }
0x34: {  	[tilespmem:s12+$0xFFFFFFF0] =	vst v0  }
0x35: {  	[tilespmem:s12+$0xFFFFFFE0] =	vst v0  }
0x36: {  	[tilespmem:s12+$0xFFFFFFD0] =	vst v0  }
0x37: {  	[tilespmem:s12+$0xFFFFFFC0] =	vst v0  }
0x38: {  	[tilespmem:s12+$0xFFFFFFB0] =	vst v0  }
0x39: {  	[tilespmem:s12+$0xFFFFFFA0] =	vst v0  }
0x3a: {  	[tilespmem:s12+$0xFFFFFF90] =	vst v0  }
0x3b: {  	[tilespmem:s12+$0xFFFFFF80] =	vst v0  }
0x3c: {  	[tilespmem:s12+$0xFFFFFF70] =	vst v0  }
0x3d: {  	[tilespmem:s12+$0xFFFFFF60] =	vst v0  }
0x3e: {  	[tilespmem:s12+$0xFFFFFF50] =	vst v0  }
0x3f: {  	[tilespmem:s12+$0xFFFFFF40] =	vst v0  }
0x40: {  	[tilespmem:s12+$0xFFFFFF30] =	vst v0  }
0x41: {  	s13 =	simm.s32 $0x0;
	[tilespmem:s12+$0xFFFFFF20] =	vst v0  }
.LBB2_2:
0x42: {  	s13 =	sadd.s32 $0x4, s13;
	[tilespmem:s12+$0xFFFFFF10] =	vst v0;
	s12 =	sadd.s32 $0x200, s12  }
0x43: {  	[tilespmem:s12+$0xFFFFFF00] =	vst v0;
	p0 =	slt.u32 s13, $0x6C  }
0x44: {  	[tilespmem:s12+$0xF0] =	vst v0  }
0x45: {  	[tilespmem:s12+$0xE0] =	vst v0  }
0x46: {  	[tilespmem:s12+$0xD0] =	vst v0  }
0x47: {  	[tilespmem:s12+$0xC0] =	vst v0  }
0x48: {  	[tilespmem:s12+$0xB0] =	vst v0  }
0x49: {  	[tilespmem:s12+$0xA0] =	vst v0  }
0x4a: {  	[tilespmem:s12+$0x90] =	vst v0  }
0x4b: {  	[tilespmem:s12+$0x80] =	vst v0  }
0x4c: {  	[tilespmem:s12+$0x70] =	vst v0  }
0x4d: {  	[tilespmem:s12+$0x60] =	vst v0  }
0x4e: {  	[tilespmem:s12+$0x50] =	vst v0  }
0x4f: {  	[tilespmem:s12+$0x40] =	vst v0  }
0x50: {  	[tilespmem:s12+$0x30] =	vst v0  }
0x51: {  	[tilespmem:s12+$0x20] =	vst v0  }
0x52: {  	[tilespmem:s12+$0x10] =	vst v0  }
0x53: {  	[tilespmem:s12+$0x0] =	vst v0  }
0x54: {  	[tilespmem:s12+$0xFFFFFFF0] =	vst v0  }
0x55: {  	[tilespmem:s12+$0xFFFFFFE0] =	vst v0  }
0x56: {  	[tilespmem:s12+$0xFFFFFFD0] =	vst v0  }
0x57: {  	[tilespmem:s12+$0xFFFFFFC0] =	vst v0  }
0x58: {  	[tilespmem:s12+$0xFFFFFFB0] =	vst v0  }
0x59: {  	[tilespmem:s12+$0xFFFFFFA0] =	vst v0  }
0x5a: {  	[tilespmem:s12+$0xFFFFFF90] =	vst v0  }
0x5b: {  	[tilespmem:s12+$0xFFFFFF80] =	vst v0  }
0x5c: {  	[tilespmem:s12+$0xFFFFFF70] =	vst v0  }
.Ltmp0:
0x5d: {  	[tilespmem:s12+$0xFFFFFF60] =	vst v0;
	(pc) =	sbr.rel @p0 .LBB2_2-.Ltmp0, $4  }
0x5e: {  	[tilespmem:s12+$0xFFFFFF50] =	vst v0  }
0x5f: {  	[tilespmem:s12+$0xFFFFFF40] =	vst v0  }
0x60: {  	[tilespmem:s12+$0xFFFFFF30] =	vst v0  }
0x61: {  	[tilespmem:s12+$0xFFFFFF20] =	vst v0  }
0x62: {  	[tilespmem:s12+$0xFFFFFF10] =	vst v0  }
0x63: {  	[spmem:s11] =	stream.linear.scatter [tilespmem:s28], [sflag:$0x4], $0x3800, $0x38;
	[tilespmem:$0x1FB70] =	vst v63  }
0x64: {  	_ =	swait.ge [sflag:s25], $0x3800  }
0x65: {  	[sflag:s25] =	ssyncset.done $0x0  }
0x66: {  	s13 =	rddreg [dreg:$0x7];
	[sflag:s25] =	ssyncadd.s32 $0xFFFFC800  }
0x67: {  	[spmem:s13] =	stream.linear.scatter [tilespmem:s28], [sflag:$0x4], $0x3800, $0x38;
	[tilespmem:$0x1FB70] =	vst v63  }
0x68: {  	_ =	swait.ge [sflag:s25], $0x3800  }
0x69: {  	[sflag:s25] =	ssyncset.done $0x0  }
0x6a: {  	s14 =	rddreg [dreg:$0x8];
	[sflag:s25] =	ssyncadd.s32 $0xFFFFC800  }
0x6b: {  	[spmem:s14] =	stream.linear.scatter [tilespmem:s28], [sflag:$0x4], $0x3800, $0x38;
	[tilespmem:$0x1FB70] =	vst v63  }
0x6c: {  	_ =	swait.ge [sflag:s25], $0x3800  }
0x6d: {  	[sflag:s25] =	ssyncset.done $0x0  }
0x6e: {  	s15 =	rddreg [dreg:$0x9];
	[sflag:s25] =	ssyncadd.s32 $0xFFFFC800  }
0x6f: {  	[spmem:s15] =	stream.linear.scatter [tilespmem:s28], [sflag:$0x4], $0x3800, $0x38;
	[tilespmem:$0x1FB70] =	vst v63  }
0x70: {  	_ =	swait.ge [sflag:s25], $0x3800  }
0x71: {  	[sflag:s25] =	ssyncset.done $0x0  }
0x72: {  	s16 =	rddreg [dreg:$0xa];
	[sflag:s25] =	ssyncadd.s32 $0xFFFFC800  }
0x73: {  	[spmem:s16] =	stream.linear.scatter [tilespmem:s28], [sflag:$0x4], $0x3800, $0x38;
	[tilespmem:$0x1FB70] =	vst v63  }
0x74: {  	_ =	swait.ge [sflag:s25], $0x3800  }
0x75: {  	[sflag:s25] =	ssyncset.done $0x0  }
0x76: {  	s17 =	rddreg [dreg:$0xb];
	[sflag:s25] =	ssyncadd.s32 $0xFFFFC800  }
0x77: {  	[spmem:s17] =	stream.linear.scatter [tilespmem:s28], [sflag:$0x4], $0x2080, $0x38;
	[tilespmem:$0x1FB70] =	vst v63  }
0x78: {  	_ =	swait.ge [sflag:s25], $0x2080  }
0x79: {  	[sflag:s25] =	ssyncset.done $0x0  }
0x7a: {  	[sflag:s25] =	ssyncadd.s32 $0xFFFFDF80  }
0x7b: {  	[bflag:$0x0] =	sbarrier.arrive $0xFFFF  }
0x7c: {  	s12 =	simm.s32 $0x0;
	s14 =	simm.s32 $0x186A0;
	s13 =	rddreg [dreg:$0xc]  }
0x7d: {  	[tilespmem:s14], [sflag:$0x4] =	stream.linear.gather [hbm4b:s13+s12], $0xE0, $0x38;
	[tilespmem:$0x1FB70] =	vst v63  }
0x7e: {  	_ =	swait.ge [sflag:s25], $0xE0  }
0x7f: {  	[sflag:s25] =	ssyncset.done $0x0  }
0x80: {  	s20 =	simm.s32 $0x18940;
	[sflag:s25] =	ssyncadd.s32 $0xFFFFFF20  }
0x81: {  	[tilespmem:s20], [sflag:$0x4] =	stream.linear.gather [hbm4b:s18+s12], $0x70, $0x38;
	[tilespmem:$0x1FB70] =	vst v63  }
0x82: {  	_ =	swait.ge [sflag:s25], $0x70  }
0x83: {  	[sflag:s25] =	ssyncset.done $0x0  }
0x84: {  	s15 =	simm.s32 $0x18780;
	s21 =	rddreg [dreg:$0xd];
	[sflag:s25] =	ssyncadd.s32 $0xFFFFFF90  }
0x85: {  	[tilespmem:s15], [sflag:$0x1] =	stream.linear.gather [hbm4b:s21+s12], $0xE0, $0x38;
	[tilespmem:$0x1FB70] =	vst v63  }
0x86: {  	s29 =	simm.s32 $0x189B0;
	s22 =	rddreg [dreg:$0xe]  }
0x87: {  	[tilespmem:s29], [sflag:$0x1] =	stream.linear.gather [hbm4b:s22+s12], $0x70, $0x38;
	[tilespmem:$0x1FB70] =	vst v63  }
0x88: {  	s13 =	simm.s32 $0x0  }
0x89: {  	[tilespmem:s28], [sflag:$0x2] =	stream.indirect.gather [hbm4b:s1+s30], $0x80, s14, s30, $0xb8;
	[tilespmem:$0x1FB70] =	vst v63  }
.LBB2_4:
0x8a: {  	s14 =	smov.u32 s13;
	s13 =	sadd.s32 $0x2, s13  }
0x8b: {  	s15 =	smulhi.u32 $0xAAAAAAAB, s13  }
0x8c: {  	s16 =	smov.u32 s19;
	p0 =	slt.s32 s13, s19  }
0x8d: {  	s17 =	smulhi.u32 $0xAAAAAAAB, s14;
	s16 =	smov.u32 @p0 s13;
	s15 =	sshrl.u32 s15, $0x1  }
0x8e: {  	s16 =	sadd.s32 s9, s16;
	s15 =	smul.u32 $0x3, s15  }
0x8f: {  	s17 =	sshrl.u32 s17, $0x1;
	s20 =	smul.u32 $0x1C, s16  }
0x90: {  	s22 =	smul.u32 $0x3, s17;
	s15 =	ssub.s32 s13, s15  }
0x91: {  	s13 =	sand.u32 $0x3, s13;
	s15 =	smul.u32 $0x380, s15  }
0x92: {  	s13 =	smul.u32 $0x1C0, s13  }
0x93: {  	s16 =	smul.u32 $0xE, s16;
	s15 =	sshrl.u32 s15, $0x2  }
0x94: {  	s20 =	sadd.s32 s2, s20;
	s13 =	sshrl.u32 s13, $0x2;
	s15 =	sadd.s32 $0x186A0, s15  }
0x95: {  	[tilespmem:s15], [sflag:$0x1] =	stream.linear.gather [hbm4b:s20+s5], $0xE0, $0x38;
	[tilespmem:$0x1FB70] =	vst v63  }
0x96: {  	s16 =	sadd.s32 s6, s16;
	s13 =	sadd.s32 $0x18940, s13;
	s15 =	ssub.s32 s14, s22  }
0x97: {  	[tilespmem:s13], [sflag:$0x1] =	stream.linear.gather [hbm4b:s16+s5], $0x70, $0x38;
	[tilespmem:$0x1FB70] =	vst v63  }
0x98: {  	s15 =	smul.u32 $0x380, s15;
	s16 =	sand.u32 $0x3, s14  }
0x99: {  	s17 =	smul.u32 $0x1C0, s16  }
0x9a: {  	s20 =	sshrl.u32 s15, $0x2  }
0x9b: {  	v1 =	vld [tilespmem:s20+$0x186A0];
	s15 =	sshrl.u32 s17, $0x2  }
0x9c: {  	v2 =	vld [tilespmem:s15+$0x18940];
	_ =	sdelay $0x6  }
0x9d: {  	v1 =	vld.idx.msk [tilespmem:v1+s24+$0x0], $0xffff  }
0x9e: {  	v2 =	vld.idx.msk [tilespmem:v2+s26+$0x0], $0xffff;
	_ =	sdelay $0x4  }
0x9f: {  	v1 =	vadd.f32 v2, v1;
	_ =	sdelay $0x1  }
0xa0: {  	v1 =	vadd.f32 v1, v1;
	_ =	sdelay $0x1  }
0xa1: {  	v1 =	vmul.f32 $1.442695020e+00, v1;
	_ =	sdelay $0x1  }
0xa2: {  	(erf) = vpow2.f32 v1;
	_ =	sdelay $0x8  }
0xa3: {  	v1 =	vpop (erf)  }
0xa4: {  	v1 =	vadd.f32 $1.000000000e+00, v1;
	_ =	sdelay $0x1  }
0xa5: {  	(erf) = vrcp.f32 v1;
	_ =	sdelay $0x8  }
0xa6: {  	v1 =	vld [tilespmem:s20+$0x18710];
	v2 =	vpop (erf)  }
0xa7: {  	v2 =	vadd.f32 v2, v2;
	_ =	sdelay $0x1  }
0xa8: {  	v2 =	vsub.f32 $1.000000000e+00, v2;
	_ =	sdelay $0x1  }
0xa9: {  	v1 =	vmul.f32 v2, v1;
	_ =	sdelay $0x1  }
0xaa: {  	[tilespmem:$0x18B00] =	vst v1  }
0xab: {  	v1 =	vld [tilespmem:s20+$0x186B0]  }
0xac: {  	v2 =	vld [tilespmem:s15+$0x18950];
	_ =	sdelay $0x6  }
0xad: {  	v1 =	vld.idx.msk [tilespmem:v1+s24+$0x0], $0xffff  }
0xae: {  	v2 =	vld.idx.msk [tilespmem:v2+s26+$0x0], $0xffff;
	_ =	sdelay $0x4  }
0xaf: {  	v1 =	vadd.f32 v2, v1;
	_ =	sdelay $0x1  }
0xb0: {  	v1 =	vadd.f32 v1, v1;
	_ =	sdelay $0x1  }
0xb1: {  	v1 =	vmul.f32 $1.442695020e+00, v1;
	_ =	sdelay $0x1  }
0xb2: {  	(erf) = vpow2.f32 v1;
	_ =	sdelay $0x8  }
0xb3: {  	v1 =	vpop (erf)  }
0xb4: {  	v1 =	vadd.f32 $1.000000000e+00, v1;
	_ =	sdelay $0x1  }
0xb5: {  	(erf) = vrcp.f32 v1;
	_ =	sdelay $0x8  }
0xb6: {  	v1 =	vld [tilespmem:s20+$0x18720];
	v2 =	vpop (erf)  }
0xb7: {  	v2 =	vadd.f32 v2, v2;
	_ =	sdelay $0x1  }
0xb8: {  	v2 =	vsub.f32 $1.000000000e+00, v2;
	_ =	sdelay $0x1  }
0xb9: {  	v1 =	vmul.f32 v2, v1;
	_ =	sdelay $0x1  }
0xba: {  	[tilespmem:$0x18B10] =	vst v1  }
0xbb: {  	v1 =	vld [tilespmem:s20+$0x186C0]  }
0xbc: {  	v2 =	vld [tilespmem:s15+$0x18960];
	_ =	sdelay $0x6  }
0xbd: {  	v1 =	vld.idx.msk [tilespmem:v1+s24+$0x0], $0xffff  }
0xbe: {  	v2 =	vld.idx.msk [tilespmem:v2+s26+$0x0], $0xffff;
	_ =	sdelay $0x4  }
0xbf: {  	v1 =	vadd.f32 v2, v1;
	_ =	sdelay $0x1  }
0xc0: {  	v1 =	vadd.f32 v1, v1;
	_ =	sdelay $0x1  }
0xc1: {  	v1 =	vmul.f32 $1.442695020e+00, v1;
	_ =	sdelay $0x1  }
0xc2: {  	(erf) = vpow2.f32 v1;
	_ =	sdelay $0x8  }
0xc3: {  	v1 =	vpop (erf)  }
0xc4: {  	v1 =	vadd.f32 $1.000000000e+00, v1;
	_ =	sdelay $0x1  }
0xc5: {  	(erf) = vrcp.f32 v1;
	_ =	sdelay $0x8  }
0xc6: {  	v1 =	vld [tilespmem:s20+$0x18730];
	v2 =	vpop (erf)  }
0xc7: {  	v2 =	vadd.f32 v2, v2;
	_ =	sdelay $0x1  }
0xc8: {  	v2 =	vsub.f32 $1.000000000e+00, v2;
	_ =	sdelay $0x1  }
0xc9: {  	v1 =	vmul.f32 v2, v1;
	_ =	sdelay $0x1  }
0xca: {  	[tilespmem:$0x18B20] =	vst v1  }
0xcb: {  	v1 =	vld [tilespmem:s20+$0x186D0]  }
0xcc: {  	v2 =	vld [tilespmem:s15+$0x18970];
	_ =	sdelay $0x6  }
0xcd: {  	v1 =	vld.idx.msk [tilespmem:v1+s24+$0x0], $0xffff  }
0xce: {  	v2 =	vld.idx.msk [tilespmem:v2+s26+$0x0], $0xffff;
	_ =	sdelay $0x4  }
0xcf: {  	v1 =	vadd.f32 v2, v1;
	_ =	sdelay $0x1  }
0xd0: {  	v1 =	vadd.f32 v1, v1;
	_ =	sdelay $0x1  }
0xd1: {  	v1 =	vmul.f32 $1.442695020e+00, v1;
	_ =	sdelay $0x1  }
0xd2: {  	(erf) = vpow2.f32 v1;
	_ =	sdelay $0x8  }
0xd3: {  	v1 =	vpop (erf)  }
0xd4: {  	v1 =	vadd.f32 $1.000000000e+00, v1;
	_ =	sdelay $0x1  }
0xd5: {  	(erf) = vrcp.f32 v1;
	_ =	sdelay $0x8  }
0xd6: {  	v1 =	vld [tilespmem:s20+$0x18740];
	v2 =	vpop (erf)  }
0xd7: {  	v2 =	vadd.f32 v2, v2;
	_ =	sdelay $0x1  }
0xd8: {  	v2 =	vsub.f32 $1.000000000e+00, v2;
	_ =	sdelay $0x1  }
0xd9: {  	v1 =	vmul.f32 v2, v1;
	_ =	sdelay $0x1  }
0xda: {  	[tilespmem:$0x18B30] =	vst v1  }
0xdb: {  	v1 =	vld [tilespmem:s20+$0x186E0]  }
0xdc: {  	v2 =	vld [tilespmem:s15+$0x18980];
	_ =	sdelay $0x6  }
0xdd: {  	v1 =	vld.idx.msk [tilespmem:v1+s24+$0x0], $0xffff  }
0xde: {  	v2 =	vld.idx.msk [tilespmem:v2+s26+$0x0], $0xffff;
	_ =	sdelay $0x4  }
0xdf: {  	v1 =	vadd.f32 v2, v1;
	_ =	sdelay $0x1  }
0xe0: {  	v1 =	vadd.f32 v1, v1;
	_ =	sdelay $0x1  }
0xe1: {  	v1 =	vmul.f32 $1.442695020e+00, v1;
	_ =	sdelay $0x1  }
0xe2: {  	(erf) = vpow2.f32 v1;
	_ =	sdelay $0x8  }
0xe3: {  	v1 =	vpop (erf)  }
0xe4: {  	v1 =	vadd.f32 $1.000000000e+00, v1;
	_ =	sdelay $0x1  }
0xe5: {  	(erf) = vrcp.f32 v1;
	_ =	sdelay $0x8  }
0xe6: {  	v1 =	vld [tilespmem:s20+$0x18750];
	v2 =	vpop (erf)  }
0xe7: {  	v2 =	vadd.f32 v2, v2;
	_ =	sdelay $0x1  }
0xe8: {  	v2 =	vsub.f32 $1.000000000e+00, v2;
	_ =	sdelay $0x1  }
0xe9: {  	v1 =	vmul.f32 v2, v1;
	_ =	sdelay $0x1  }
0xea: {  	[tilespmem:$0x18B40] =	vst v1  }
0xeb: {  	v1 =	vld [tilespmem:s20+$0x186F0]  }
0xec: {  	v2 =	vld [tilespmem:s15+$0x18990];
	_ =	sdelay $0x6  }
0xed: {  	v1 =	vld.idx.msk [tilespmem:v1+s24+$0x0], $0xffff  }
0xee: {  	v2 =	vld.idx.msk [tilespmem:v2+s26+$0x0], $0xffff;
	_ =	sdelay $0x4  }
0xef: {  	v1 =	vadd.f32 v2, v1;
	_ =	sdelay $0x1  }
0xf0: {  	v1 =	vadd.f32 v1, v1;
	_ =	sdelay $0x1  }
0xf1: {  	v1 =	vmul.f32 $1.442695020e+00, v1;
	_ =	sdelay $0x1  }
0xf2: {  	(erf) = vpow2.f32 v1;
	_ =	sdelay $0x8  }
0xf3: {  	v1 =	vpop (erf)  }
0xf4: {  	v1 =	vadd.f32 $1.000000000e+00, v1;
	_ =	sdelay $0x1  }
0xf5: {  	(erf) = vrcp.f32 v1;
	_ =	sdelay $0x8  }
0xf6: {  	v1 =	vld [tilespmem:s20+$0x18760];
	v2 =	vpop (erf)  }
0xf7: {  	v2 =	vadd.f32 v2, v2;
	_ =	sdelay $0x1  }
0xf8: {  	v2 =	vsub.f32 $1.000000000e+00, v2;
	_ =	sdelay $0x1  }
0xf9: {  	v1 =	vmul.f32 v2, v1;
	_ =	sdelay $0x1  }
0xfa: {  	[tilespmem:$0x18B50] =	vst v1  }
0xfb: {  	v1 =	vld [tilespmem:s20+$0x18700]  }
0xfc: {  	v2 =	vld [tilespmem:s15+$0x189A0];
	_ =	sdelay $0x6  }
0xfd: {  	v1 =	vld.idx.msk [tilespmem:v1+s24+$0x0], $0xffff  }
0xfe: {  	v2 =	vld.idx.msk [tilespmem:v2+s26+$0x0], $0xffff;
	_ =	sdelay $0x4  }
0xff: {  	v1 =	vadd.f32 v2, v1;
	_ =	sdelay $0x1  }
0x100: {  	v1 =	vadd.f32 v1, v1;
	_ =	sdelay $0x1  }
0x101: {  	v1 =	vmul.f32 $1.442695020e+00, v1;
	_ =	sdelay $0x1  }
0x102: {  	(erf) = vpow2.f32 v1;
	_ =	sdelay $0x8  }
0x103: {  	v1 =	vpop (erf)  }
0x104: {  	v1 =	vadd.f32 $1.000000000e+00, v1;
	_ =	sdelay $0x1  }
0x105: {  	(erf) = vrcp.f32 v1;
	_ =	sdelay $0x8  }
0x106: {  	v1 =	vld [tilespmem:s20+$0x18770];
	v2 =	vpop (erf)  }
0x107: {  	v2 =	vadd.f32 v2, v2;
	_ =	sdelay $0x1  }
0x108: {  	v2 =	vsub.f32 $1.000000000e+00, v2;
	_ =	sdelay $0x1  }
0x109: {  	v1 =	vmul.f32 v2, v1  }
0x10a: {  	s13 =	sadd.s32 $0x1, s14  }
0x10b: {  	s21 =	smulhi.u32 $0xAAAAAAAB, s13;
	[tilespmem:$0x18B60] =	vst v1  }
0x10c: {  	_ =	swait.ge [sflag:s31], $0xE0  }
0x10d: {  	s16 =	sshrl.u32 s21, $0x1;
	[sflag:s31] =	ssyncset.done $0x0  }
0x10e: {  	s16 =	smul.u32 $0x3, s16;
	[sflag:s31] =	ssyncadd.s32 $0xFFFFFF20  }
0x10f: {  	p0 =	seq.s32 s14, $0x0;
	_ =	swait.ge [sflag:s31], $0x70  }
0x110: {  	s22 =	sand.u32 $0x1, s13;
	s16 =	ssub.s32 s13, s16;
	[sflag:s31] =	ssyncset.done $0x0  }
0x111: {  	s17 =	simm.s32 @!p0 $0x3;
	s16 =	smul.u32 $0x380, s16;
	[sflag:s31] =	ssyncadd.s32 $0xFFFFFF90  }
0x112: {  	s14 =	sand.u32 $0x1, s14;
	p1 =	seq.s32 s22, $0x1;
	v1 =	vmov s12;
	_ =	swait.ge @!p0 [sflag:s17], $0x3800  }
0x113: {  	s16 =	sshrl.u32 s16, $0x2;
	s20 =	simm.s32 $0x1C370;
	v1 =	vand.u32 $0xFFFFFFFC, v1;
	[sflag:s17] =	ssyncset.done @!p0 $0x0  }
0x114: {  	s16 =	sadd.s32 $0x186A0, s16;
	s20 =	simm.s32 @!p1 $0x18B70;
	v1 =	vbroadcast v1, $0x0;
	[sflag:s17] =	ssyncadd.s32 @!p0 $0xFFFFC800  }
0x115: {  	[tilespmem:s20], [sflag:$0x2] =	stream.indirect.gather [hbm4b:s1+s30], $0x80, s16, s30, $0xb8;
	[tilespmem:$0x1FB70] =	vst v63  }
0x116: {  	p0 =	seq.s32 s14, $0x1;
	s14 =	simm.s32 $0x3800;
	_ =	swait.ge [sflag:s0], $0x3800  }
0x117: {  	s14 =	simm.s32 @!p0 $0x0;
	[sflag:s0] =	ssyncset.done $0x0  }
0x118: {  	s20 =	sadd.s32 $0x18C70, s14;
	[sflag:s0] =	ssyncadd.s32 $0xFFFFC800  }
0x119: {  	v2 =	vld [tilespmem:s20+$0xFFFFFF70]  }
0x11a: {  	v1 =	vld.idx.msk [tilespmem:v1+s3+$0x0], $0xffff  }
0x11b: {  	v3 =	vld [tilespmem:s20+$0xFFFFFF00]  }
0x11c: {  	v4 =	vld [tilespmem:s20+$0xFFFFFF20]  }
0x11d: {  	v5 =	vld [tilespmem:s20+$0xFFFFFF50]  }
0x11e: {  	v6 =	vld [tilespmem:s20+$0xFFFFFF40]  }
0x11f: {  	v7 =	vld [tilespmem:s20+$0xFFFFFF60];
	v2 =	vmul.f32 v2, v1  }
0x120: {  	s21 =	simm.s32 $0x1;
	v8 =	vld [tilespmem:s20+$0xFFFFFF30];
	v3 =	vmul.f32 v3, v1  }
0x121: {  	v9 =	vld [tilespmem:s20+$0xFFFFFF10];
	v4 =	vmul.f32 v4, v1;
	[tilespmem:s20+$0xFFFFFF70] =	vst v2;
	v2 =	vmov s21  }
0x122: {  	v5 =	vmul.f32 v5, v1;
	[tilespmem:s20+$0xFFFFFF00] =	vst v3;
	v2 =	vand.u32 $0xFFFFFFFD, v2  }
0x123: {  	v3 =	vmul.f32 v6, v1;
	[tilespmem:s20+$0xFFFFFF20] =	vst v4;
	v2 =	vbroadcast v2, $0x0  }
0x124: {  	v4 =	vmul.f32 v7, v1;
	[tilespmem:s20+$0xFFFFFF50] =	vst v5  }
0x125: {  	v5 =	vmul.f32 v8, v1;
	[tilespmem:s20+$0xFFFFFF40] =	vst v3  }
0x126: {  	v1 =	vmul.f32 v9, v1;
	[tilespmem:s20+$0xFFFFFF60] =	vst v4  }
0x127: {  	[tilespmem:s20+$0xFFFFFF30] =	vst v5  }
0x128: {  	[tilespmem:s20+$0xFFFFFF10] =	vst v1;
	v1 =	vld [tilespmem:s20+$0xFFFFFF90]  }
0x129: {  	v3 =	vld.idx.msk [tilespmem:v2+s3+$0x0], $0xffff  }
0x12a: {  	v2 =	vld [tilespmem:s20+$0xFFFFFFA0]  }
0x12b: {  	v4 =	vld [tilespmem:s20+$0xFFFFFF80]  }
0x12c: {  	v5 =	vld [tilespmem:s20+$0xFFFFFFB0]  }
0x12d: {  	v6 =	vld [tilespmem:s20+$0xFFFFFFC0]  }
0x12e: {  	v7 =	vld [tilespmem:s20+$0xFFFFFFD0];
	v1 =	vmul.f32 v1, v3  }
0x12f: {  	s22 =	simm.s32 $0x2;
	v8 =	vld [tilespmem:s20+$0xFFFFFFF0];
	v2 =	vmul.f32 v2, v3  }
0x130: {  	v63 =	vld [tilespmem:s20+$0xFFFFFFE0];
	v4 =	vmul.f32 v4, v3;
	[tilespmem:s20+$0xFFFFFF90] =	vst v1;
	v1 =	vmov s22  }
0x131: {  	v5 =	vmul.f32 v5, v3;
	[tilespmem:s20+$0xFFFFFFA0] =	vst v2;
	v1 =	vand.u32 $0xFFFFFFFE, v1  }
0x132: {  	v2 =	vmul.f32 v6, v3;
	[tilespmem:s20+$0xFFFFFF80] =	vst v4;
	v6 =	vld [tilespmem:s20+$0x60];
	v10 =	vbroadcast v1, $0x0  }
0x133: {  	v4 =	vmul.f32 v7, v3;
	[tilespmem:s20+$0xFFFFFFB0] =	vst v5;
	v7 =	vld [tilespmem:s20+$0x0]  }
0x134: {  	v5 =	vmul.f32 v8, v3;
	v1 =	vld [tilespmem:s20+$0x20];
	[tilespmem:s20+$0xFFFFFFC0] =	vst v2  }
0x135: {  	v3 =	vmul.f32 v63, v3;
	v2 =	vld [tilespmem:s20+$0x30];
	[tilespmem:s20+$0xFFFFFFD0] =	vst v4  }
0x136: {  	[tilespmem:s20+$0xFFFFFFF0] =	vst v5;
	v4 =	vld [tilespmem:s20+$0x40]  }
0x137: {  	s29 =	simm.s32 $0x4;
	s15 =	sadd.s32 $0x18940, s15;
	[tilespmem:s20+$0xFFFFFFE0] =	vst v3;
	v5 =	vld [tilespmem:s20+$0x10]  }
0x138: {  	s17 =	simm.s32 $0x0;
	s16 =	sadd.s32 $0x18B70, s14;
	s14 =	smov.u32 s20;
	v3 =	vld.idx.msk [tilespmem:v10+s3+$0x0], $0xffff  }
.LBB2_5:
0x139: {  	p0 =	slt.u32 s29, $0x6C  }
0x13a: {  	v8 =	vld [tilespmem:s20+$0x50];
	s14 =	sadd.s32 $0x200, s14;
	s21 =	smov.u32 s29;
	s29 =	sadd.s32 $0x4, s29  }
0x13b: {  	v9 =	vld [tilespmem:s20+$0x70];
	_ =	sdelay $0x1  }
0x13c: {  	v6 =	vmul.f32 v6, v3;
	v7 =	vmul.f32 v7, v3  }
0x13d: {  	v4 =	vmul.f32 v4, v3;
	v5 =	vmul.f32 v5, v3  }
0x13e: {  	v1 =	vmul.f32 v1, v3;
	v2 =	vmul.f32 v2, v3;
	[tilespmem:s20+$0x60] =	vst v6  }
0x13f: {  	[tilespmem:s20+$0x40] =	vst v4;
	v4 =	vmul.f32 v8, v3;
	v3 =	vmul.f32 v9, v3  }
0x140: {  	s22 =	sadd.s32 $0x3, s17;
	s17 =	smov.u32 s21;
	[tilespmem:s20+$0x20] =	vst v1;
	v6 =	vld [tilespmem:s20+$0x80]  }
0x141: {  	v1 =	vld [tilespmem:s14+$0x20];
	[tilespmem:s20+$0x0] =	vst v7;
	v7 =	vmov s22  }
0x142: {  	[tilespmem:s20+$0x50] =	vst v4;
	v4 =	vld [tilespmem:s20+$0xE0]  }
0x143: {  	[tilespmem:s20+$0x30] =	vst v2;
	v8 =	vld [tilespmem:s20+$0xC0]  }
0x144: {  	v2 =	vld [tilespmem:s14+$0x30];
	[tilespmem:s20+$0x10] =	vst v5  }
0x145: {  	[tilespmem:s20+$0x70] =	vst v3;
	v3 =	vld [tilespmem:s20+$0xA0]  }
0x146: {  	v5 =	vld.idx.msk [tilespmem:v7+s3+$0x0], $0xffff  }
0x147: {  	v7 =	vld [tilespmem:s20+$0x90]  }
0x148: {  	v9 =	vld [tilespmem:s20+$0xB0]  }
0x149: {  	v10 =	vld [tilespmem:s20+$0xD0]  }
0x14a: {  	v11 =	vld [tilespmem:s20+$0xF0];
	_ =	sdelay $0x1  }
0x14b: {  	v6 =	vmul.f32 v6, v5;
	v7 =	vmul.f32 v7, v5  }
0x14c: {  	v3 =	vmul.f32 v3, v5;
	v9 =	vmul.f32 v9, v5  }
0x14d: {  	v12 =	vmov s17;
	[tilespmem:s20+$0x80] =	vst v6;
	v6 =	vmul.f32 v8, v5;
	v8 =	vmul.f32 v10, v5  }
0x14e: {  	v10 =	vand.u32 $0xFFFFFFFC, v12;
	[tilespmem:s20+$0xA0] =	vst v3;
	v3 =	vmul.f32 v4, v5;
	v4 =	vmul.f32 v11, v5  }
0x14f: {  	v5 =	vbroadcast v10, $0x0;
	[tilespmem:s20+$0xC0] =	vst v6  }
0x150: {  	[tilespmem:s20+$0xF0] =	vst v4  }
0x151: {  	v4 =	vld [tilespmem:s14+$0xFFFFFF40];
	[tilespmem:s20+$0xE0] =	vst v3  }
0x152: {  	v3 =	vld [tilespmem:s14+$0xFFFFFF50];
	[tilespmem:s20+$0x90] =	vst v7  }
0x153: {  	v6 =	vld [tilespmem:s14+$0xFFFFFF60];
	[tilespmem:s20+$0xB0] =	vst v9  }
0x154: {  	v7 =	vld [tilespmem:s14+$0xFFFFFF70];
	[tilespmem:s20+$0xD0] =	vst v8;
	s20 =	smov.u32 s14  }
0x155: {  	v5 =	vld.idx.msk [tilespmem:v5+s3+$0x0], $0xffff  }
0x156: {  	v8 =	vld [tilespmem:s14+$0xFFFFFF00]  }
0x157: {  	v9 =	vld [tilespmem:s14+$0xFFFFFF20]  }
0x158: {  	v10 =	vld [tilespmem:s14+$0xFFFFFF10]  }
0x159: {  	v11 =	vld [tilespmem:s14+$0xFFFFFF30];
	_ =	sdelay $0x1  }
0x15a: {  	v7 =	vmul.f32 v7, v5;
	v8 =	vmul.f32 v8, v5  }
0x15b: {  	s21 =	sadd.s32 $0x1, s17;
	v6 =	vmul.f32 v6, v5;
	v9 =	vmul.f32 v9, v5  }
0x15c: {  	v3 =	vmul.f32 v3, v5;
	v10 =	vmul.f32 v10, v5;
	[tilespmem:s14+$0xFFFFFF70] =	vst v7;
	v7 =	vmov s21  }
0x15d: {  	v4 =	vmul.f32 v4, v5;
	[tilespmem:s14+$0xFFFFFF00] =	vst v8;
	v8 =	vmul.f32 v11, v5;
	v5 =	vand.u32 $0xFFFFFFFD, v7  }
0x15e: {  	[tilespmem:s14+$0xFFFFFF20] =	vst v9;
	v5 =	vbroadcast v5, $0x0  }
0x15f: {  	[tilespmem:s14+$0xFFFFFF50] =	vst v3  }
0x160: {  	[tilespmem:s14+$0xFFFFFF40] =	vst v4;
	v3 =	vld [tilespmem:s14+$0xFFFFFFF0]  }
0x161: {  	[tilespmem:s14+$0xFFFFFF60] =	vst v6;
	v4 =	vld [tilespmem:s14+$0xFFFFFFC0]  }
0x162: {  	[tilespmem:s14+$0xFFFFFF30] =	vst v8;
	v6 =	vld [tilespmem:s14+$0xFFFFFFD0]  }
0x163: {  	[tilespmem:s14+$0xFFFFFF10] =	vst v10;
	v7 =	vld [tilespmem:s14+$0xFFFFFF90]  }
0x164: {  	v5 =	vld.idx.msk [tilespmem:v5+s3+$0x0], $0xffff  }
0x165: {  	v8 =	vld [tilespmem:s14+$0xFFFFFF80]  }
0x166: {  	v9 =	vld [tilespmem:s14+$0xFFFFFFA0]  }
0x167: {  	v10 =	vld [tilespmem:s14+$0xFFFFFFB0]  }
0x168: {  	v11 =	vld [tilespmem:s14+$0xFFFFFFE0];
	_ =	sdelay $0x1  }
0x169: {  	v7 =	vmul.f32 v7, v5;
	v8 =	vmul.f32 v8, v5  }
0x16a: {  	s21 =	sadd.s32 $0x2, s17;
	v6 =	vmul.f32 v6, v5;
	v9 =	vmul.f32 v9, v5  }
0x16b: {  	v4 =	vmul.f32 v4, v5;
	[tilespmem:s14+$0xFFFFFF90] =	vst v7;
	v7 =	vmul.f32 v10, v5;
	v10 =	vmov s21  }
0x16c: {  	v3 =	vmul.f32 v3, v5;
	[tilespmem:s14+$0xFFFFFFA0] =	vst v9;
	v9 =	vmul.f32 v11, v5;
	v5 =	vand.u32 $0xFFFFFFFE, v10  }
0x16d: {  	[tilespmem:s14+$0xFFFFFF80] =	vst v8;
	v5 =	vbroadcast v5, $0x0  }
0x16e: {  	[tilespmem:s14+$0xFFFFFFB0] =	vst v7  }
0x16f: {  	[tilespmem:s14+$0xFFFFFFC0] =	vst v4  }
0x170: {  	[tilespmem:s14+$0xFFFFFFD0] =	vst v6  }
.Ltmp1:
0x171: {  	[tilespmem:s14+$0xFFFFFFF0] =	vst v3;
	v4 =	vld [tilespmem:s14+$0x40];
	(pc) =	sbr.rel @p0 .LBB2_5-.Ltmp1, $4  }
0x172: {  	[tilespmem:s14+$0xFFFFFFE0] =	vst v9;
	v6 =	vld [tilespmem:s14+$0x60]  }
0x173: {  	v3 =	vld.idx.msk [tilespmem:v5+s3+$0x0], $0xffff  }
0x174: {  	v7 =	vld [tilespmem:s14+$0x0]  }
0x175: {  	v5 =	vld [tilespmem:s14+$0x10]  }
0x176: {  	_ =	sdelay $0x1  }
0x177: {  	v6 =	vmul.f32 v6, v3  }
0x178: {  	v8 =	vld [tilespmem:s20+$0x50];
	v4 =	vmul.f32 v4, v3  }
0x179: {  	v9 =	vld [tilespmem:s20+$0x70];
	v1 =	vmul.f32 v1, v3;
	[tilespmem:s20+$0x60] =	vst v6  }
0x17a: {  	v54 =	vmul.f32 v7, v3;
	[tilespmem:s20+$0x40] =	vst v4  }
0x17b: {  	s14 =	sadd.s32 $0x3, s17;
	[tilespmem:s20+$0x20] =	vst v1;
	v1 =	vmul.f32 v2, v3  }
0x17c: {  	v56 =	vmov s14;
	v5 =	vmul.f32 v5, v3;
	[tilespmem:s20+$0x0] =	vst v54  }
0x17d: {  	v55 =	vmul.f32 v8, v3;
	[tilespmem:s20+$0x30] =	vst v1  }
0x17e: {  	v3 =	vmul.f32 v9, v3;
	[tilespmem:s20+$0x10] =	vst v5  }
0x17f: {  	[tilespmem:s20+$0x50] =	vst v55  }
0x180: {  	v2 =	vld [tilespmem:s20+$0x80];
	[tilespmem:s20+$0x70] =	vst v3  }
0x181: {  	v1 =	vld.idx.msk [tilespmem:v56+s3+$0x0], $0xffff  }
0x182: {  	v3 =	vld [tilespmem:s20+$0xA0]  }
0x183: {  	v59 =	vld [tilespmem:s20+$0xE0]  }
0x184: {  	v57 =	vld [tilespmem:s20+$0xC0]  }
0x185: {  	v58 =	vld [tilespmem:s20+$0xF0]  }
0x186: {  	v60 =	vld [tilespmem:s20+$0x90];
	v2 =	vmul.f32 v2, v1  }
0x187: {  	v61 =	vld [tilespmem:s20+$0xB0];
	v3 =	vmul.f32 v3, v1  }
0x188: {  	v62 =	vld [tilespmem:s20+$0xD0];
	v63 =	vmul.f32 v59, v1;
	[tilespmem:s20+$0x80] =	vst v2  }
0x189: {  	v2 =	vmul.f32 v57, v1;
	[tilespmem:s20+$0xA0] =	vst v3  }
0x18a: {  	v3 =	vmul.f32 v58, v1;
	[tilespmem:s20+$0xE0] =	vst v63  }
0x18b: {  	p0 =	sne.s32 s13, s8;
	[tilespmem:s20+$0xC0] =	vst v2;
	v2 =	vmul.f32 v60, v1  }
.Ltmp2:
0x18c: {  	[tilespmem:s20+$0xF0] =	vst v3;
	v3 =	vmul.f32 v61, v1;
	(pc) =	sbr.rel @p0 .LBB2_4-.Ltmp2, $4  }
0x18d: {  	v1 =	vmul.f32 v62, v1;
	[tilespmem:s20+$0x90] =	vst v2  }
0x18e: {  	[tilespmem:s20+$0xB0] =	vst v3  }
0x18f: {  	[tilespmem:s20+$0xD0] =	vst v1  }
0x190: {  	[spmem:s4] =	stream.indirect.scatter.add.f32 [tilespmem:s16], [sflag:$0x3], $0x80, s15, s30, $0xb8;
	[tilespmem:$0x1FB70] =	vst v63  }
0x191: {  	_ =	swait.ge [sflag:s7], $0x3800  }
0x192: {  	[sflag:s7] =	ssyncset.done $0x0  }
0x193: {  	[sflag:s7] =	ssyncadd.s32 $0xFFFFC800  }
0x194: {  	_ =	swait.ge [sflag:s0], $0x3800  }
0x195: {  	[sflag:s0] =	ssyncset.done $0x0  }
0x196: {  	[sflag:s0] =	ssyncadd.s32 $0xFFFFC800  }
0x197: {  	_ =	swait.ge [sflag:s31], $0xE0  }
0x198: {  	[sflag:s31] =	ssyncset.done $0x0  }
0x199: {  	[sflag:s31] =	ssyncadd.s32 $0xFFFFFF20  }
0x19a: {  	_ =	swait.ge [sflag:s31], $0x70  }
0x19b: {  	s12 =	stileid.u32;
	[sflag:s31] =	ssyncset.done $0x0  }
0x19c: {  	s13 =	sshrl.u32 s11, $0x3;
	s10 =	sadd.s32 $0x1, s10;
	[sflag:s31] =	ssyncadd.s32 $0xFFFFFF90  }
0x19d: {  	s12 =	sshll.u32 s12, $0x6;
	p0 =	sne.s32 s10, s23;
	[bflag:$0x0] =	sbarrier.arrive $0xFFFF  }
.Ltmp3:
0x19e: {  	s12 =	sor.u32 $0x1C04, s12;
	s14 =	rddreg [dreg:$0xf];
	(pc) =	sbr.rel @p0 .LBB2_1-.Ltmp3, $4  }
0x19f: {  	[hbm:s14], [sflag:s12] =	dma.local [spmem:s13], $0x2710  }
0x1a0: {  	_ =	swait.ge [sflag:s25], $0x2710  }
0x1a1: {  	[sflag:s25] =	ssyncset.done $0x0  }
0x1a2: {  	[sflag:s25] =	ssyncadd.s32 $0xFFFFD8F0  }
0x1a3: {  	_ =	sfence.sel $0x180000  }
0x1a4: {  	[bflag:$0x0] =	sbarrier.arrive $0xFFFF  }
0x1a5: {  	_ =	strace $0x90000047  }
0x1a6: {  	s0 =	stileid.u32;
	[bflag:$0x2] =	sbarrier.arrive $0xFFFF  }
0x1a7: {  	p0 =	sne.s32 s0, $0x0;
	s0 =	rddreg [dreg:$0x4]  }
0x1a8: {  	s0 =	sadd.s32 @!p0 $0x100000, s0  }
0x1a9: {  	[sflag:s0] =	ssyncadd.tile.s32 @!p0 $0x1;
	_ =	shalt  }
.Lfunc_end2:
_tile_overlayer_lowered:
.L_overlay_start_2:
0x1aa: {  	(tag) =	ssettag $0x2  }
0x1ab: {  	s0 =	rddreg [dreg:$0x0];
	s2 =	stileid.u32  }
0x1ac: {  	s1 =	rddreg [dreg:$0x1];
	p0 =	sne.s32 s2, $0x0  }
0x1ad: {  	s3 =	rddreg [dreg:$0x2];
	[bflag:$0x3] =	sbarrier.arrive $0xFFFF;
	s2 =	simm.s32 @!p0 $0x1C04  }
0x1ae: {  	[timem:s3], [sflag:s2] =	dma.local @!p0 [hbm:s0], s1  }
0x1af: {  	s0 =	simm.s32 @!p0 $0x4  }
0x1b0: {  	_ =	swait.ge @!p0 [sflag:s0], s1  }
0x1b1: {  	s1 =	ssub.s32 @!p0 $0x0, s1;
	[sflag:s0] =	ssyncset.done @!p0 $0x0  }
0x1b2: {  	[sflag:s0] =	ssyncadd.s32 @!p0 s1  }
0x1b3: {  	[bflag:$0x3] =	sbarrier.arrive $0xFFFF  }
0x1b4: {  	_ =	shalt  }

</sc_bundles>
